<compile_context>
chip_gen: v7x
topology: tpu7x:2x2x1
jax: 0.10.2.dev20260603
libtpu: 0.0.44.dev20260713+nightly
codegen_flags: <defaults>
</compile_context>

<pallas_src>
import functools

import jax
import jax.numpy as jnp
from jax import lax
from jax.experimental import pallas as pl
from jax.experimental.pallas import tpu as pltpu
from jax.experimental.pallas import tpu_sc as plsc

NC = 2
NS = 16
NW = NC * NS
K = 125
NBUF = 4


def _mesh():
    return plsc.VectorSubcoreMesh(
        core_axis_name="c", subcore_axis_name="s",
        num_cores=NC, num_subcores=NS)


def _pad_n(n):
    return ((n + 8 * NS - 1) // (8 * NS)) * (8 * NS)


def _sc_degree(col3, n):
    nch = col3.shape[1]
    np_ = _pad_n(n)
    stripe = np_ // NS

    @functools.partial(
        pl.kernel,
        out_type=jax.ShapeDtypeStruct((NC, np_, 16), jnp.float32),
        mesh=_mesh(),
        compiler_params=pltpu.CompilerParams(use_tc_tiling_on_sc=False),
        scratch_types=[
            pltpu.VMEM((nch, K), jnp.int32),
            pltpu.VMEM((K, 16), jnp.float32),
            pltpu.VMEM_SHARED((np_, 16), jnp.float32),
            [pltpu.SemaphoreType.DMA] * NBUF,
        ],
    )
    def deg_kernel(col_hbm, ones_hbm, zeros_hbm, out_hbm, cidx, ones_v, acc,
                   sems):
        cid = lax.axis_index("c")
        sid = lax.axis_index("s")
        wid = sid * NC + cid
        pltpu.sync_copy(zeros_hbm.at[pl.ds(sid * stripe, stripe)],
                        acc.at[pl.ds(sid * stripe, stripe)])
        pltpu.sync_copy(ones_hbm, ones_v)
        pltpu.sync_copy(col_hbm.at[wid], cidx)
        plsc.subcore_barrier()

        def scat(j, b):
            return pltpu.make_async_copy(ones_v, acc.at[cidx.at[j]], sems[b])

        @pl.loop(0, nch, step=NBUF)
        def _(q):
            for b in range(NBUF):
                @pl.when(q > 0)
                def _():
                    scat(q - NBUF + b, b).wait()
                scat(q + b, b).start(add=True)

        for b in range(NBUF):
            scat(nch - NBUF + b, b).wait()
        plsc.subcore_barrier()
        pltpu.sync_copy(acc.at[pl.ds(sid * stripe, stripe)],
                        out_hbm.at[cid].at[pl.ds(sid * stripe, stripe)])

    return deg_kernel(col3, jnp.ones((K, 16), jnp.float32),
                      jnp.zeros((np_, 16), jnp.float32))


def _sc_scatter(row2, col2, table2, zeros_h):
    _, np_, dh = table2.shape
    d = dh * NC
    nch = row2.shape[1]
    stripe = np_ // NS

    @functools.partial(
        pl.kernel,
        out_type=jax.ShapeDtypeStruct((np_, d), jnp.float32),
        mesh=_mesh(),
        compiler_params=pltpu.CompilerParams(use_tc_tiling_on_sc=False),
        scratch_types=[
            pltpu.VMEM((nch, K), jnp.int32),
            pltpu.VMEM((nch, K), jnp.int32),
            pltpu.VMEM((NBUF, K, dh), jnp.float32),
            pltpu.VMEM_SHARED((np_, dh), jnp.float32),
            [pltpu.SemaphoreType.DMA] * NBUF,
            [pltpu.SemaphoreType.DMA] * NBUF,
        ],
    )
    def edge_kernel(row_hbm, col_hbm, table_hbm, zeros_hbm, out_hbm,
                    ridx, cidx, rows, acc, sem_g, sem_s):
        cid = lax.axis_index("c")
        sid = lax.axis_index("s")
        sl = pl.ds(sid * stripe, stripe)
        half = pl.ds(cid * dh, dh)
        pltpu.sync_copy(row_hbm.at[sid], ridx)
        pltpu.sync_copy(col_hbm.at[sid], cidx)
        pltpu.sync_copy(zeros_hbm.at[sl], acc.at[sl])
        plsc.subcore_barrier()

        def gat(j, b):
            return pltpu.make_async_copy(table_hbm.at[cid].at[ridx.at[j]],
                                         rows.at[b], sem_g[b])

        def scat(j, b):
            return pltpu.make_async_copy(rows.at[b], acc.at[cidx.at[j]],
                                         sem_s[b])

        @pl.loop(0, nch, step=NBUF)
        def _(q):
            for b in range(NBUF):
                c = q + b

                @pl.when(q > 0)
                def _():
                    scat(c - NBUF, b).wait()
                gat(c, b).start()

                b2 = (b + 2) % NBUF
                if b >= 2:
                    gat(c - 2, b2).wait()
                    scat(c - 2, b2).start(add=True)
                else:
                    @pl.when(q > 0)
                    def _():
                        gat(c - 2, b2).wait()
                        scat(c - 2, b2).start(add=True)

        for c in (nch - 2, nch - 1):
            b = c % NBUF
            gat(c, b).wait()
            scat(c, b).start(add=True)
        for c in range(nch - NBUF, nch):
            scat(c, c % NBUF).wait()
        plsc.subcore_barrier()
        pltpu.sync_copy(acc.at[sl], out_hbm.at[sl, half])

    return edge_kernel(row2, col2, table2, zeros_h)


def _tc_prep(degp, x, w0):
    n = x.shape[0]
    d = w0.shape[1]
    np_ = degp.shape[1]
    blk = np_ // 8
    grid = (np_ // blk,)

    def body(dp_ref, x_ref, w_ref, dis_ref, t2_ref):
        deg1 = 1.0 + dp_ref[0, :, :1] + dp_ref[1, :, :1]
        dis1 = lax.rsqrt(deg1)
        dis_ref[...] = dis1
        res = jnp.dot(x_ref[...], w_ref[...],
                      preferred_element_type=jnp.float32) * dis1
        t2_ref[0] = res[:, :d // 2]
        t2_ref[1] = res[:, d // 2:]

    dis, t2 = pl.pallas_call(
        body,
        grid=grid,
        in_specs=[
            pl.BlockSpec((2, blk, 16), lambda i: (0, i, 0)),
            pl.BlockSpec((blk, x.shape[1]), lambda i: (i, 0)),
            pl.BlockSpec(w0.shape, lambda i: (0, 0)),
        ],
        out_specs=[
            pl.BlockSpec((blk, 1), lambda i: (i, 0)),
            pl.BlockSpec((2, blk, d // 2), lambda i: (0, i, 0)),
        ],
        out_shape=[jax.ShapeDtypeStruct((np_, 1), jnp.float32),
                   jax.ShapeDtypeStruct((2, np_, d // 2), jnp.float32)],
    )(degp, _pad_rows(x, np_), w0)
    return dis, t2


def _pad_rows(a, np_):
    n = a.shape[0]
    if n == np_:
        return a
    return jnp.pad(a, ((0, np_ - n), (0, 0)))


def _tc_layer(p, t2_prev, dis, b, w_next):
    np_, d = p.shape
    dh = d // 2
    blk = np_ // 8
    grid = (np_ // blk,)

    def body(p_ref, t2p_ref, dis_ref, b_ref, w_ref, o_ref):
        dis1 = dis_ref[...]
        hwp = jnp.concatenate([t2p_ref[0], t2p_ref[1]], axis=1)
        h = jnp.maximum((p_ref[...] + hwp) * dis1 + b_ref[...], 0.0)
        hw = jnp.dot(h, w_ref[...], preferred_element_type=jnp.float32)
        res = hw * dis1
        o_ref[0] = res[:, :dh]
        o_ref[1] = res[:, dh:]

    return pl.pallas_call(
        body,
        grid=grid,
        in_specs=[
            pl.BlockSpec((blk, d), lambda i: (i, 0)),
            pl.BlockSpec((2, blk, dh), lambda i: (0, i, 0)),
            pl.BlockSpec((blk, 1), lambda i: (i, 0)),
            pl.BlockSpec((1, d), lambda i: (0, 0)),
            pl.BlockSpec(w_next.shape, lambda i: (0, 0)),
        ],
        out_specs=pl.BlockSpec((2, blk, dh), lambda i: (0, i, 0)),
        out_shape=jax.ShapeDtypeStruct((2, np_, dh), jnp.float32),
    )(p, t2_prev, dis, b, w_next)


def _tc_head(p, t2_prev, dis, b2, wo1, bo1, gamma, beta, wo2, bo2, n):
    np_, d = p.shape
    do = wo2.shape[1]
    inv_bn = (1.0 + 1e-5) ** -0.5
    blk = n // 10
    grid = (n // blk,)

    def body(p_ref, t2p_ref, dis_ref, b2_ref, w1_ref, b1_ref, g_ref, be_ref,
             w2_ref, bo2_ref, o_ref):
        dis1 = dis_ref[...]
        hwp = jnp.concatenate([t2p_ref[0], t2p_ref[1]], axis=1)
        h = jnp.maximum((p_ref[...] + hwp) * dis1 + b2_ref[...], 0.0)
        t = jnp.dot(h, w1_ref[...], preferred_element_type=jnp.float32)
        t = t + b1_ref[...]
        t = t * (g_ref[...] * inv_bn) + be_ref[...]
        t = jnp.maximum(t, 0.0)
        o = jnp.dot(t, w2_ref[...], preferred_element_type=jnp.float32)
        o_ref[...] = o + bo2_ref[...]

    return pl.pallas_call(
        body,
        grid=grid,
        in_specs=[
            pl.BlockSpec((blk, d), lambda i: (i, 0)),
            pl.BlockSpec((2, blk, d // 2), lambda i: (0, i, 0)),
            pl.BlockSpec((blk, 1), lambda i: (i, 0)),
            pl.BlockSpec((1, d), lambda i: (0, 0)),
            pl.BlockSpec(wo1.shape, lambda i: (0, 0)),
            pl.BlockSpec((1, d), lambda i: (0, 0)),
            pl.BlockSpec((1, d), lambda i: (0, 0)),
            pl.BlockSpec((1, d), lambda i: (0, 0)),
            pl.BlockSpec(wo2.shape, lambda i: (0, 0)),
            pl.BlockSpec((1, do), lambda i: (0, 0)),
        ],
        out_specs=pl.BlockSpec((blk, do), lambda i: (i, 0)),
        out_shape=jax.ShapeDtypeStruct((n, do), jnp.float32),
    )(p, t2_prev, dis, b2, wo1, bo1, gamma, beta, wo2, bo2)


def kernel(x, edge_index, W0, b0, W1, b1, W2, b2, Wo1, bo1, gamma, beta,
           Wo2, bo2):
    n, d = x.shape
    e = edge_index.shape[1]
    np_ = _pad_n(n)
    nch_deg = e // (NW * K)
    nch = e // (NS * K)
    row2 = edge_index[0].reshape(NS, nch, K)
    col2 = edge_index[1].reshape(NS, nch, K)
    col3 = edge_index[1].reshape(NW, nch_deg, K)
    b0r = b0.reshape(1, -1)
    b1r = b1.reshape(1, -1)
    b2r = b2.reshape(1, -1)
    bo1r = bo1.reshape(1, -1)
    gr = gamma.reshape(1, -1)
    ber = beta.reshape(1, -1)
    bo2r = bo2.reshape(1, -1)
    zeros_h = jnp.zeros((np_, d // NC), jnp.float32)

    degp = _sc_degree(col3, n)
    dis, t2_0 = _tc_prep(degp, x, W0)

    p0 = _sc_scatter(row2, col2, t2_0, zeros_h)
    t2_1 = _tc_layer(p0, t2_0, dis, b0r, W1)
    p1 = _sc_scatter(row2, col2, t2_1, zeros_h)
    t2_2 = _tc_layer(p1, t2_1, dis, b1r, W2)
    p2 = _sc_scatter(row2, col2, t2_2, zeros_h)
    return _tc_head(p2, t2_2, dis, b2r, Wo1, bo1r, gr, ber, Wo2, bo2r, n)

# --- scband reference (transcript-rebuilt; emitter-appended) ---
"""Pipeline reference for scband-gcn-85529978733009 (READ-ONLY COPY).

The authoritative reference and input builder live on the scoring server;
editing this copy changes nothing except your own understanding.
"""

import jax, jax.numpy as jnp
import numpy as np

N = 10000
E = 320000
D = 128
H = 128
O = 128


def setup_inputs(seed: int = 0) -> dict:
    key = jax.random.key(seed)
    ks = jax.random.split(key, 16)
    x = jax.random.normal(ks[0], (N, D), dtype=jnp.float32)
    edge_index = jax.random.randint(ks[1], (2, E), 0, N, dtype=jnp.int32)
    def lin(k, fi, fo):
        return jax.random.normal(k, (fi, fo), dtype=jnp.float32) * (1.0 / np.sqrt(fi))
    inp = {
        'x': x,
        'edge_index': edge_index,
        'W0': lin(ks[2], D, H), 'b0': jnp.zeros((H,), jnp.float32),
        'W1': lin(ks[3], H, H), 'b1': jnp.zeros((H,), jnp.float32),
        'W2': lin(ks[4], H, H), 'b2': jnp.zeros((H,), jnp.float32),
        'Wo1': lin(ks[5], H, H), 'bo1': jnp.zeros((H,), jnp.float32),
        'gamma': jnp.ones((H,), jnp.float32), 'beta': jnp.zeros((H,), jnp.float32),
        'Wo2': lin(ks[6], H, O), 'bo2': jnp.zeros((O,), jnp.float32),
    }
    return inp


def reference(x, edge_index, W0, b0, W1, b1, W2, b2, Wo1, bo1, gamma, beta, Wo2, bo2):
    n = x.shape[0]
    # GCNConv(normalize=True) adds self-loops internally during gcn_norm
    loop = jnp.arange(n, dtype=edge_index.dtype)
    ei = jnp.concatenate([edge_index, jnp.stack([loop, loop], axis=0)], axis=1)
    row, col = ei[0], ei[1]
    ew = jnp.ones((ei.shape[1],), dtype=x.dtype)
    deg = jnp.zeros((n,), x.dtype).at[col].add(ew)
    dis = jnp.where(deg > 0, 1.0 / jnp.sqrt(deg), 0.0)
    norm = dis[row] * ew * dis[col]

    h = x
    for W, b in ((W0, b0), (W1, b1), (W2, b2)):
        hw = h @ W
        msg = norm[:, None] * jnp.take(hw, row, axis=0)
        out = jnp.zeros((n, hw.shape[1]), x.dtype).at[col].add(msg) + b
        h = jax.nn.relu(out)  # dropout is identity in eval mode

    # out_linear: Linear -> BatchNorm1d (eval: running stats mean=0, var=1) -> ReLU -> Linear
    h = h @ Wo1 + bo1
    h = (h / jnp.sqrt(1.0 + 1e-5)) * gamma + beta
    h = jax.nn.relu(h)
    h = h @ Wo2 + bo2
    return h

if __name__ == "__main__":
    import jax
    _d = setup_inputs()
    print(jax.jit(kernel)(*tuple(_d.values())))

</pallas_src>

<mosaic_0001>
#map = affine_map<(d0, d1) -> (0, 0, 0)>
#map1 = affine_map<(d0, d1) -> (0, 0)>
module attributes {stable_mosaic.version = 14 : i64} {
  func.func @deg_kernel(%arg0: i32, %arg1: i32, %arg2: memref<32x80x125xi32, #tpu.memory_space<hbm>>, %arg3: memref<125x16xf32, #tpu.memory_space<hbm>>, %arg4: memref<10112x16xf32, #tpu.memory_space<hbm>>, %arg5: memref<2x10112x16xf32, #tpu.memory_space<hbm>>, %arg6: memref<80x125xi32, #tpu.memory_space<vmem>>, %arg7: memref<125x16xf32, #tpu.memory_space<vmem>>, %arg8: memref<10112x16xf32, #tpu.memory_space<vmem_shared>>, %arg9: memref<!tpu.dma_semaphore, #tpu.memory_space<semaphore_mem>>, %arg10: memref<!tpu.dma_semaphore, #tpu.memory_space<semaphore_mem>>, %arg11: memref<!tpu.dma_semaphore, #tpu.memory_space<semaphore_mem>>, %arg12: memref<!tpu.dma_semaphore, #tpu.memory_space<semaphore_mem>>) attributes {dimension_semantics = [#tpu.dimension_semantics<core_parallel>, #tpu.dimension_semantics<subcore_parallel>], iteration_bounds = array<i64: 2, 16>, scalar_prefetch = 0 : i64, scratch_operands = 7 : i64, tpu.core_type = #tpu.core_type<sc_vector_subcore>, window_params = [{transform_indices = #map}, {transform_indices = #map1}, {transform_indices = #map1}, {transform_indices = #map}]} {
    %mul3A = arith.constant 2 : i32
    %mul3A_0 = arith.muli %arg1, %mul3A : i32
    %add3A = arith.addi %mul3A_0, %arg0 : i32
    %mul3A_1 = arith.constant 632 : i32
    %mul3A_2 = arith.muli %arg1, %mul3A_1 : i32
    %mul3A_3 = arith.constant 632 : i32
    %mul3A_4 = arith.muli %arg1, %mul3A_3 : i32
    "tpu.region"() ({
      %run_scoped3A = tpu.sem_alloc : memref<!tpu.dma_semaphore, #tpu.memory_space<semaphore_mem>>
      %dma_start3A = arith.constant 0 : i32
      %dma_start3A_41 = tpu.memref_slice %arg8[%mul3A_4, %dma_start3A] : memref<10112x16xf32, #tpu.memory_space<vmem_shared>> -> memref<632x16xf32, #tpu.memory_space<vmem_shared>>
      %dma_start3A_42 = arith.constant 0 : i32
      %dma_start3A_43 = tpu.memref_slice %arg4[%mul3A_2, %dma_start3A_42] : memref<10112x16xf32, #tpu.memory_space<hbm>> -> memref<632x16xf32, #tpu.memory_space<hbm>>
      tpu.enqueue_dma source(%dma_start3A_43 : memref<632x16xf32, #tpu.memory_space<hbm>>) target(%dma_start3A_41 : memref<632x16xf32, #tpu.memory_space<vmem_shared>>) target_semaphore(%run_scoped3A : memref<!tpu.dma_semaphore, #tpu.memory_space<semaphore_mem>>)
      %dma_wait3A_44 = arith.constant 0 : i32
      %dma_wait3A_45 = tpu.memref_slice %arg8[%mul3A_4, %dma_wait3A_44] : memref<10112x16xf32, #tpu.memory_space<vmem_shared>> -> memref<632x16xf32, #tpu.memory_space<vmem_shared>>
      %dma_wait3A_46 = arith.constant 0 : i32
      %dma_wait3A_47 = tpu.memref_slice %arg4[%mul3A_2, %dma_wait3A_46] : memref<10112x16xf32, #tpu.memory_space<hbm>> -> memref<632x16xf32, #tpu.memory_space<hbm>>
      tpu.wait_dma2 semaphore(%run_scoped3A : memref<!tpu.dma_semaphore, #tpu.memory_space<semaphore_mem>>) src(%dma_wait3A_47 : memref<632x16xf32, #tpu.memory_space<hbm>>) dst(%dma_wait3A_45 : memref<632x16xf32, #tpu.memory_space<vmem_shared>>)
      tpu.yield
    }) : () -> ()
    "tpu.region"() ({
      %run_scoped3A = tpu.sem_alloc : memref<!tpu.dma_semaphore, #tpu.memory_space<semaphore_mem>>
      tpu.enqueue_dma source(%arg3 : memref<125x16xf32, #tpu.memory_space<hbm>>) target(%arg7 : memref<125x16xf32, #tpu.memory_space<vmem>>) target_semaphore(%run_scoped3A : memref<!tpu.dma_semaphore, #tpu.memory_space<semaphore_mem>>)
      tpu.wait_dma2 semaphore(%run_scoped3A : memref<!tpu.dma_semaphore, #tpu.memory_space<semaphore_mem>>) src(%arg3 : memref<125x16xf32, #tpu.memory_space<hbm>>) dst(%arg7 : memref<125x16xf32, #tpu.memory_space<vmem>>)
      tpu.yield
    }) : () -> ()
    "tpu.region"() ({
      %run_scoped3A = tpu.sem_alloc : memref<!tpu.dma_semaphore, #tpu.memory_space<semaphore_mem>>
      %dma_start3A = arith.constant 0 : i32
      %dma_start3A_41 = arith.constant 0 : i32
      %dma_start3A_42 = tpu.memref_slice %arg2[%add3A, %dma_start3A, %dma_start3A_41] : memref<32x80x125xi32, #tpu.memory_space<hbm>> -> memref<1x80x125xi32, #tpu.memory_space<hbm>>
      %dma_start3A_43 = tpu.memref_squeeze %dma_start3A_42 : memref<1x80x125xi32, #tpu.memory_space<hbm>> -> memref<80x125xi32, #tpu.memory_space<hbm>>
      %dma_start3A_44 = arith.constant 0 : i32
      %dma_start3A_45 = arith.constant 0 : i32
      %dma_start3A_46 = tpu.memref_slice %arg2[%add3A, %dma_start3A_44, %dma_start3A_45] : memref<32x80x125xi32, #tpu.memory_space<hbm>> -> memref<1x80x125xi32, #tpu.memory_space<hbm>>
      %dma_start3A_47 = tpu.memref_squeeze %dma_start3A_46 : memref<1x80x125xi32, #tpu.memory_space<hbm>> -> memref<80x125xi32, #tpu.memory_space<hbm>>
      tpu.enqueue_dma source(%dma_start3A_47 : memref<80x125xi32, #tpu.memory_space<hbm>>) target(%arg6 : memref<80x125xi32, #tpu.memory_space<vmem>>) target_semaphore(%run_scoped3A : memref<!tpu.dma_semaphore, #tpu.memory_space<semaphore_mem>>)
      %dma_wait3A_48 = arith.constant 0 : i32
      %dma_wait3A_49 = arith.constant 0 : i32
      %dma_wait3A_50 = tpu.memref_slice %arg2[%add3A, %dma_wait3A_48, %dma_wait3A_49] : memref<32x80x125xi32, #tpu.memory_space<hbm>> -> memref<1x80x125xi32, #tpu.memory_space<hbm>>
      %dma_wait3A_51 = tpu.memref_squeeze %dma_wait3A_50 : memref<1x80x125xi32, #tpu.memory_space<hbm>> -> memref<80x125xi32, #tpu.memory_space<hbm>>
      %dma_wait3A_52 = arith.constant 0 : i32
      %dma_wait3A_53 = arith.constant 0 : i32
      %dma_wait3A_54 = tpu.memref_slice %arg2[%add3A, %dma_wait3A_52, %dma_wait3A_53] : memref<32x80x125xi32, #tpu.memory_space<hbm>> -> memref<1x80x125xi32, #tpu.memory_space<hbm>>
      %dma_wait3A_55 = tpu.memref_squeeze %dma_wait3A_54 : memref<1x80x125xi32, #tpu.memory_space<hbm>> -> memref<80x125xi32, #tpu.memory_space<hbm>>
      tpu.wait_dma2 semaphore(%run_scoped3A : memref<!tpu.dma_semaphore, #tpu.memory_space<semaphore_mem>>) src(%dma_wait3A_55 : memref<80x125xi32, #tpu.memory_space<hbm>>) dst(%arg6 : memref<80x125xi32, #tpu.memory_space<vmem>>)
      tpu.yield
    }) : () -> ()
    %barrier3A = arith.constant 0 : index
    tpu.barrier barrier_id(%barrier3A)
    %scan3A = arith.constant 0 : i32
    %scan3A_5 = arith.constant 20 : i32
    %scan3A_6 = arith.addi %scan3A, %scan3A_5 : i32
    %scan3A_7 = arith.constant 1 : i32
    scf.for %scan3A_41 = %scan3A to %scan3A_6 step %scan3A_7  : i32 {
      %mul3A_42 = arith.constant 4 : i32
      %mul3A_43 = arith.muli %scan3A_41, %mul3A_42 : i32
      %add3A_44 = arith.constant 0 : i32
      %add3A_45 = arith.addi %add3A_44, %mul3A_43 : i32
      %gt3A = arith.constant 0 : i32
      %gt3A_46 = arith.cmpi sgt, %add3A_45, %gt3A : i32
      %convert_element_type3A = arith.extui %gt3A_46 : i1 to i32
      %cond3A = arith.constant 0 : i32
      %cond3A_47 = arith.cmpi ne, %convert_element_type3A, %cond3A : i32
      scf.if %cond3A_47 {
        %sub3A = arith.constant 4 : i32
        %sub3A_94 = arith.subi %add3A_45, %sub3A : i32
        %add3A_95 = arith.constant 0 : i32
        %add3A_96 = arith.addi %sub3A_94, %add3A_95 : i32
        %dma_wait3A_97 = arith.constant 0 : i32
        %dma_wait3A_98 = tpu.memref_slice %arg6[%add3A_96, %dma_wait3A_97] : memref<80x125xi32, #tpu.memory_space<vmem>> -> memref<1x125xi32, #tpu.memory_space<vmem>>
        %dma_wait3A_99 = tpu.memref_squeeze %dma_wait3A_98 : memref<1x125xi32, #tpu.memory_space<vmem>> -> memref<125xi32, #tpu.memory_space<vmem>>
        %dma_wait3A_100 = arith.constant 0 : i32
        %dma_wait3A_101 = arith.constant 0 : i32
        %dma_wait3A_102 = tpu.memref_slice %arg8[%dma_wait3A_100, %dma_wait3A_101] : memref<10112x16xf32, #tpu.memory_space<vmem_shared>> -> memref<10112x16xf32, #tpu.memory_space<vmem_shared>>
        tpu.wait_indirect_dma semaphore(%arg9 : memref<!tpu.dma_semaphore, #tpu.memory_space<semaphore_mem>>) src(%arg7 : memref<125x16xf32, #tpu.memory_space<vmem>>) dst(%dma_wait3A_102 : memref<10112x16xf32, #tpu.memory_space<vmem_shared>>)
      } else {
      }
      %add3A_48 = arith.constant 0 : i32
      %add3A_49 = arith.addi %add3A_45, %add3A_48 : i32
      %dma_start3A = arith.constant 0 : i32
      %dma_start3A_50 = tpu.memref_slice %arg6[%add3A_49, %dma_start3A] : memref<80x125xi32, #tpu.memory_space<vmem>> -> memref<1x125xi32, #tpu.memory_space<vmem>>
      %dma_start3A_51 = tpu.memref_squeeze %dma_start3A_50 : memref<1x125xi32, #tpu.memory_space<vmem>> -> memref<125xi32, #tpu.memory_space<vmem>>
      %dma_start3A_52 = arith.constant 0 : i32
      %dma_start3A_53 = arith.constant 0 : i32
      %dma_start3A_54 = tpu.memref_slice %arg8[%dma_start3A_52, %dma_start3A_53] : memref<10112x16xf32, #tpu.memory_space<vmem_shared>> -> memref<10112x16xf32, #tpu.memory_space<vmem_shared>>
      tpu.enqueue_indirect_dma source(%arg7 : memref<125x16xf32, #tpu.memory_space<vmem>>) target(%dma_start3A_54 : memref<10112x16xf32, #tpu.memory_space<vmem_shared>>) offsets(%dma_start3A_51 : memref<125xi32, #tpu.memory_space<vmem>>) semaphore(%arg9 : memref<!tpu.dma_semaphore, #tpu.memory_space<semaphore_mem>>) {add = true}
      %gt3A_55 = arith.constant 0 : i32
      %gt3A_56 = arith.cmpi sgt, %add3A_45, %gt3A_55 : i32
      %convert_element_type3A_57 = arith.extui %gt3A_56 : i1 to i32
      %cond3A_58 = arith.constant 0 : i32
      %cond3A_59 = arith.cmpi ne, %convert_element_type3A_57, %cond3A_58 : i32
      scf.if %cond3A_59 {
        %sub3A = arith.constant 4 : i32
        %sub3A_94 = arith.subi %add3A_45, %sub3A : i32
        %add3A_95 = arith.constant 1 : i32
        %add3A_96 = arith.addi %sub3A_94, %add3A_95 : i32
        %dma_wait3A_97 = arith.constant 0 : i32
        %dma_wait3A_98 = tpu.memref_slice %arg6[%add3A_96, %dma_wait3A_97] : memref<80x125xi32, #tpu.memory_space<vmem>> -> memref<1x125xi32, #tpu.memory_space<vmem>>
        %dma_wait3A_99 = tpu.memref_squeeze %dma_wait3A_98 : memref<1x125xi32, #tpu.memory_space<vmem>> -> memref<125xi32, #tpu.memory_space<vmem>>
        %dma_wait3A_100 = arith.constant 0 : i32
        %dma_wait3A_101 = arith.constant 0 : i32
        %dma_wait3A_102 = tpu.memref_slice %arg8[%dma_wait3A_100, %dma_wait3A_101] : memref<10112x16xf32, #tpu.memory_space<vmem_shared>> -> memref<10112x16xf32, #tpu.memory_space<vmem_shared>>
        tpu.wait_indirect_dma semaphore(%arg10 : memref<!tpu.dma_semaphore, #tpu.memory_space<semaphore_mem>>) src(%arg7 : memref<125x16xf32, #tpu.memory_space<vmem>>) dst(%dma_wait3A_102 : memref<10112x16xf32, #tpu.memory_space<vmem_shared>>)
      } else {
      }
      %add3A_60 = arith.constant 1 : i32
      %add3A_61 = arith.addi %add3A_45, %add3A_60 : i32
      %dma_start3A_62 = arith.constant 0 : i32
      %dma_start3A_63 = tpu.memref_slice %arg6[%add3A_61, %dma_start3A_62] : memref<80x125xi32, #tpu.memory_space<vmem>> -> memref<1x125xi32, #tpu.memory_space<vmem>>
      %dma_start3A_64 = tpu.memref_squeeze %dma_start3A_63 : memref<1x125xi32, #tpu.memory_space<vmem>> -> memref<125xi32, #tpu.memory_space<vmem>>
      %dma_start3A_65 = arith.constant 0 : i32
      %dma_start3A_66 = arith.constant 0 : i32
      %dma_start3A_67 = tpu.memref_slice %arg8[%dma_start3A_65, %dma_start3A_66] : memref<10112x16xf32, #tpu.memory_space<vmem_shared>> -> memref<10112x16xf32, #tpu.memory_space<vmem_shared>>
      tpu.enqueue_indirect_dma source(%arg7 : memref<125x16xf32, #tpu.memory_space<vmem>>) target(%dma_start3A_67 : memref<10112x16xf32, #tpu.memory_space<vmem_shared>>) offsets(%dma_start3A_64 : memref<125xi32, #tpu.memory_space<vmem>>) semaphore(%arg10 : memref<!tpu.dma_semaphore, #tpu.memory_space<semaphore_mem>>) {add = true}
      %gt3A_68 = arith.constant 0 : i32
      %gt3A_69 = arith.cmpi sgt, %add3A_45, %gt3A_68 : i32
      %convert_element_type3A_70 = arith.extui %gt3A_69 : i1 to i32
      %cond3A_71 = arith.constant 0 : i32
      %cond3A_72 = arith.cmpi ne, %convert_element_type3A_70, %cond3A_71 : i32
      scf.if %cond3A_72 {
        %sub3A = arith.constant 4 : i32
        %sub3A_94 = arith.subi %add3A_45, %sub3A : i32
        %add3A_95 = arith.constant 2 : i32
        %add3A_96 = arith.addi %sub3A_94, %add3A_95 : i32
        %dma_wait3A_97 = arith.constant 0 : i32
        %dma_wait3A_98 = tpu.memref_slice %arg6[%add3A_96, %dma_wait3A_97] : memref<80x125xi32, #tpu.memory_space<vmem>> -> memref<1x125xi32, #tpu.memory_space<vmem>>
        %dma_wait3A_99 = tpu.memref_squeeze %dma_wait3A_98 : memref<1x125xi32, #tpu.memory_space<vmem>> -> memref<125xi32, #tpu.memory_space<vmem>>
        %dma_wait3A_100 = arith.constant 0 : i32
        %dma_wait3A_101 = arith.constant 0 : i32
        %dma_wait3A_102 = tpu.memref_slice %arg8[%dma_wait3A_100, %dma_wait3A_101] : memref<10112x16xf32, #tpu.memory_space<vmem_shared>> -> memref<10112x16xf32, #tpu.memory_space<vmem_shared>>
        tpu.wait_indirect_dma semaphore(%arg11 : memref<!tpu.dma_semaphore, #tpu.memory_space<semaphore_mem>>) src(%arg7 : memref<125x16xf32, #tpu.memory_space<vmem>>) dst(%dma_wait3A_102 : memref<10112x16xf32, #tpu.memory_space<vmem_shared>>)
      } else {
      }
      %add3A_73 = arith.constant 2 : i32
      %add3A_74 = arith.addi %add3A_45, %add3A_73 : i32
      %dma_start3A_75 = arith.constant 0 : i32
      %dma_start3A_76 = tpu.memref_slice %arg6[%add3A_74, %dma_start3A_75] : memref<80x125xi32, #tpu.memory_space<vmem>> -> memref<1x125xi32, #tpu.memory_space<vmem>>
      %dma_start3A_77 = tpu.memref_squeeze %dma_start3A_76 : memref<1x125xi32, #tpu.memory_space<vmem>> -> memref<125xi32, #tpu.memory_space<vmem>>
      %dma_start3A_78 = arith.constant 0 : i32
      %dma_start3A_79 = arith.constant 0 : i32
      %dma_start3A_80 = tpu.memref_slice %arg8[%dma_start3A_78, %dma_start3A_79] : memref<10112x16xf32, #tpu.memory_space<vmem_shared>> -> memref<10112x16xf32, #tpu.memory_space<vmem_shared>>
      tpu.enqueue_indirect_dma source(%arg7 : memref<125x16xf32, #tpu.memory_space<vmem>>) target(%dma_start3A_80 : memref<10112x16xf32, #tpu.memory_space<vmem_shared>>) offsets(%dma_start3A_77 : memref<125xi32, #tpu.memory_space<vmem>>) semaphore(%arg11 : memref<!tpu.dma_semaphore, #tpu.memory_space<semaphore_mem>>) {add = true}
      %gt3A_81 = arith.constant 0 : i32
      %gt3A_82 = arith.cmpi sgt, %add3A_45, %gt3A_81 : i32
      %convert_element_type3A_83 = arith.extui %gt3A_82 : i1 to i32
      %cond3A_84 = arith.constant 0 : i32
      %cond3A_85 = arith.cmpi ne, %convert_element_type3A_83, %cond3A_84 : i32
      scf.if %cond3A_85 {
        %sub3A = arith.constant 4 : i32
        %sub3A_94 = arith.subi %add3A_45, %sub3A : i32
        %add3A_95 = arith.constant 3 : i32
        %add3A_96 = arith.addi %sub3A_94, %add3A_95 : i32
        %dma_wait3A_97 = arith.constant 0 : i32
        %dma_wait3A_98 = tpu.memref_slice %arg6[%add3A_96, %dma_wait3A_97] : memref<80x125xi32, #tpu.memory_space<vmem>> -> memref<1x125xi32, #tpu.memory_space<vmem>>
        %dma_wait3A_99 = tpu.memref_squeeze %dma_wait3A_98 : memref<1x125xi32, #tpu.memory_space<vmem>> -> memref<125xi32, #tpu.memory_space<vmem>>
        %dma_wait3A_100 = arith.constant 0 : i32
        %dma_wait3A_101 = arith.constant 0 : i32
        %dma_wait3A_102 = tpu.memref_slice %arg8[%dma_wait3A_100, %dma_wait3A_101] : memref<10112x16xf32, #tpu.memory_space<vmem_shared>> -> memref<10112x16xf32, #tpu.memory_space<vmem_shared>>
        tpu.wait_indirect_dma semaphore(%arg12 : memref<!tpu.dma_semaphore, #tpu.memory_space<semaphore_mem>>) src(%arg7 : memref<125x16xf32, #tpu.memory_space<vmem>>) dst(%dma_wait3A_102 : memref<10112x16xf32, #tpu.memory_space<vmem_shared>>)
      } else {
      }
      %add3A_86 = arith.constant 3 : i32
      %add3A_87 = arith.addi %add3A_45, %add3A_86 : i32
      %dma_start3A_88 = arith.constant 0 : i32
      %dma_start3A_89 = tpu.memref_slice %arg6[%add3A_87, %dma_start3A_88] : memref<80x125xi32, #tpu.memory_space<vmem>> -> memref<1x125xi32, #tpu.memory_space<vmem>>
      %dma_start3A_90 = tpu.memref_squeeze %dma_start3A_89 : memref<1x125xi32, #tpu.memory_space<vmem>> -> memref<125xi32, #tpu.memory_space<vmem>>
      %dma_start3A_91 = arith.constant 0 : i32
      %dma_start3A_92 = arith.constant 0 : i32
      %dma_start3A_93 = tpu.memref_slice %arg8[%dma_start3A_91, %dma_start3A_92] : memref<10112x16xf32, #tpu.memory_space<vmem_shared>> -> memref<10112x16xf32, #tpu.memory_space<vmem_shared>>
      tpu.enqueue_indirect_dma source(%arg7 : memref<125x16xf32, #tpu.memory_space<vmem>>) target(%dma_start3A_93 : memref<10112x16xf32, #tpu.memory_space<vmem_shared>>) offsets(%dma_start3A_90 : memref<125xi32, #tpu.memory_space<vmem>>) semaphore(%arg12 : memref<!tpu.dma_semaphore, #tpu.memory_space<semaphore_mem>>) {add = true}
    }
    %scan3A_8 = arith.constant 20 : i32
    %dma_wait3A = arith.constant 76 : i32
    %dma_wait3A_9 = arith.constant 0 : i32
    %dma_wait3A_10 = tpu.memref_slice %arg6[%dma_wait3A, %dma_wait3A_9] : memref<80x125xi32, #tpu.memory_space<vmem>> -> memref<1x125xi32, #tpu.memory_space<vmem>>
    %dma_wait3A_11 = tpu.memref_squeeze %dma_wait3A_10 : memref<1x125xi32, #tpu.memory_space<vmem>> -> memref<125xi32, #tpu.memory_space<vmem>>
    %dma_wait3A_12 = arith.constant 0 : i32
    %dma_wait3A_13 = arith.constant 0 : i32
    %dma_wait3A_14 = tpu.memref_slice %arg8[%dma_wait3A_12, %dma_wait3A_13] : memref<10112x16xf32, #tpu.memory_space<vmem_shared>> -> memref<10112x16xf32, #tpu.memory_space<vmem_shared>>
    tpu.wait_indirect_dma semaphore(%arg9 : memref<!tpu.dma_semaphore, #tpu.memory_space<semaphore_mem>>) src(%arg7 : memref<125x16xf32, #tpu.memory_space<vmem>>) dst(%dma_wait3A_14 : memref<10112x16xf32, #tpu.memory_space<vmem_shared>>)
    %dma_wait3A_15 = arith.constant 77 : i32
    %dma_wait3A_16 = arith.constant 0 : i32
    %dma_wait3A_17 = tpu.memref_slice %arg6[%dma_wait3A_15, %dma_wait3A_16] : memref<80x125xi32, #tpu.memory_space<vmem>> -> memref<1x125xi32, #tpu.memory_space<vmem>>
    %dma_wait3A_18 = tpu.memref_squeeze %dma_wait3A_17 : memref<1x125xi32, #tpu.memory_space<vmem>> -> memref<125xi32, #tpu.memory_space<vmem>>
    %dma_wait3A_19 = arith.constant 0 : i32
    %dma_wait3A_20 = arith.constant 0 : i32
    %dma_wait3A_21 = tpu.memref_slice %arg8[%dma_wait3A_19, %dma_wait3A_20] : memref<10112x16xf32, #tpu.memory_space<vmem_shared>> -> memref<10112x16xf32, #tpu.memory_space<vmem_shared>>
    tpu.wait_indirect_dma semaphore(%arg10 : memref<!tpu.dma_semaphore, #tpu.memory_space<semaphore_mem>>) src(%arg7 : memref<125x16xf32, #tpu.memory_space<vmem>>) dst(%dma_wait3A_21 : memref<10112x16xf32, #tpu.memory_space<vmem_shared>>)
    %dma_wait3A_22 = arith.constant 78 : i32
    %dma_wait3A_23 = arith.constant 0 : i32
    %dma_wait3A_24 = tpu.memref_slice %arg6[%dma_wait3A_22, %dma_wait3A_23] : memref<80x125xi32, #tpu.memory_space<vmem>> -> memref<1x125xi32, #tpu.memory_space<vmem>>
    %dma_wait3A_25 = tpu.memref_squeeze %dma_wait3A_24 : memref<1x125xi32, #tpu.memory_space<vmem>> -> memref<125xi32, #tpu.memory_space<vmem>>
    %dma_wait3A_26 = arith.constant 0 : i32
    %dma_wait3A_27 = arith.constant 0 : i32
    %dma_wait3A_28 = tpu.memref_slice %arg8[%dma_wait3A_26, %dma_wait3A_27] : memref<10112x16xf32, #tpu.memory_space<vmem_shared>> -> memref<10112x16xf32, #tpu.memory_space<vmem_shared>>
    tpu.wait_indirect_dma semaphore(%arg11 : memref<!tpu.dma_semaphore, #tpu.memory_space<semaphore_mem>>) src(%arg7 : memref<125x16xf32, #tpu.memory_space<vmem>>) dst(%dma_wait3A_28 : memref<10112x16xf32, #tpu.memory_space<vmem_shared>>)
    %dma_wait3A_29 = arith.constant 79 : i32
    %dma_wait3A_30 = arith.constant 0 : i32
    %dma_wait3A_31 = tpu.memref_slice %arg6[%dma_wait3A_29, %dma_wait3A_30] : memref<80x125xi32, #tpu.memory_space<vmem>> -> memref<1x125xi32, #tpu.memory_space<vmem>>
    %dma_wait3A_32 = tpu.memref_squeeze %dma_wait3A_31 : memref<1x125xi32, #tpu.memory_space<vmem>> -> memref<125xi32, #tpu.memory_space<vmem>>
    %dma_wait3A_33 = arith.constant 0 : i32
    %dma_wait3A_34 = arith.constant 0 : i32
    %dma_wait3A_35 = tpu.memref_slice %arg8[%dma_wait3A_33, %dma_wait3A_34] : memref<10112x16xf32, #tpu.memory_space<vmem_shared>> -> memref<10112x16xf32, #tpu.memory_space<vmem_shared>>
    tpu.wait_indirect_dma semaphore(%arg12 : memref<!tpu.dma_semaphore, #tpu.memory_space<semaphore_mem>>) src(%arg7 : memref<125x16xf32, #tpu.memory_space<vmem>>) dst(%dma_wait3A_35 : memref<10112x16xf32, #tpu.memory_space<vmem_shared>>)
    %barrier3A_36 = arith.constant 0 : index
    tpu.barrier barrier_id(%barrier3A_36)
    %mul3A_37 = arith.constant 632 : i32
    %mul3A_38 = arith.muli %arg1, %mul3A_37 : i32
    %mul3A_39 = arith.constant 632 : i32
    %mul3A_40 = arith.muli %arg1, %mul3A_39 : i32
    "tpu.region"() ({
      %run_scoped3A = tpu.sem_alloc : memref<!tpu.dma_semaphore, #tpu.memory_space<semaphore_mem>>
      %dma_start3A = arith.constant 0 : i32
      %dma_start3A_41 = arith.constant 0 : i32
      %dma_start3A_42 = tpu.memref_slice %arg5[%arg0, %dma_start3A, %dma_start3A_41] : memref<2x10112x16xf32, #tpu.memory_space<hbm>> -> memref<1x10112x16xf32, #tpu.memory_space<hbm>>
      %dma_start3A_43 = tpu.memref_squeeze %dma_start3A_42 : memref<1x10112x16xf32, #tpu.memory_space<hbm>> -> memref<10112x16xf32, #tpu.memory_space<hbm>>
      %dma_start3A_44 = arith.constant 0 : i32
      %dma_start3A_45 = tpu.memref_slice %dma_start3A_43[%mul3A_40, %dma_start3A_44] : memref<10112x16xf32, #tpu.memory_space<hbm>> -> memref<632x16xf32, #tpu.memory_space<hbm>>
      %dma_start3A_46 = arith.constant 0 : i32
      %dma_start3A_47 = tpu.memref_slice %arg8[%mul3A_38, %dma_start3A_46] : memref<10112x16xf32, #tpu.memory_space<vmem_shared>> -> memref<632x16xf32, #tpu.memory_space<vmem_shared>>
      tpu.enqueue_dma source(%dma_start3A_47 : memref<632x16xf32, #tpu.memory_space<vmem_shared>>) target(%dma_start3A_45 : memref<632x16xf32, #tpu.memory_space<hbm>>) target_semaphore(%run_scoped3A : memref<!tpu.dma_semaphore, #tpu.memory_space<semaphore_mem>>)
      %dma_wait3A_48 = arith.constant 0 : i32
      %dma_wait3A_49 = arith.constant 0 : i32
      %dma_wait3A_50 = tpu.memref_slice %arg5[%arg0, %dma_wait3A_48, %dma_wait3A_49] : memref<2x10112x16xf32, #tpu.memory_space<hbm>> -> memref<1x10112x16xf32, #tpu.memory_space<hbm>>
      %dma_wait3A_51 = tpu.memref_squeeze %dma_wait3A_50 : memref<1x10112x16xf32, #tpu.memory_space<hbm>> -> memref<10112x16xf32, #tpu.memory_space<hbm>>
      %dma_wait3A_52 = arith.constant 0 : i32
      %dma_wait3A_53 = tpu.memref_slice %dma_wait3A_51[%mul3A_40, %dma_wait3A_52] : memref<10112x16xf32, #tpu.memory_space<hbm>> -> memref<632x16xf32, #tpu.memory_space<hbm>>
      %dma_wait3A_54 = arith.constant 0 : i32
      %dma_wait3A_55 = tpu.memref_slice %arg8[%mul3A_38, %dma_wait3A_54] : memref<10112x16xf32, #tpu.memory_space<vmem_shared>> -> memref<632x16xf32, #tpu.memory_space<vmem_shared>>
      tpu.wait_dma2 semaphore(%run_scoped3A : memref<!tpu.dma_semaphore, #tpu.memory_space<semaphore_mem>>) src(%dma_wait3A_55 : memref<632x16xf32, #tpu.memory_space<vmem_shared>>) dst(%dma_wait3A_53 : memref<632x16xf32, #tpu.memory_space<hbm>>)
      tpu.yield
    }) : () -> ()
    return
  }
}

#map = affine_map<(d0, d1) -> (0, 0, 0)>
#map1 = affine_map<(d0, d1) -> (0, 0)>
module attributes {stable_mosaic.version = 14 : i64} {
  func.func @edge_kernel(%arg0: i32, %arg1: i32, %arg2: memref<16x160x125xi32, #tpu.memory_space<hbm>>, %arg3: memref<16x160x125xi32, #tpu.memory_space<hbm>>, %arg4: memref<2x10112x64xf32, #tpu.memory_space<hbm>>, %arg5: memref<10112x64xf32, #tpu.memory_space<hbm>>, %arg6: memref<10112x128xf32, #tpu.memory_space<hbm>>, %arg7: memref<160x125xi32, #tpu.memory_space<vmem>>, %arg8: memref<160x125xi32, #tpu.memory_space<vmem>>, %arg9: memref<4x125x64xf32, #tpu.memory_space<vmem>>, %arg10: memref<10112x64xf32, #tpu.memory_space<vmem_shared>>, %arg11: memref<!tpu.dma_semaphore, #tpu.memory_space<semaphore_mem>>, %arg12: memref<!tpu.dma_semaphore, #tpu.memory_space<semaphore_mem>>, %arg13: memref<!tpu.dma_semaphore, #tpu.memory_space<semaphore_mem>>, %arg14: memref<!tpu.dma_semaphore, #tpu.memory_space<semaphore_mem>>, %arg15: memref<!tpu.dma_semaphore, #tpu.memory_space<semaphore_mem>>, %arg16: memref<!tpu.dma_semaphore, #tpu.memory_space<semaphore_mem>>, %arg17: memref<!tpu.dma_semaphore, #tpu.memory_space<semaphore_mem>>, %arg18: memref<!tpu.dma_semaphore, #tpu.memory_space<semaphore_mem>>) attributes {dimension_semantics = [#tpu.dimension_semantics<core_parallel>, #tpu.dimension_semantics<subcore_parallel>], iteration_bounds = array<i64: 2, 16>, scalar_prefetch = 0 : i64, scratch_operands = 12 : i64, tpu.core_type = #tpu.core_type<sc_vector_subcore>, window_params = [{transform_indices = #map}, {transform_indices = #map}, {transform_indices = #map}, {transform_indices = #map1}, {transform_indices = #map1}]} {
    %mul3A = arith.constant 632 : i32
    %mul3A_0 = arith.muli %arg1, %mul3A : i32
    %mul3A_1 = arith.constant 64 : i32
    %mul3A_2 = arith.muli %arg0, %mul3A_1 : i32
    "tpu.region"() ({
      %run_scoped3A = tpu.sem_alloc : memref<!tpu.dma_semaphore, #tpu.memory_space<semaphore_mem>>
      %dma_start3A_110 = arith.constant 0 : i32
      %dma_start3A_111 = arith.constant 0 : i32
      %dma_start3A_112 = tpu.memref_slice %arg2[%arg1, %dma_start3A_110, %dma_start3A_111] : memref<16x160x125xi32, #tpu.memory_space<hbm>> -> memref<1x160x125xi32, #tpu.memory_space<hbm>>
      %dma_start3A_113 = tpu.memref_squeeze %dma_start3A_112 : memref<1x160x125xi32, #tpu.memory_space<hbm>> -> memref<160x125xi32, #tpu.memory_space<hbm>>
      %dma_start3A_114 = arith.constant 0 : i32
      %dma_start3A_115 = arith.constant 0 : i32
      %dma_start3A_116 = tpu.memref_slice %arg2[%arg1, %dma_start3A_114, %dma_start3A_115] : memref<16x160x125xi32, #tpu.memory_space<hbm>> -> memref<1x160x125xi32, #tpu.memory_space<hbm>>
      %dma_start3A_117 = tpu.memref_squeeze %dma_start3A_116 : memref<1x160x125xi32, #tpu.memory_space<hbm>> -> memref<160x125xi32, #tpu.memory_space<hbm>>
      tpu.enqueue_dma source(%dma_start3A_117 : memref<160x125xi32, #tpu.memory_space<hbm>>) target(%arg7 : memref<160x125xi32, #tpu.memory_space<vmem>>) target_semaphore(%run_scoped3A : memref<!tpu.dma_semaphore, #tpu.memory_space<semaphore_mem>>)
      %dma_wait3A_118 = arith.constant 0 : i32
      %dma_wait3A_119 = arith.constant 0 : i32
      %dma_wait3A_120 = tpu.memref_slice %arg2[%arg1, %dma_wait3A_118, %dma_wait3A_119] : memref<16x160x125xi32, #tpu.memory_space<hbm>> -> memref<1x160x125xi32, #tpu.memory_space<hbm>>
      %dma_wait3A_121 = tpu.memref_squeeze %dma_wait3A_120 : memref<1x160x125xi32, #tpu.memory_space<hbm>> -> memref<160x125xi32, #tpu.memory_space<hbm>>
      %dma_wait3A_122 = arith.constant 0 : i32
      %dma_wait3A_123 = arith.constant 0 : i32
      %dma_wait3A_124 = tpu.memref_slice %arg2[%arg1, %dma_wait3A_122, %dma_wait3A_123] : memref<16x160x125xi32, #tpu.memory_space<hbm>> -> memref<1x160x125xi32, #tpu.memory_space<hbm>>
      %dma_wait3A_125 = tpu.memref_squeeze %dma_wait3A_124 : memref<1x160x125xi32, #tpu.memory_space<hbm>> -> memref<160x125xi32, #tpu.memory_space<hbm>>
      tpu.wait_dma2 semaphore(%run_scoped3A : memref<!tpu.dma_semaphore, #tpu.memory_space<semaphore_mem>>) src(%dma_wait3A_125 : memref<160x125xi32, #tpu.memory_space<hbm>>) dst(%arg7 : memref<160x125xi32, #tpu.memory_space<vmem>>)
      tpu.yield
    }) : () -> ()
    "tpu.region"() ({
      %run_scoped3A = tpu.sem_alloc : memref<!tpu.dma_semaphore, #tpu.memory_space<semaphore_mem>>
      %dma_start3A_110 = arith.constant 0 : i32
      %dma_start3A_111 = arith.constant 0 : i32
      %dma_start3A_112 = tpu.memref_slice %arg3[%arg1, %dma_start3A_110, %dma_start3A_111] : memref<16x160x125xi32, #tpu.memory_space<hbm>> -> memref<1x160x125xi32, #tpu.memory_space<hbm>>
      %dma_start3A_113 = tpu.memref_squeeze %dma_start3A_112 : memref<1x160x125xi32, #tpu.memory_space<hbm>> -> memref<160x125xi32, #tpu.memory_space<hbm>>
      %dma_start3A_114 = arith.constant 0 : i32
      %dma_start3A_115 = arith.constant 0 : i32
      %dma_start3A_116 = tpu.memref_slice %arg3[%arg1, %dma_start3A_114, %dma_start3A_115] : memref<16x160x125xi32, #tpu.memory_space<hbm>> -> memref<1x160x125xi32, #tpu.memory_space<hbm>>
      %dma_start3A_117 = tpu.memref_squeeze %dma_start3A_116 : memref<1x160x125xi32, #tpu.memory_space<hbm>> -> memref<160x125xi32, #tpu.memory_space<hbm>>
      tpu.enqueue_dma source(%dma_start3A_117 : memref<160x125xi32, #tpu.memory_space<hbm>>) target(%arg8 : memref<160x125xi32, #tpu.memory_space<vmem>>) target_semaphore(%run_scoped3A : memref<!tpu.dma_semaphore, #tpu.memory_space<semaphore_mem>>)
      %dma_wait3A_118 = arith.constant 0 : i32
      %dma_wait3A_119 = arith.constant 0 : i32
      %dma_wait3A_120 = tpu.memref_slice %arg3[%arg1, %dma_wait3A_118, %dma_wait3A_119] : memref<16x160x125xi32, #tpu.memory_space<hbm>> -> memref<1x160x125xi32, #tpu.memory_space<hbm>>
      %dma_wait3A_121 = tpu.memref_squeeze %dma_wait3A_120 : memref<1x160x125xi32, #tpu.memory_space<hbm>> -> memref<160x125xi32, #tpu.memory_space<hbm>>
      %dma_wait3A_122 = arith.constant 0 : i32
      %dma_wait3A_123 = arith.constant 0 : i32
      %dma_wait3A_124 = tpu.memref_slice %arg3[%arg1, %dma_wait3A_122, %dma_wait3A_123] : memref<16x160x125xi32, #tpu.memory_space<hbm>> -> memref<1x160x125xi32, #tpu.memory_space<hbm>>
      %dma_wait3A_125 = tpu.memref_squeeze %dma_wait3A_124 : memref<1x160x125xi32, #tpu.memory_space<hbm>> -> memref<160x125xi32, #tpu.memory_space<hbm>>
      tpu.wait_dma2 semaphore(%run_scoped3A : memref<!tpu.dma_semaphore, #tpu.memory_space<semaphore_mem>>) src(%dma_wait3A_125 : memref<160x125xi32, #tpu.memory_space<hbm>>) dst(%arg8 : memref<160x125xi32, #tpu.memory_space<vmem>>)
      tpu.yield
    }) : () -> ()
    "tpu.region"() ({
      %run_scoped3A = tpu.sem_alloc : memref<!tpu.dma_semaphore, #tpu.memory_space<semaphore_mem>>
      %dma_start3A_110 = arith.constant 0 : i32
      %dma_start3A_111 = tpu.memref_slice %arg10[%mul3A_0, %dma_start3A_110] : memref<10112x64xf32, #tpu.memory_space<vmem_shared>> -> memref<632x64xf32, #tpu.memory_space<vmem_shared>>
      %dma_start3A_112 = arith.constant 0 : i32
      %dma_start3A_113 = tpu.memref_slice %arg5[%mul3A_0, %dma_start3A_112] : memref<10112x64xf32, #tpu.memory_space<hbm>> -> memref<632x64xf32, #tpu.memory_space<hbm>>
      tpu.enqueue_dma source(%dma_start3A_113 : memref<632x64xf32, #tpu.memory_space<hbm>>) target(%dma_start3A_111 : memref<632x64xf32, #tpu.memory_space<vmem_shared>>) target_semaphore(%run_scoped3A : memref<!tpu.dma_semaphore, #tpu.memory_space<semaphore_mem>>)
      %dma_wait3A_114 = arith.constant 0 : i32
      %dma_wait3A_115 = tpu.memref_slice %arg10[%mul3A_0, %dma_wait3A_114] : memref<10112x64xf32, #tpu.memory_space<vmem_shared>> -> memref<632x64xf32, #tpu.memory_space<vmem_shared>>
      %dma_wait3A_116 = arith.constant 0 : i32
      %dma_wait3A_117 = tpu.memref_slice %arg5[%mul3A_0, %dma_wait3A_116] : memref<10112x64xf32, #tpu.memory_space<hbm>> -> memref<632x64xf32, #tpu.memory_space<hbm>>
      tpu.wait_dma2 semaphore(%run_scoped3A : memref<!tpu.dma_semaphore, #tpu.memory_space<semaphore_mem>>) src(%dma_wait3A_117 : memref<632x64xf32, #tpu.memory_space<hbm>>) dst(%dma_wait3A_115 : memref<632x64xf32, #tpu.memory_space<vmem_shared>>)
      tpu.yield
    }) : () -> ()
    %barrier3A = arith.constant 0 : index
    tpu.barrier barrier_id(%barrier3A)
    %scan3A = arith.constant 0 : i32
    %scan3A_3 = arith.constant 40 : i32
    %scan3A_4 = arith.addi %scan3A, %scan3A_3 : i32
    %scan3A_5 = arith.constant 1 : i32
    scf.for %scan3A_110 = %scan3A to %scan3A_4 step %scan3A_5  : i32 {
      %mul3A_111 = arith.constant 4 : i32
      %mul3A_112 = arith.muli %scan3A_110, %mul3A_111 : i32
      %add3A = arith.constant 0 : i32
      %add3A_113 = arith.addi %add3A, %mul3A_112 : i32
      %add3A_114 = arith.constant 0 : i32
      %add3A_115 = arith.addi %add3A_113, %add3A_114 : i32
      %gt3A = arith.constant 0 : i32
      %gt3A_116 = arith.cmpi sgt, %add3A_113, %gt3A : i32
      %convert_element_type3A = arith.extui %gt3A_116 : i1 to i32
      %cond3A = arith.constant 0 : i32
      %cond3A_117 = arith.cmpi ne, %convert_element_type3A, %cond3A : i32
      scf.if %cond3A_117 {
        %sub3A_268 = arith.constant 4 : i32
        %sub3A_269 = arith.subi %add3A_115, %sub3A_268 : i32
        %dma_wait3A_270 = arith.constant 0 : i32
        %dma_wait3A_271 = arith.constant 0 : i32
        %dma_wait3A_272 = arith.constant 0 : i32
        %dma_wait3A_273 = tpu.memref_slice %arg9[%dma_wait3A_270, %dma_wait3A_271, %dma_wait3A_272] : memref<4x125x64xf32, #tpu.memory_space<vmem>> -> memref<1x125x64xf32, #tpu.memory_space<vmem>>
        %dma_wait3A_274 = tpu.memref_squeeze %dma_wait3A_273 : memref<1x125x64xf32, #tpu.memory_space<vmem>> -> memref<125x64xf32, #tpu.memory_space<vmem>>
        %dma_wait3A_275 = arith.constant 0 : i32
        %dma_wait3A_276 = tpu.memref_slice %arg8[%sub3A_269, %dma_wait3A_275] : memref<160x125xi32, #tpu.memory_space<vmem>> -> memref<1x125xi32, #tpu.memory_space<vmem>>
        %dma_wait3A_277 = tpu.memref_squeeze %dma_wait3A_276 : memref<1x125xi32, #tpu.memory_space<vmem>> -> memref<125xi32, #tpu.memory_space<vmem>>
        %dma_wait3A_278 = arith.constant 0 : i32
        %dma_wait3A_279 = arith.constant 0 : i32
        %dma_wait3A_280 = tpu.memref_slice %arg10[%dma_wait3A_278, %dma_wait3A_279] : memref<10112x64xf32, #tpu.memory_space<vmem_shared>> -> memref<10112x64xf32, #tpu.memory_space<vmem_shared>>
        tpu.wait_indirect_dma semaphore(%arg15 : memref<!tpu.dma_semaphore, #tpu.memory_space<semaphore_mem>>) src(%dma_wait3A_274 : memref<125x64xf32, #tpu.memory_space<vmem>>) dst(%dma_wait3A_280 : memref<10112x64xf32, #tpu.memory_space<vmem_shared>>)
      } else {
      }
      %dma_start3A_118 = arith.constant 0 : i32
      %dma_start3A_119 = arith.constant 0 : i32
      %dma_start3A_120 = arith.constant 0 : i32
      %dma_start3A_121 = tpu.memref_slice %arg9[%dma_start3A_118, %dma_start3A_119, %dma_start3A_120] : memref<4x125x64xf32, #tpu.memory_space<vmem>> -> memref<1x125x64xf32, #tpu.memory_space<vmem>>
      %dma_start3A_122 = tpu.memref_squeeze %dma_start3A_121 : memref<1x125x64xf32, #tpu.memory_space<vmem>> -> memref<125x64xf32, #tpu.memory_space<vmem>>
      %dma_start3A_123 = arith.constant 0 : i32
      %dma_start3A_124 = tpu.memref_slice %arg7[%add3A_115, %dma_start3A_123] : memref<160x125xi32, #tpu.memory_space<vmem>> -> memref<1x125xi32, #tpu.memory_space<vmem>>
      %dma_start3A_125 = tpu.memref_squeeze %dma_start3A_124 : memref<1x125xi32, #tpu.memory_space<vmem>> -> memref<125xi32, #tpu.memory_space<vmem>>
      %dma_start3A_126 = arith.constant 0 : i32
      %dma_start3A_127 = arith.constant 0 : i32
      %dma_start3A_128 = tpu.memref_slice %arg4[%arg0, %dma_start3A_126, %dma_start3A_127] : memref<2x10112x64xf32, #tpu.memory_space<hbm>> -> memref<1x10112x64xf32, #tpu.memory_space<hbm>>
      %dma_start3A_129 = tpu.memref_squeeze %dma_start3A_128 : memref<1x10112x64xf32, #tpu.memory_space<hbm>> -> memref<10112x64xf32, #tpu.memory_space<hbm>>
      %dma_start3A_130 = arith.constant 0 : i32
      %dma_start3A_131 = arith.constant 0 : i32
      %dma_start3A_132 = tpu.memref_slice %dma_start3A_129[%dma_start3A_130, %dma_start3A_131] : memref<10112x64xf32, #tpu.memory_space<hbm>> -> memref<10112x64xf32, #tpu.memory_space<hbm>>
      tpu.enqueue_indirect_dma source(%dma_start3A_132 : memref<10112x64xf32, #tpu.memory_space<hbm>>) target(%dma_start3A_122 : memref<125x64xf32, #tpu.memory_space<vmem>>) offsets(%dma_start3A_125 : memref<125xi32, #tpu.memory_space<vmem>>) semaphore(%arg11 : memref<!tpu.dma_semaphore, #tpu.memory_space<semaphore_mem>>)
      %gt3A_133 = arith.constant 0 : i32
      %gt3A_134 = arith.cmpi sgt, %add3A_113, %gt3A_133 : i32
      %convert_element_type3A_135 = arith.extui %gt3A_134 : i1 to i32
      %cond3A_136 = arith.constant 0 : i32
      %cond3A_137 = arith.cmpi ne, %convert_element_type3A_135, %cond3A_136 : i32
      scf.if %cond3A_137 {
        %sub3A_268 = arith.constant 2 : i32
        %sub3A_269 = arith.subi %add3A_115, %sub3A_268 : i32
        %dma_wait3A_270 = arith.constant 2 : i32
        %dma_wait3A_271 = arith.constant 0 : i32
        %dma_wait3A_272 = arith.constant 0 : i32
        %dma_wait3A_273 = tpu.memref_slice %arg9[%dma_wait3A_270, %dma_wait3A_271, %dma_wait3A_272] : memref<4x125x64xf32, #tpu.memory_space<vmem>> -> memref<1x125x64xf32, #tpu.memory_space<vmem>>
        %dma_wait3A_274 = tpu.memref_squeeze %dma_wait3A_273 : memref<1x125x64xf32, #tpu.memory_space<vmem>> -> memref<125x64xf32, #tpu.memory_space<vmem>>
        %dma_wait3A_275 = arith.constant 0 : i32
        %dma_wait3A_276 = tpu.memref_slice %arg7[%sub3A_269, %dma_wait3A_275] : memref<160x125xi32, #tpu.memory_space<vmem>> -> memref<1x125xi32, #tpu.memory_space<vmem>>
        %dma_wait3A_277 = tpu.memref_squeeze %dma_wait3A_276 : memref<1x125xi32, #tpu.memory_space<vmem>> -> memref<125xi32, #tpu.memory_space<vmem>>
        %dma_wait3A_278 = arith.constant 0 : i32
        %dma_wait3A_279 = arith.constant 0 : i32
        %dma_wait3A_280 = tpu.memref_slice %arg4[%arg0, %dma_wait3A_278, %dma_wait3A_279] : memref<2x10112x64xf32, #tpu.memory_space<hbm>> -> memref<1x10112x64xf32, #tpu.memory_space<hbm>>
        %dma_wait3A_281 = tpu.memref_squeeze %dma_wait3A_280 : memref<1x10112x64xf32, #tpu.memory_space<hbm>> -> memref<10112x64xf32, #tpu.memory_space<hbm>>
        %dma_wait3A_282 = arith.constant 0 : i32
        %dma_wait3A_283 = arith.constant 0 : i32
        %dma_wait3A_284 = tpu.memref_slice %dma_wait3A_281[%dma_wait3A_282, %dma_wait3A_283] : memref<10112x64xf32, #tpu.memory_space<hbm>> -> memref<10112x64xf32, #tpu.memory_space<hbm>>
        tpu.wait_indirect_dma semaphore(%arg13 : memref<!tpu.dma_semaphore, #tpu.memory_space<semaphore_mem>>) src(%dma_wait3A_284 : memref<10112x64xf32, #tpu.memory_space<hbm>>) dst(%dma_wait3A_274 : memref<125x64xf32, #tpu.memory_space<vmem>>)
        %sub3A_285 = arith.constant 2 : i32
        %sub3A_286 = arith.subi %add3A_115, %sub3A_285 : i32
        %dma_start3A_287 = arith.constant 2 : i32
        %dma_start3A_288 = arith.constant 0 : i32
        %dma_start3A_289 = arith.constant 0 : i32
        %dma_start3A_290 = tpu.memref_slice %arg9[%dma_start3A_287, %dma_start3A_288, %dma_start3A_289] : memref<4x125x64xf32, #tpu.memory_space<vmem>> -> memref<1x125x64xf32, #tpu.memory_space<vmem>>
        %dma_start3A_291 = tpu.memref_squeeze %dma_start3A_290 : memref<1x125x64xf32, #tpu.memory_space<vmem>> -> memref<125x64xf32, #tpu.memory_space<vmem>>
        %dma_start3A_292 = arith.constant 0 : i32
        %dma_start3A_293 = tpu.memref_slice %arg8[%sub3A_286, %dma_start3A_292] : memref<160x125xi32, #tpu.memory_space<vmem>> -> memref<1x125xi32, #tpu.memory_space<vmem>>
        %dma_start3A_294 = tpu.memref_squeeze %dma_start3A_293 : memref<1x125xi32, #tpu.memory_space<vmem>> -> memref<125xi32, #tpu.memory_space<vmem>>
        %dma_start3A_295 = arith.constant 0 : i32
        %dma_start3A_296 = arith.constant 0 : i32
        %dma_start3A_297 = tpu.memref_slice %arg10[%dma_start3A_295, %dma_start3A_296] : memref<10112x64xf32, #tpu.memory_space<vmem_shared>> -> memref<10112x64xf32, #tpu.memory_space<vmem_shared>>
        tpu.enqueue_indirect_dma source(%dma_start3A_291 : memref<125x64xf32, #tpu.memory_space<vmem>>) target(%dma_start3A_297 : memref<10112x64xf32, #tpu.memory_space<vmem_shared>>) offsets(%dma_start3A_294 : memref<125xi32, #tpu.memory_space<vmem>>) semaphore(%arg17 : memref<!tpu.dma_semaphore, #tpu.memory_space<semaphore_mem>>) {add = true}
      } else {
      }
      %add3A_138 = arith.constant 1 : i32
      %add3A_139 = arith.addi %add3A_113, %add3A_138 : i32
      %gt3A_140 = arith.constant 0 : i32
      %gt3A_141 = arith.cmpi sgt, %add3A_113, %gt3A_140 : i32
      %convert_element_type3A_142 = arith.extui %gt3A_141 : i1 to i32
      %cond3A_143 = arith.constant 0 : i32
      %cond3A_144 = arith.cmpi ne, %convert_element_type3A_142, %cond3A_143 : i32
      scf.if %cond3A_144 {
        %sub3A_268 = arith.constant 4 : i32
        %sub3A_269 = arith.subi %add3A_139, %sub3A_268 : i32
        %dma_wait3A_270 = arith.constant 1 : i32
        %dma_wait3A_271 = arith.constant 0 : i32
        %dma_wait3A_272 = arith.constant 0 : i32
        %dma_wait3A_273 = tpu.memref_slice %arg9[%dma_wait3A_270, %dma_wait3A_271, %dma_wait3A_272] : memref<4x125x64xf32, #tpu.memory_space<vmem>> -> memref<1x125x64xf32, #tpu.memory_space<vmem>>
        %dma_wait3A_274 = tpu.memref_squeeze %dma_wait3A_273 : memref<1x125x64xf32, #tpu.memory_space<vmem>> -> memref<125x64xf32, #tpu.memory_space<vmem>>
        %dma_wait3A_275 = arith.constant 0 : i32
        %dma_wait3A_276 = tpu.memref_slice %arg8[%sub3A_269, %dma_wait3A_275] : memref<160x125xi32, #tpu.memory_space<vmem>> -> memref<1x125xi32, #tpu.memory_space<vmem>>
        %dma_wait3A_277 = tpu.memref_squeeze %dma_wait3A_276 : memref<1x125xi32, #tpu.memory_space<vmem>> -> memref<125xi32, #tpu.memory_space<vmem>>
        %dma_wait3A_278 = arith.constant 0 : i32
        %dma_wait3A_279 = arith.constant 0 : i32
        %dma_wait3A_280 = tpu.memref_slice %arg10[%dma_wait3A_278, %dma_wait3A_279] : memref<10112x64xf32, #tpu.memory_space<vmem_shared>> -> memref<10112x64xf32, #tpu.memory_space<vmem_shared>>
        tpu.wait_indirect_dma semaphore(%arg16 : memref<!tpu.dma_semaphore, #tpu.memory_space<semaphore_mem>>) src(%dma_wait3A_274 : memref<125x64xf32, #tpu.memory_space<vmem>>) dst(%dma_wait3A_280 : memref<10112x64xf32, #tpu.memory_space<vmem_shared>>)
      } else {
      }
      %dma_start3A_145 = arith.constant 1 : i32
      %dma_start3A_146 = arith.constant 0 : i32
      %dma_start3A_147 = arith.constant 0 : i32
      %dma_start3A_148 = tpu.memref_slice %arg9[%dma_start3A_145, %dma_start3A_146, %dma_start3A_147] : memref<4x125x64xf32, #tpu.memory_space<vmem>> -> memref<1x125x64xf32, #tpu.memory_space<vmem>>
      %dma_start3A_149 = tpu.memref_squeeze %dma_start3A_148 : memref<1x125x64xf32, #tpu.memory_space<vmem>> -> memref<125x64xf32, #tpu.memory_space<vmem>>
      %dma_start3A_150 = arith.constant 0 : i32
      %dma_start3A_151 = tpu.memref_slice %arg7[%add3A_139, %dma_start3A_150] : memref<160x125xi32, #tpu.memory_space<vmem>> -> memref<1x125xi32, #tpu.memory_space<vmem>>
      %dma_start3A_152 = tpu.memref_squeeze %dma_start3A_151 : memref<1x125xi32, #tpu.memory_space<vmem>> -> memref<125xi32, #tpu.memory_space<vmem>>
      %dma_start3A_153 = arith.constant 0 : i32
      %dma_start3A_154 = arith.constant 0 : i32
      %dma_start3A_155 = tpu.memref_slice %arg4[%arg0, %dma_start3A_153, %dma_start3A_154] : memref<2x10112x64xf32, #tpu.memory_space<hbm>> -> memref<1x10112x64xf32, #tpu.memory_space<hbm>>
      %dma_start3A_156 = tpu.memref_squeeze %dma_start3A_155 : memref<1x10112x64xf32, #tpu.memory_space<hbm>> -> memref<10112x64xf32, #tpu.memory_space<hbm>>
      %dma_start3A_157 = arith.constant 0 : i32
      %dma_start3A_158 = arith.constant 0 : i32
      %dma_start3A_159 = tpu.memref_slice %dma_start3A_156[%dma_start3A_157, %dma_start3A_158] : memref<10112x64xf32, #tpu.memory_space<hbm>> -> memref<10112x64xf32, #tpu.memory_space<hbm>>
      tpu.enqueue_indirect_dma source(%dma_start3A_159 : memref<10112x64xf32, #tpu.memory_space<hbm>>) target(%dma_start3A_149 : memref<125x64xf32, #tpu.memory_space<vmem>>) offsets(%dma_start3A_152 : memref<125xi32, #tpu.memory_space<vmem>>) semaphore(%arg12 : memref<!tpu.dma_semaphore, #tpu.memory_space<semaphore_mem>>)
      %gt3A_160 = arith.constant 0 : i32
      %gt3A_161 = arith.cmpi sgt, %add3A_113, %gt3A_160 : i32
      %convert_element_type3A_162 = arith.extui %gt3A_161 : i1 to i32
      %cond3A_163 = arith.constant 0 : i32
      %cond3A_164 = arith.cmpi ne, %convert_element_type3A_162, %cond3A_163 : i32
      scf.if %cond3A_164 {
        %sub3A_268 = arith.constant 2 : i32
        %sub3A_269 = arith.subi %add3A_139, %sub3A_268 : i32
        %dma_wait3A_270 = arith.constant 3 : i32
        %dma_wait3A_271 = arith.constant 0 : i32
        %dma_wait3A_272 = arith.constant 0 : i32
        %dma_wait3A_273 = tpu.memref_slice %arg9[%dma_wait3A_270, %dma_wait3A_271, %dma_wait3A_272] : memref<4x125x64xf32, #tpu.memory_space<vmem>> -> memref<1x125x64xf32, #tpu.memory_space<vmem>>
        %dma_wait3A_274 = tpu.memref_squeeze %dma_wait3A_273 : memref<1x125x64xf32, #tpu.memory_space<vmem>> -> memref<125x64xf32, #tpu.memory_space<vmem>>
        %dma_wait3A_275 = arith.constant 0 : i32
        %dma_wait3A_276 = tpu.memref_slice %arg7[%sub3A_269, %dma_wait3A_275] : memref<160x125xi32, #tpu.memory_space<vmem>> -> memref<1x125xi32, #tpu.memory_space<vmem>>
        %dma_wait3A_277 = tpu.memref_squeeze %dma_wait3A_276 : memref<1x125xi32, #tpu.memory_space<vmem>> -> memref<125xi32, #tpu.memory_space<vmem>>
        %dma_wait3A_278 = arith.constant 0 : i32
        %dma_wait3A_279 = arith.constant 0 : i32
        %dma_wait3A_280 = tpu.memref_slice %arg4[%arg0, %dma_wait3A_278, %dma_wait3A_279] : memref<2x10112x64xf32, #tpu.memory_space<hbm>> -> memref<1x10112x64xf32, #tpu.memory_space<hbm>>
        %dma_wait3A_281 = tpu.memref_squeeze %dma_wait3A_280 : memref<1x10112x64xf32, #tpu.memory_space<hbm>> -> memref<10112x64xf32, #tpu.memory_space<hbm>>
        %dma_wait3A_282 = arith.constant 0 : i32
        %dma_wait3A_283 = arith.constant 0 : i32
        %dma_wait3A_284 = tpu.memref_slice %dma_wait3A_281[%dma_wait3A_282, %dma_wait3A_283] : memref<10112x64xf32, #tpu.memory_space<hbm>> -> memref<10112x64xf32, #tpu.memory_space<hbm>>
        tpu.wait_indirect_dma semaphore(%arg14 : memref<!tpu.dma_semaphore, #tpu.memory_space<semaphore_mem>>) src(%dma_wait3A_284 : memref<10112x64xf32, #tpu.memory_space<hbm>>) dst(%dma_wait3A_274 : memref<125x64xf32, #tpu.memory_space<vmem>>)
        %sub3A_285 = arith.constant 2 : i32
        %sub3A_286 = arith.subi %add3A_139, %sub3A_285 : i32
        %dma_start3A_287 = arith.constant 3 : i32
        %dma_start3A_288 = arith.constant 0 : i32
        %dma_start3A_289 = arith.constant 0 : i32
        %dma_start3A_290 = tpu.memref_slice %arg9[%dma_start3A_287, %dma_start3A_288, %dma_start3A_289] : memref<4x125x64xf32, #tpu.memory_space<vmem>> -> memref<1x125x64xf32, #tpu.memory_space<vmem>>
        %dma_start3A_291 = tpu.memref_squeeze %dma_start3A_290 : memref<1x125x64xf32, #tpu.memory_space<vmem>> -> memref<125x64xf32, #tpu.memory_space<vmem>>
        %dma_start3A_292 = arith.constant 0 : i32
        %dma_start3A_293 = tpu.memref_slice %arg8[%sub3A_286, %dma_start3A_292] : memref<160x125xi32, #tpu.memory_space<vmem>> -> memref<1x125xi32, #tpu.memory_space<vmem>>
        %dma_start3A_294 = tpu.memref_squeeze %dma_start3A_293 : memref<1x125xi32, #tpu.memory_space<vmem>> -> memref<125xi32, #tpu.memory_space<vmem>>
        %dma_start3A_295 = arith.constant 0 : i32
        %dma_start3A_296 = arith.constant 0 : i32
        %dma_start3A_297 = tpu.memref_slice %arg10[%dma_start3A_295, %dma_start3A_296] : memref<10112x64xf32, #tpu.memory_space<vmem_shared>> -> memref<10112x64xf32, #tpu.memory_space<vmem_shared>>
        tpu.enqueue_indirect_dma source(%dma_start3A_291 : memref<125x64xf32, #tpu.memory_space<vmem>>) target(%dma_start3A_297 : memref<10112x64xf32, #tpu.memory_space<vmem_shared>>) offsets(%dma_start3A_294 : memref<125xi32, #tpu.memory_space<vmem>>) semaphore(%arg18 : memref<!tpu.dma_semaphore, #tpu.memory_space<semaphore_mem>>) {add = true}
      } else {
      }
      %add3A_165 = arith.constant 2 : i32
      %add3A_166 = arith.addi %add3A_113, %add3A_165 : i32
      %gt3A_167 = arith.constant 0 : i32
      %gt3A_168 = arith.cmpi sgt, %add3A_113, %gt3A_167 : i32
      %convert_element_type3A_169 = arith.extui %gt3A_168 : i1 to i32
      %cond3A_170 = arith.constant 0 : i32
      %cond3A_171 = arith.cmpi ne, %convert_element_type3A_169, %cond3A_170 : i32
      scf.if %cond3A_171 {
        %sub3A_268 = arith.constant 4 : i32
        %sub3A_269 = arith.subi %add3A_166, %sub3A_268 : i32
        %dma_wait3A_270 = arith.constant 2 : i32
        %dma_wait3A_271 = arith.constant 0 : i32
        %dma_wait3A_272 = arith.constant 0 : i32
        %dma_wait3A_273 = tpu.memref_slice %arg9[%dma_wait3A_270, %dma_wait3A_271, %dma_wait3A_272] : memref<4x125x64xf32, #tpu.memory_space<vmem>> -> memref<1x125x64xf32, #tpu.memory_space<vmem>>
        %dma_wait3A_274 = tpu.memref_squeeze %dma_wait3A_273 : memref<1x125x64xf32, #tpu.memory_space<vmem>> -> memref<125x64xf32, #tpu.memory_space<vmem>>
        %dma_wait3A_275 = arith.constant 0 : i32
        %dma_wait3A_276 = tpu.memref_slice %arg8[%sub3A_269, %dma_wait3A_275] : memref<160x125xi32, #tpu.memory_space<vmem>> -> memref<1x125xi32, #tpu.memory_space<vmem>>
        %dma_wait3A_277 = tpu.memref_squeeze %dma_wait3A_276 : memref<1x125xi32, #tpu.memory_space<vmem>> -> memref<125xi32, #tpu.memory_space<vmem>>
        %dma_wait3A_278 = arith.constant 0 : i32
        %dma_wait3A_279 = arith.constant 0 : i32
        %dma_wait3A_280 = tpu.memref_slice %arg10[%dma_wait3A_278, %dma_wait3A_279] : memref<10112x64xf32, #tpu.memory_space<vmem_shared>> -> memref<10112x64xf32, #tpu.memory_space<vmem_shared>>
        tpu.wait_indirect_dma semaphore(%arg17 : memref<!tpu.dma_semaphore, #tpu.memory_space<semaphore_mem>>) src(%dma_wait3A_274 : memref<125x64xf32, #tpu.memory_space<vmem>>) dst(%dma_wait3A_280 : memref<10112x64xf32, #tpu.memory_space<vmem_shared>>)
      } else {
      }
      %dma_start3A_172 = arith.constant 2 : i32
      %dma_start3A_173 = arith.constant 0 : i32
      %dma_start3A_174 = arith.constant 0 : i32
      %dma_start3A_175 = tpu.memref_slice %arg9[%dma_start3A_172, %dma_start3A_173, %dma_start3A_174] : memref<4x125x64xf32, #tpu.memory_space<vmem>> -> memref<1x125x64xf32, #tpu.memory_space<vmem>>
      %dma_start3A_176 = tpu.memref_squeeze %dma_start3A_175 : memref<1x125x64xf32, #tpu.memory_space<vmem>> -> memref<125x64xf32, #tpu.memory_space<vmem>>
      %dma_start3A_177 = arith.constant 0 : i32
      %dma_start3A_178 = tpu.memref_slice %arg7[%add3A_166, %dma_start3A_177] : memref<160x125xi32, #tpu.memory_space<vmem>> -> memref<1x125xi32, #tpu.memory_space<vmem>>
      %dma_start3A_179 = tpu.memref_squeeze %dma_start3A_178 : memref<1x125xi32, #tpu.memory_space<vmem>> -> memref<125xi32, #tpu.memory_space<vmem>>
      %dma_start3A_180 = arith.constant 0 : i32
      %dma_start3A_181 = arith.constant 0 : i32
      %dma_start3A_182 = tpu.memref_slice %arg4[%arg0, %dma_start3A_180, %dma_start3A_181] : memref<2x10112x64xf32, #tpu.memory_space<hbm>> -> memref<1x10112x64xf32, #tpu.memory_space<hbm>>
      %dma_start3A_183 = tpu.memref_squeeze %dma_start3A_182 : memref<1x10112x64xf32, #tpu.memory_space<hbm>> -> memref<10112x64xf32, #tpu.memory_space<hbm>>
      %dma_start3A_184 = arith.constant 0 : i32
      %dma_start3A_185 = arith.constant 0 : i32
      %dma_start3A_186 = tpu.memref_slice %dma_start3A_183[%dma_start3A_184, %dma_start3A_185] : memref<10112x64xf32, #tpu.memory_space<hbm>> -> memref<10112x64xf32, #tpu.memory_space<hbm>>
      tpu.enqueue_indirect_dma source(%dma_start3A_186 : memref<10112x64xf32, #tpu.memory_space<hbm>>) target(%dma_start3A_176 : memref<125x64xf32, #tpu.memory_space<vmem>>) offsets(%dma_start3A_179 : memref<125xi32, #tpu.memory_space<vmem>>) semaphore(%arg13 : memref<!tpu.dma_semaphore, #tpu.memory_space<semaphore_mem>>)
      %sub3A = arith.constant 2 : i32
      %sub3A_187 = arith.subi %add3A_166, %sub3A : i32
      %dma_wait3A_188 = arith.constant 0 : i32
      %dma_wait3A_189 = arith.constant 0 : i32
      %dma_wait3A_190 = arith.constant 0 : i32
      %dma_wait3A_191 = tpu.memref_slice %arg9[%dma_wait3A_188, %dma_wait3A_189, %dma_wait3A_190] : memref<4x125x64xf32, #tpu.memory_space<vmem>> -> memref<1x125x64xf32, #tpu.memory_space<vmem>>
      %dma_wait3A_192 = tpu.memref_squeeze %dma_wait3A_191 : memref<1x125x64xf32, #tpu.memory_space<vmem>> -> memref<125x64xf32, #tpu.memory_space<vmem>>
      %dma_wait3A_193 = arith.constant 0 : i32
      %dma_wait3A_194 = tpu.memref_slice %arg7[%sub3A_187, %dma_wait3A_193] : memref<160x125xi32, #tpu.memory_space<vmem>> -> memref<1x125xi32, #tpu.memory_space<vmem>>
      %dma_wait3A_195 = tpu.memref_squeeze %dma_wait3A_194 : memref<1x125xi32, #tpu.memory_space<vmem>> -> memref<125xi32, #tpu.memory_space<vmem>>
      %dma_wait3A_196 = arith.constant 0 : i32
      %dma_wait3A_197 = arith.constant 0 : i32
      %dma_wait3A_198 = tpu.memref_slice %arg4[%arg0, %dma_wait3A_196, %dma_wait3A_197] : memref<2x10112x64xf32, #tpu.memory_space<hbm>> -> memref<1x10112x64xf32, #tpu.memory_space<hbm>>
      %dma_wait3A_199 = tpu.memref_squeeze %dma_wait3A_198 : memref<1x10112x64xf32, #tpu.memory_space<hbm>> -> memref<10112x64xf32, #tpu.memory_space<hbm>>
      %dma_wait3A_200 = arith.constant 0 : i32
      %dma_wait3A_201 = arith.constant 0 : i32
      %dma_wait3A_202 = tpu.memref_slice %dma_wait3A_199[%dma_wait3A_200, %dma_wait3A_201] : memref<10112x64xf32, #tpu.memory_space<hbm>> -> memref<10112x64xf32, #tpu.memory_space<hbm>>
      tpu.wait_indirect_dma semaphore(%arg11 : memref<!tpu.dma_semaphore, #tpu.memory_space<semaphore_mem>>) src(%dma_wait3A_202 : memref<10112x64xf32, #tpu.memory_space<hbm>>) dst(%dma_wait3A_192 : memref<125x64xf32, #tpu.memory_space<vmem>>)
      %sub3A_203 = arith.constant 2 : i32
      %sub3A_204 = arith.subi %add3A_166, %sub3A_203 : i32
      %dma_start3A_205 = arith.constant 0 : i32
      %dma_start3A_206 = arith.constant 0 : i32
      %dma_start3A_207 = arith.constant 0 : i32
      %dma_start3A_208 = tpu.memref_slice %arg9[%dma_start3A_205, %dma_start3A_206, %dma_start3A_207] : memref<4x125x64xf32, #tpu.memory_space<vmem>> -> memref<1x125x64xf32, #tpu.memory_space<vmem>>
      %dma_start3A_209 = tpu.memref_squeeze %dma_start3A_208 : memref<1x125x64xf32, #tpu.memory_space<vmem>> -> memref<125x64xf32, #tpu.memory_space<vmem>>
      %dma_start3A_210 = arith.constant 0 : i32
      %dma_start3A_211 = tpu.memref_slice %arg8[%sub3A_204, %dma_start3A_210] : memref<160x125xi32, #tpu.memory_space<vmem>> -> memref<1x125xi32, #tpu.memory_space<vmem>>
      %dma_start3A_212 = tpu.memref_squeeze %dma_start3A_211 : memref<1x125xi32, #tpu.memory_space<vmem>> -> memref<125xi32, #tpu.memory_space<vmem>>
      %dma_start3A_213 = arith.constant 0 : i32
      %dma_start3A_214 = arith.constant 0 : i32
      %dma_start3A_215 = tpu.memref_slice %arg10[%dma_start3A_213, %dma_start3A_214] : memref<10112x64xf32, #tpu.memory_space<vmem_shared>> -> memref<10112x64xf32, #tpu.memory_space<vmem_shared>>
      tpu.enqueue_indirect_dma source(%dma_start3A_209 : memref<125x64xf32, #tpu.memory_space<vmem>>) target(%dma_start3A_215 : memref<10112x64xf32, #tpu.memory_space<vmem_shared>>) offsets(%dma_start3A_212 : memref<125xi32, #tpu.memory_space<vmem>>) semaphore(%arg15 : memref<!tpu.dma_semaphore, #tpu.memory_space<semaphore_mem>>) {add = true}
      %add3A_216 = arith.constant 3 : i32
      %add3A_217 = arith.addi %add3A_113, %add3A_216 : i32
      %gt3A_218 = arith.constant 0 : i32
      %gt3A_219 = arith.cmpi sgt, %add3A_113, %gt3A_218 : i32
      %convert_element_type3A_220 = arith.extui %gt3A_219 : i1 to i32
      %cond3A_221 = arith.constant 0 : i32
      %cond3A_222 = arith.cmpi ne, %convert_element_type3A_220, %cond3A_221 : i32
      scf.if %cond3A_222 {
        %sub3A_268 = arith.constant 4 : i32
        %sub3A_269 = arith.subi %add3A_217, %sub3A_268 : i32
        %dma_wait3A_270 = arith.constant 3 : i32
        %dma_wait3A_271 = arith.constant 0 : i32
        %dma_wait3A_272 = arith.constant 0 : i32
        %dma_wait3A_273 = tpu.memref_slice %arg9[%dma_wait3A_270, %dma_wait3A_271, %dma_wait3A_272] : memref<4x125x64xf32, #tpu.memory_space<vmem>> -> memref<1x125x64xf32, #tpu.memory_space<vmem>>
        %dma_wait3A_274 = tpu.memref_squeeze %dma_wait3A_273 : memref<1x125x64xf32, #tpu.memory_space<vmem>> -> memref<125x64xf32, #tpu.memory_space<vmem>>
        %dma_wait3A_275 = arith.constant 0 : i32
        %dma_wait3A_276 = tpu.memref_slice %arg8[%sub3A_269, %dma_wait3A_275] : memref<160x125xi32, #tpu.memory_space<vmem>> -> memref<1x125xi32, #tpu.memory_space<vmem>>
        %dma_wait3A_277 = tpu.memref_squeeze %dma_wait3A_276 : memref<1x125xi32, #tpu.memory_space<vmem>> -> memref<125xi32, #tpu.memory_space<vmem>>
        %dma_wait3A_278 = arith.constant 0 : i32
        %dma_wait3A_279 = arith.constant 0 : i32
        %dma_wait3A_280 = tpu.memref_slice %arg10[%dma_wait3A_278, %dma_wait3A_279] : memref<10112x64xf32, #tpu.memory_space<vmem_shared>> -> memref<10112x64xf32, #tpu.memory_space<vmem_shared>>
        tpu.wait_indirect_dma semaphore(%arg18 : memref<!tpu.dma_semaphore, #tpu.memory_space<semaphore_mem>>) src(%dma_wait3A_274 : memref<125x64xf32, #tpu.memory_space<vmem>>) dst(%dma_wait3A_280 : memref<10112x64xf32, #tpu.memory_space<vmem_shared>>)
      } else {
      }
      %dma_start3A_223 = arith.constant 3 : i32
      %dma_start3A_224 = arith.constant 0 : i32
      %dma_start3A_225 = arith.constant 0 : i32
      %dma_start3A_226 = tpu.memref_slice %arg9[%dma_start3A_223, %dma_start3A_224, %dma_start3A_225] : memref<4x125x64xf32, #tpu.memory_space<vmem>> -> memref<1x125x64xf32, #tpu.memory_space<vmem>>
      %dma_start3A_227 = tpu.memref_squeeze %dma_start3A_226 : memref<1x125x64xf32, #tpu.memory_space<vmem>> -> memref<125x64xf32, #tpu.memory_space<vmem>>
      %dma_start3A_228 = arith.constant 0 : i32
      %dma_start3A_229 = tpu.memref_slice %arg7[%add3A_217, %dma_start3A_228] : memref<160x125xi32, #tpu.memory_space<vmem>> -> memref<1x125xi32, #tpu.memory_space<vmem>>
      %dma_start3A_230 = tpu.memref_squeeze %dma_start3A_229 : memref<1x125xi32, #tpu.memory_space<vmem>> -> memref<125xi32, #tpu.memory_space<vmem>>
      %dma_start3A_231 = arith.constant 0 : i32
      %dma_start3A_232 = arith.constant 0 : i32
      %dma_start3A_233 = tpu.memref_slice %arg4[%arg0, %dma_start3A_231, %dma_start3A_232] : memref<2x10112x64xf32, #tpu.memory_space<hbm>> -> memref<1x10112x64xf32, #tpu.memory_space<hbm>>
      %dma_start3A_234 = tpu.memref_squeeze %dma_start3A_233 : memref<1x10112x64xf32, #tpu.memory_space<hbm>> -> memref<10112x64xf32, #tpu.memory_space<hbm>>
      %dma_start3A_235 = arith.constant 0 : i32
      %dma_start3A_236 = arith.constant 0 : i32
      %dma_start3A_237 = tpu.memref_slice %dma_start3A_234[%dma_start3A_235, %dma_start3A_236] : memref<10112x64xf32, #tpu.memory_space<hbm>> -> memref<10112x64xf32, #tpu.memory_space<hbm>>
      tpu.enqueue_indirect_dma source(%dma_start3A_237 : memref<10112x64xf32, #tpu.memory_space<hbm>>) target(%dma_start3A_227 : memref<125x64xf32, #tpu.memory_space<vmem>>) offsets(%dma_start3A_230 : memref<125xi32, #tpu.memory_space<vmem>>) semaphore(%arg14 : memref<!tpu.dma_semaphore, #tpu.memory_space<semaphore_mem>>)
      %sub3A_238 = arith.constant 2 : i32
      %sub3A_239 = arith.subi %add3A_217, %sub3A_238 : i32
      %dma_wait3A_240 = arith.constant 1 : i32
      %dma_wait3A_241 = arith.constant 0 : i32
      %dma_wait3A_242 = arith.constant 0 : i32
      %dma_wait3A_243 = tpu.memref_slice %arg9[%dma_wait3A_240, %dma_wait3A_241, %dma_wait3A_242] : memref<4x125x64xf32, #tpu.memory_space<vmem>> -> memref<1x125x64xf32, #tpu.memory_space<vmem>>
      %dma_wait3A_244 = tpu.memref_squeeze %dma_wait3A_243 : memref<1x125x64xf32, #tpu.memory_space<vmem>> -> memref<125x64xf32, #tpu.memory_space<vmem>>
      %dma_wait3A_245 = arith.constant 0 : i32
      %dma_wait3A_246 = tpu.memref_slice %arg7[%sub3A_239, %dma_wait3A_245] : memref<160x125xi32, #tpu.memory_space<vmem>> -> memref<1x125xi32, #tpu.memory_space<vmem>>
      %dma_wait3A_247 = tpu.memref_squeeze %dma_wait3A_246 : memref<1x125xi32, #tpu.memory_space<vmem>> -> memref<125xi32, #tpu.memory_space<vmem>>
      %dma_wait3A_248 = arith.constant 0 : i32
      %dma_wait3A_249 = arith.constant 0 : i32
      %dma_wait3A_250 = tpu.memref_slice %arg4[%arg0, %dma_wait3A_248, %dma_wait3A_249] : memref<2x10112x64xf32, #tpu.memory_space<hbm>> -> memref<1x10112x64xf32, #tpu.memory_space<hbm>>
      %dma_wait3A_251 = tpu.memref_squeeze %dma_wait3A_250 : memref<1x10112x64xf32, #tpu.memory_space<hbm>> -> memref<10112x64xf32, #tpu.memory_space<hbm>>
      %dma_wait3A_252 = arith.constant 0 : i32
      %dma_wait3A_253 = arith.constant 0 : i32
      %dma_wait3A_254 = tpu.memref_slice %dma_wait3A_251[%dma_wait3A_252, %dma_wait3A_253] : memref<10112x64xf32, #tpu.memory_space<hbm>> -> memref<10112x64xf32, #tpu.memory_space<hbm>>
      tpu.wait_indirect_dma semaphore(%arg12 : memref<!tpu.dma_semaphore, #tpu.memory_space<semaphore_mem>>) src(%dma_wait3A_254 : memref<10112x64xf32, #tpu.memory_space<hbm>>) dst(%dma_wait3A_244 : memref<125x64xf32, #tpu.memory_space<vmem>>)
      %sub3A_255 = arith.constant 2 : i32
      %sub3A_256 = arith.subi %add3A_217, %sub3A_255 : i32
      %dma_start3A_257 = arith.constant 1 : i32
      %dma_start3A_258 = arith.constant 0 : i32
      %dma_start3A_259 = arith.constant 0 : i32
      %dma_start3A_260 = tpu.memref_slice %arg9[%dma_start3A_257, %dma_start3A_258, %dma_start3A_259] : memref<4x125x64xf32, #tpu.memory_space<vmem>> -> memref<1x125x64xf32, #tpu.memory_space<vmem>>
      %dma_start3A_261 = tpu.memref_squeeze %dma_start3A_260 : memref<1x125x64xf32, #tpu.memory_space<vmem>> -> memref<125x64xf32, #tpu.memory_space<vmem>>
      %dma_start3A_262 = arith.constant 0 : i32
      %dma_start3A_263 = tpu.memref_slice %arg8[%sub3A_256, %dma_start3A_262] : memref<160x125xi32, #tpu.memory_space<vmem>> -> memref<1x125xi32, #tpu.memory_space<vmem>>
      %dma_start3A_264 = tpu.memref_squeeze %dma_start3A_263 : memref<1x125xi32, #tpu.memory_space<vmem>> -> memref<125xi32, #tpu.memory_space<vmem>>
      %dma_start3A_265 = arith.constant 0 : i32
      %dma_start3A_266 = arith.constant 0 : i32
      %dma_start3A_267 = tpu.memref_slice %arg10[%dma_start3A_265, %dma_start3A_266] : memref<10112x64xf32, #tpu.memory_space<vmem_shared>> -> memref<10112x64xf32, #tpu.memory_space<vmem_shared>>
      tpu.enqueue_indirect_dma source(%dma_start3A_261 : memref<125x64xf32, #tpu.memory_space<vmem>>) target(%dma_start3A_267 : memref<10112x64xf32, #tpu.memory_space<vmem_shared>>) offsets(%dma_start3A_264 : memref<125xi32, #tpu.memory_space<vmem>>) semaphore(%arg16 : memref<!tpu.dma_semaphore, #tpu.memory_space<semaphore_mem>>) {add = true}
    }
    %scan3A_6 = arith.constant 40 : i32
    %dma_wait3A = arith.constant 158 : i32
    %dma_wait3A_7 = arith.constant 2 : i32
    %dma_wait3A_8 = arith.constant 0 : i32
    %dma_wait3A_9 = arith.constant 0 : i32
    %dma_wait3A_10 = tpu.memref_slice %arg9[%dma_wait3A_7, %dma_wait3A_8, %dma_wait3A_9] : memref<4x125x64xf32, #tpu.memory_space<vmem>> -> memref<1x125x64xf32, #tpu.memory_space<vmem>>
    %dma_wait3A_11 = tpu.memref_squeeze %dma_wait3A_10 : memref<1x125x64xf32, #tpu.memory_space<vmem>> -> memref<125x64xf32, #tpu.memory_space<vmem>>
    %dma_wait3A_12 = arith.constant 0 : i32
    %dma_wait3A_13 = tpu.memref_slice %arg7[%dma_wait3A, %dma_wait3A_12] : memref<160x125xi32, #tpu.memory_space<vmem>> -> memref<1x125xi32, #tpu.memory_space<vmem>>
    %dma_wait3A_14 = tpu.memref_squeeze %dma_wait3A_13 : memref<1x125xi32, #tpu.memory_space<vmem>> -> memref<125xi32, #tpu.memory_space<vmem>>
    %dma_wait3A_15 = arith.constant 0 : i32
    %dma_wait3A_16 = arith.constant 0 : i32
    %dma_wait3A_17 = tpu.memref_slice %arg4[%arg0, %dma_wait3A_15, %dma_wait3A_16] : memref<2x10112x64xf32, #tpu.memory_space<hbm>> -> memref<1x10112x64xf32, #tpu.memory_space<hbm>>
    %dma_wait3A_18 = tpu.memref_squeeze %dma_wait3A_17 : memref<1x10112x64xf32, #tpu.memory_space<hbm>> -> memref<10112x64xf32, #tpu.memory_space<hbm>>
    %dma_wait3A_19 = arith.constant 0 : i32
    %dma_wait3A_20 = arith.constant 0 : i32
    %dma_wait3A_21 = tpu.memref_slice %dma_wait3A_18[%dma_wait3A_19, %dma_wait3A_20] : memref<10112x64xf32, #tpu.memory_space<hbm>> -> memref<10112x64xf32, #tpu.memory_space<hbm>>
    tpu.wait_indirect_dma semaphore(%arg13 : memref<!tpu.dma_semaphore, #tpu.memory_space<semaphore_mem>>) src(%dma_wait3A_21 : memref<10112x64xf32, #tpu.memory_space<hbm>>) dst(%dma_wait3A_11 : memref<125x64xf32, #tpu.memory_space<vmem>>)
    %dma_start3A = arith.constant 2 : i32
    %dma_start3A_22 = arith.constant 158 : i32
    %dma_start3A_23 = arith.constant 0 : i32
    %dma_start3A_24 = arith.constant 0 : i32
    %dma_start3A_25 = tpu.memref_slice %arg9[%dma_start3A, %dma_start3A_23, %dma_start3A_24] : memref<4x125x64xf32, #tpu.memory_space<vmem>> -> memref<1x125x64xf32, #tpu.memory_space<vmem>>
    %dma_start3A_26 = tpu.memref_squeeze %dma_start3A_25 : memref<1x125x64xf32, #tpu.memory_space<vmem>> -> memref<125x64xf32, #tpu.memory_space<vmem>>
    %dma_start3A_27 = arith.constant 0 : i32
    %dma_start3A_28 = tpu.memref_slice %arg8[%dma_start3A_22, %dma_start3A_27] : memref<160x125xi32, #tpu.memory_space<vmem>> -> memref<1x125xi32, #tpu.memory_space<vmem>>
    %dma_start3A_29 = tpu.memref_squeeze %dma_start3A_28 : memref<1x125xi32, #tpu.memory_space<vmem>> -> memref<125xi32, #tpu.memory_space<vmem>>
    %dma_start3A_30 = arith.constant 0 : i32
    %dma_start3A_31 = arith.constant 0 : i32
    %dma_start3A_32 = tpu.memref_slice %arg10[%dma_start3A_30, %dma_start3A_31] : memref<10112x64xf32, #tpu.memory_space<vmem_shared>> -> memref<10112x64xf32, #tpu.memory_space<vmem_shared>>
    tpu.enqueue_indirect_dma source(%dma_start3A_26 : memref<125x64xf32, #tpu.memory_space<vmem>>) target(%dma_start3A_32 : memref<10112x64xf32, #tpu.memory_space<vmem_shared>>) offsets(%dma_start3A_29 : memref<125xi32, #tpu.memory_space<vmem>>) semaphore(%arg17 : memref<!tpu.dma_semaphore, #tpu.memory_space<semaphore_mem>>) {add = true}
    %dma_wait3A_33 = arith.constant 159 : i32
    %dma_wait3A_34 = arith.constant 3 : i32
    %dma_wait3A_35 = arith.constant 0 : i32
    %dma_wait3A_36 = arith.constant 0 : i32
    %dma_wait3A_37 = tpu.memref_slice %arg9[%dma_wait3A_34, %dma_wait3A_35, %dma_wait3A_36] : memref<4x125x64xf32, #tpu.memory_space<vmem>> -> memref<1x125x64xf32, #tpu.memory_space<vmem>>
    %dma_wait3A_38 = tpu.memref_squeeze %dma_wait3A_37 : memref<1x125x64xf32, #tpu.memory_space<vmem>> -> memref<125x64xf32, #tpu.memory_space<vmem>>
    %dma_wait3A_39 = arith.constant 0 : i32
    %dma_wait3A_40 = tpu.memref_slice %arg7[%dma_wait3A_33, %dma_wait3A_39] : memref<160x125xi32, #tpu.memory_space<vmem>> -> memref<1x125xi32, #tpu.memory_space<vmem>>
    %dma_wait3A_41 = tpu.memref_squeeze %dma_wait3A_40 : memref<1x125xi32, #tpu.memory_space<vmem>> -> memref<125xi32, #tpu.memory_space<vmem>>
    %dma_wait3A_42 = arith.constant 0 : i32
    %dma_wait3A_43 = arith.constant 0 : i32
    %dma_wait3A_44 = tpu.memref_slice %arg4[%arg0, %dma_wait3A_42, %dma_wait3A_43] : memref<2x10112x64xf32, #tpu.memory_space<hbm>> -> memref<1x10112x64xf32, #tpu.memory_space<hbm>>
    %dma_wait3A_45 = tpu.memref_squeeze %dma_wait3A_44 : memref<1x10112x64xf32, #tpu.memory_space<hbm>> -> memref<10112x64xf32, #tpu.memory_space<hbm>>
    %dma_wait3A_46 = arith.constant 0 : i32
    %dma_wait3A_47 = arith.constant 0 : i32
    %dma_wait3A_48 = tpu.memref_slice %dma_wait3A_45[%dma_wait3A_46, %dma_wait3A_47] : memref<10112x64xf32, #tpu.memory_space<hbm>> -> memref<10112x64xf32, #tpu.memory_space<hbm>>
    tpu.wait_indirect_dma semaphore(%arg14 : memref<!tpu.dma_semaphore, #tpu.memory_space<semaphore_mem>>) src(%dma_wait3A_48 : memref<10112x64xf32, #tpu.memory_space<hbm>>) dst(%dma_wait3A_38 : memref<125x64xf32, #tpu.memory_space<vmem>>)
    %dma_start3A_49 = arith.constant 3 : i32
    %dma_start3A_50 = arith.constant 159 : i32
    %dma_start3A_51 = arith.constant 0 : i32
    %dma_start3A_52 = arith.constant 0 : i32
    %dma_start3A_53 = tpu.memref_slice %arg9[%dma_start3A_49, %dma_start3A_51, %dma_start3A_52] : memref<4x125x64xf32, #tpu.memory_space<vmem>> -> memref<1x125x64xf32, #tpu.memory_space<vmem>>
    %dma_start3A_54 = tpu.memref_squeeze %dma_start3A_53 : memref<1x125x64xf32, #tpu.memory_space<vmem>> -> memref<125x64xf32, #tpu.memory_space<vmem>>
    %dma_start3A_55 = arith.constant 0 : i32
    %dma_start3A_56 = tpu.memref_slice %arg8[%dma_start3A_50, %dma_start3A_55] : memref<160x125xi32, #tpu.memory_space<vmem>> -> memref<1x125xi32, #tpu.memory_space<vmem>>
    %dma_start3A_57 = tpu.memref_squeeze %dma_start3A_56 : memref<1x125xi32, #tpu.memory_space<vmem>> -> memref<125xi32, #tpu.memory_space<vmem>>
    %dma_start3A_58 = arith.constant 0 : i32
    %dma_start3A_59 = arith.constant 0 : i32
    %dma_start3A_60 = tpu.memref_slice %arg10[%dma_start3A_58, %dma_start3A_59] : memref<10112x64xf32, #tpu.memory_space<vmem_shared>> -> memref<10112x64xf32, #tpu.memory_space<vmem_shared>>
    tpu.enqueue_indirect_dma source(%dma_start3A_54 : memref<125x64xf32, #tpu.memory_space<vmem>>) target(%dma_start3A_60 : memref<10112x64xf32, #tpu.memory_space<vmem_shared>>) offsets(%dma_start3A_57 : memref<125xi32, #tpu.memory_space<vmem>>) semaphore(%arg18 : memref<!tpu.dma_semaphore, #tpu.memory_space<semaphore_mem>>) {add = true}
    %dma_wait3A_61 = arith.constant 0 : i32
    %dma_wait3A_62 = arith.constant 156 : i32
    %dma_wait3A_63 = arith.constant 0 : i32
    %dma_wait3A_64 = arith.constant 0 : i32
    %dma_wait3A_65 = tpu.memref_slice %arg9[%dma_wait3A_61, %dma_wait3A_63, %dma_wait3A_64] : memref<4x125x64xf32, #tpu.memory_space<vmem>> -> memref<1x125x64xf32, #tpu.memory_space<vmem>>
    %dma_wait3A_66 = tpu.memref_squeeze %dma_wait3A_65 : memref<1x125x64xf32, #tpu.memory_space<vmem>> -> memref<125x64xf32, #tpu.memory_space<vmem>>
    %dma_wait3A_67 = arith.constant 0 : i32
    %dma_wait3A_68 = tpu.memref_slice %arg8[%dma_wait3A_62, %dma_wait3A_67] : memref<160x125xi32, #tpu.memory_space<vmem>> -> memref<1x125xi32, #tpu.memory_space<vmem>>
    %dma_wait3A_69 = tpu.memref_squeeze %dma_wait3A_68 : memref<1x125xi32, #tpu.memory_space<vmem>> -> memref<125xi32, #tpu.memory_space<vmem>>
    %dma_wait3A_70 = arith.constant 0 : i32
    %dma_wait3A_71 = arith.constant 0 : i32
    %dma_wait3A_72 = tpu.memref_slice %arg10[%dma_wait3A_70, %dma_wait3A_71] : memref<10112x64xf32, #tpu.memory_space<vmem_shared>> -> memref<10112x64xf32, #tpu.memory_space<vmem_shared>>
    tpu.wait_indirect_dma semaphore(%arg15 : memref<!tpu.dma_semaphore, #tpu.memory_space<semaphore_mem>>) src(%dma_wait3A_66 : memref<125x64xf32, #tpu.memory_space<vmem>>) dst(%dma_wait3A_72 : memref<10112x64xf32, #tpu.memory_space<vmem_shared>>)
    %dma_wait3A_73 = arith.constant 1 : i32
    %dma_wait3A_74 = arith.constant 157 : i32
    %dma_wait3A_75 = arith.constant 0 : i32
    %dma_wait3A_76 = arith.constant 0 : i32
    %dma_wait3A_77 = tpu.memref_slice %arg9[%dma_wait3A_73, %dma_wait3A_75, %dma_wait3A_76] : memref<4x125x64xf32, #tpu.memory_space<vmem>> -> memref<1x125x64xf32, #tpu.memory_space<vmem>>
    %dma_wait3A_78 = tpu.memref_squeeze %dma_wait3A_77 : memref<1x125x64xf32, #tpu.memory_space<vmem>> -> memref<125x64xf32, #tpu.memory_space<vmem>>
    %dma_wait3A_79 = arith.constant 0 : i32
    %dma_wait3A_80 = tpu.memref_slice %arg8[%dma_wait3A_74, %dma_wait3A_79] : memref<160x125xi32, #tpu.memory_space<vmem>> -> memref<1x125xi32, #tpu.memory_space<vmem>>
    %dma_wait3A_81 = tpu.memref_squeeze %dma_wait3A_80 : memref<1x125xi32, #tpu.memory_space<vmem>> -> memref<125xi32, #tpu.memory_space<vmem>>
    %dma_wait3A_82 = arith.constant 0 : i32
    %dma_wait3A_83 = arith.constant 0 : i32
    %dma_wait3A_84 = tpu.memref_slice %arg10[%dma_wait3A_82, %dma_wait3A_83] : memref<10112x64xf32, #tpu.memory_space<vmem_shared>> -> memref<10112x64xf32, #tpu.memory_space<vmem_shared>>
    tpu.wait_indirect_dma semaphore(%arg16 : memref<!tpu.dma_semaphore, #tpu.memory_space<semaphore_mem>>) src(%dma_wait3A_78 : memref<125x64xf32, #tpu.memory_space<vmem>>) dst(%dma_wait3A_84 : memref<10112x64xf32, #tpu.memory_space<vmem_shared>>)
    %dma_wait3A_85 = arith.constant 2 : i32
    %dma_wait3A_86 = arith.constant 158 : i32
    %dma_wait3A_87 = arith.constant 0 : i32
    %dma_wait3A_88 = arith.constant 0 : i32
    %dma_wait3A_89 = tpu.memref_slice %arg9[%dma_wait3A_85, %dma_wait3A_87, %dma_wait3A_88] : memref<4x125x64xf32, #tpu.memory_space<vmem>> -> memref<1x125x64xf32, #tpu.memory_space<vmem>>
    %dma_wait3A_90 = tpu.memref_squeeze %dma_wait3A_89 : memref<1x125x64xf32, #tpu.memory_space<vmem>> -> memref<125x64xf32, #tpu.memory_space<vmem>>
    %dma_wait3A_91 = arith.constant 0 : i32
    %dma_wait3A_92 = tpu.memref_slice %arg8[%dma_wait3A_86, %dma_wait3A_91] : memref<160x125xi32, #tpu.memory_space<vmem>> -> memref<1x125xi32, #tpu.memory_space<vmem>>
    %dma_wait3A_93 = tpu.memref_squeeze %dma_wait3A_92 : memref<1x125xi32, #tpu.memory_space<vmem>> -> memref<125xi32, #tpu.memory_space<vmem>>
    %dma_wait3A_94 = arith.constant 0 : i32
    %dma_wait3A_95 = arith.constant 0 : i32
    %dma_wait3A_96 = tpu.memref_slice %arg10[%dma_wait3A_94, %dma_wait3A_95] : memref<10112x64xf32, #tpu.memory_space<vmem_shared>> -> memref<10112x64xf32, #tpu.memory_space<vmem_shared>>
    tpu.wait_indirect_dma semaphore(%arg17 : memref<!tpu.dma_semaphore, #tpu.memory_space<semaphore_mem>>) src(%dma_wait3A_90 : memref<125x64xf32, #tpu.memory_space<vmem>>) dst(%dma_wait3A_96 : memref<10112x64xf32, #tpu.memory_space<vmem_shared>>)
    %dma_wait3A_97 = arith.constant 3 : i32
    %dma_wait3A_98 = arith.constant 159 : i32
    %dma_wait3A_99 = arith.constant 0 : i32
    %dma_wait3A_100 = arith.constant 0 : i32
    %dma_wait3A_101 = tpu.memref_slice %arg9[%dma_wait3A_97, %dma_wait3A_99, %dma_wait3A_100] : memref<4x125x64xf32, #tpu.memory_space<vmem>> -> memref<1x125x64xf32, #tpu.memory_space<vmem>>
    %dma_wait3A_102 = tpu.memref_squeeze %dma_wait3A_101 : memref<1x125x64xf32, #tpu.memory_space<vmem>> -> memref<125x64xf32, #tpu.memory_space<vmem>>
    %dma_wait3A_103 = arith.constant 0 : i32
    %dma_wait3A_104 = tpu.memref_slice %arg8[%dma_wait3A_98, %dma_wait3A_103] : memref<160x125xi32, #tpu.memory_space<vmem>> -> memref<1x125xi32, #tpu.memory_space<vmem>>
    %dma_wait3A_105 = tpu.memref_squeeze %dma_wait3A_104 : memref<1x125xi32, #tpu.memory_space<vmem>> -> memref<125xi32, #tpu.memory_space<vmem>>
    %dma_wait3A_106 = arith.constant 0 : i32
    %dma_wait3A_107 = arith.constant 0 : i32
    %dma_wait3A_108 = tpu.memref_slice %arg10[%dma_wait3A_106, %dma_wait3A_107] : memref<10112x64xf32, #tpu.memory_space<vmem_shared>> -> memref<10112x64xf32, #tpu.memory_space<vmem_shared>>
    tpu.wait_indirect_dma semaphore(%arg18 : memref<!tpu.dma_semaphore, #tpu.memory_space<semaphore_mem>>) src(%dma_wait3A_102 : memref<125x64xf32, #tpu.memory_space<vmem>>) dst(%dma_wait3A_108 : memref<10112x64xf32, #tpu.memory_space<vmem_shared>>)
    %barrier3A_109 = arith.constant 0 : index
    tpu.barrier barrier_id(%barrier3A_109)
    "tpu.region"() ({
      %run_scoped3A = tpu.sem_alloc : memref<!tpu.dma_semaphore, #tpu.memory_space<semaphore_mem>>
      %dma_start3A_110 = tpu.memref_slice %arg6[%mul3A_0, %mul3A_2] : memref<10112x128xf32, #tpu.memory_space<hbm>> -> memref<632x64xf32, #tpu.memory_space<hbm>>
      %dma_start3A_111 = arith.constant 0 : i32
      %dma_start3A_112 = tpu.memref_slice %arg10[%mul3A_0, %dma_start3A_111] : memref<10112x64xf32, #tpu.memory_space<vmem_shared>> -> memref<632x64xf32, #tpu.memory_space<vmem_shared>>
      tpu.enqueue_dma source(%dma_start3A_112 : memref<632x64xf32, #tpu.memory_space<vmem_shared>>) target(%dma_start3A_110 : memref<632x64xf32, #tpu.memory_space<hbm>>) target_semaphore(%run_scoped3A : memref<!tpu.dma_semaphore, #tpu.memory_space<semaphore_mem>>)
      %dma_wait3A_113 = tpu.memref_slice %arg6[%mul3A_0, %mul3A_2] : memref<10112x128xf32, #tpu.memory_space<hbm>> -> memref<632x64xf32, #tpu.memory_space<hbm>>
      %dma_wait3A_114 = arith.constant 0 : i32
      %dma_wait3A_115 = tpu.memref_slice %arg10[%mul3A_0, %dma_wait3A_114] : memref<10112x64xf32, #tpu.memory_space<vmem_shared>> -> memref<632x64xf32, #tpu.memory_space<vmem_shared>>
      tpu.wait_dma2 semaphore(%run_scoped3A : memref<!tpu.dma_semaphore, #tpu.memory_space<semaphore_mem>>) src(%dma_wait3A_115 : memref<632x64xf32, #tpu.memory_space<vmem_shared>>) dst(%dma_wait3A_113 : memref<632x64xf32, #tpu.memory_space<hbm>>)
      tpu.yield
    }) : () -> ()
    return
  }
}

#map = affine_map<(d0, d1) -> (0, 0, 0)>
#map1 = affine_map<(d0, d1) -> (0, 0)>
module attributes {stable_mosaic.version = 14 : i64} {
  func.func @edge_kernel(%arg0: i32, %arg1: i32, %arg2: memref<16x160x125xi32, #tpu.memory_space<hbm>>, %arg3: memref<16x160x125xi32, #tpu.memory_space<hbm>>, %arg4: memref<2x10112x64xf32, #tpu.memory_space<hbm>>, %arg5: memref<10112x64xf32, #tpu.memory_space<hbm>>, %arg6: memref<10112x128xf32, #tpu.memory_space<hbm>>, %arg7: memref<160x125xi32, #tpu.memory_space<vmem>>, %arg8: memref<160x125xi32, #tpu.memory_space<vmem>>, %arg9: memref<4x125x64xf32, #tpu.memory_space<vmem>>, %arg10: memref<10112x64xf32, #tpu.memory_space<vmem_shared>>, %arg11: memref<!tpu.dma_semaphore, #tpu.memory_space<semaphore_mem>>, %arg12: memref<!tpu.dma_semaphore, #tpu.memory_space<semaphore_mem>>, %arg13: memref<!tpu.dma_semaphore, #tpu.memory_space<semaphore_mem>>, %arg14: memref<!tpu.dma_semaphore, #tpu.memory_space<semaphore_mem>>, %arg15: memref<!tpu.dma_semaphore, #tpu.memory_space<semaphore_mem>>, %arg16: memref<!tpu.dma_semaphore, #tpu.memory_space<semaphore_mem>>, %arg17: memref<!tpu.dma_semaphore, #tpu.memory_space<semaphore_mem>>, %arg18: memref<!tpu.dma_semaphore, #tpu.memory_space<semaphore_mem>>) attributes {dimension_semantics = [#tpu.dimension_semantics<core_parallel>, #tpu.dimension_semantics<subcore_parallel>], iteration_bounds = array<i64: 2, 16>, scalar_prefetch = 0 : i64, scratch_operands = 12 : i64, tpu.core_type = #tpu.core_type<sc_vector_subcore>, window_params = [{transform_indices = #map}, {transform_indices = #map}, {transform_indices = #map}, {transform_indices = #map1}, {transform_indices = #map1}]} {
    %mul3A = arith.constant 632 : i32
    %mul3A_0 = arith.muli %arg1, %mul3A : i32
    %mul3A_1 = arith.constant 64 : i32
    %mul3A_2 = arith.muli %arg0, %mul3A_1 : i32
    "tpu.region"() ({
      %run_scoped3A = tpu.sem_alloc : memref<!tpu.dma_semaphore, #tpu.memory_space<semaphore_mem>>
      %dma_start3A_110 = arith.constant 0 : i32
      %dma_start3A_111 = arith.constant 0 : i32
      %dma_start3A_112 = tpu.memref_slice %arg2[%arg1, %dma_start3A_110, %dma_start3A_111] : memref<16x160x125xi32, #tpu.memory_space<hbm>> -> memref<1x160x125xi32, #tpu.memory_space<hbm>>
      %dma_start3A_113 = tpu.memref_squeeze %dma_start3A_112 : memref<1x160x125xi32, #tpu.memory_space<hbm>> -> memref<160x125xi32, #tpu.memory_space<hbm>>
      %dma_start3A_114 = arith.constant 0 : i32
      %dma_start3A_115 = arith.constant 0 : i32
      %dma_start3A_116 = tpu.memref_slice %arg2[%arg1, %dma_start3A_114, %dma_start3A_115] : memref<16x160x125xi32, #tpu.memory_space<hbm>> -> memref<1x160x125xi32, #tpu.memory_space<hbm>>
      %dma_start3A_117 = tpu.memref_squeeze %dma_start3A_116 : memref<1x160x125xi32, #tpu.memory_space<hbm>> -> memref<160x125xi32, #tpu.memory_space<hbm>>
      tpu.enqueue_dma source(%dma_start3A_117 : memref<160x125xi32, #tpu.memory_space<hbm>>) target(%arg7 : memref<160x125xi32, #tpu.memory_space<vmem>>) target_semaphore(%run_scoped3A : memref<!tpu.dma_semaphore, #tpu.memory_space<semaphore_mem>>)
      %dma_wait3A_118 = arith.constant 0 : i32
      %dma_wait3A_119 = arith.constant 0 : i32
      %dma_wait3A_120 = tpu.memref_slice %arg2[%arg1, %dma_wait3A_118, %dma_wait3A_119] : memref<16x160x125xi32, #tpu.memory_space<hbm>> -> memref<1x160x125xi32, #tpu.memory_space<hbm>>
      %dma_wait3A_121 = tpu.memref_squeeze %dma_wait3A_120 : memref<1x160x125xi32, #tpu.memory_space<hbm>> -> memref<160x125xi32, #tpu.memory_space<hbm>>
      %dma_wait3A_122 = arith.constant 0 : i32
      %dma_wait3A_123 = arith.constant 0 : i32
      %dma_wait3A_124 = tpu.memref_slice %arg2[%arg1, %dma_wait3A_122, %dma_wait3A_123] : memref<16x160x125xi32, #tpu.memory_space<hbm>> -> memref<1x160x125xi32, #tpu.memory_space<hbm>>
      %dma_wait3A_125 = tpu.memref_squeeze %dma_wait3A_124 : memref<1x160x125xi32, #tpu.memory_space<hbm>> -> memref<160x125xi32, #tpu.memory_space<hbm>>
      tpu.wait_dma2 semaphore(%run_scoped3A : memref<!tpu.dma_semaphore, #tpu.memory_space<semaphore_mem>>) src(%dma_wait3A_125 : memref<160x125xi32, #tpu.memory_space<hbm>>) dst(%arg7 : memref<160x125xi32, #tpu.memory_space<vmem>>)
      tpu.yield
    }) : () -> ()
    "tpu.region"() ({
      %run_scoped3A = tpu.sem_alloc : memref<!tpu.dma_semaphore, #tpu.memory_space<semaphore_mem>>
      %dma_start3A_110 = arith.constant 0 : i32
      %dma_start3A_111 = arith.constant 0 : i32
      %dma_start3A_112 = tpu.memref_slice %arg3[%arg1, %dma_start3A_110, %dma_start3A_111] : memref<16x160x125xi32, #tpu.memory_space<hbm>> -> memref<1x160x125xi32, #tpu.memory_space<hbm>>
      %dma_start3A_113 = tpu.memref_squeeze %dma_start3A_112 : memref<1x160x125xi32, #tpu.memory_space<hbm>> -> memref<160x125xi32, #tpu.memory_space<hbm>>
      %dma_start3A_114 = arith.constant 0 : i32
      %dma_start3A_115 = arith.constant 0 : i32
      %dma_start3A_116 = tpu.memref_slice %arg3[%arg1, %dma_start3A_114, %dma_start3A_115] : memref<16x160x125xi32, #tpu.memory_space<hbm>> -> memref<1x160x125xi32, #tpu.memory_space<hbm>>
      %dma_start3A_117 = tpu.memref_squeeze %dma_start3A_116 : memref<1x160x125xi32, #tpu.memory_space<hbm>> -> memref<160x125xi32, #tpu.memory_space<hbm>>
      tpu.enqueue_dma source(%dma_start3A_117 : memref<160x125xi32, #tpu.memory_space<hbm>>) target(%arg8 : memref<160x125xi32, #tpu.memory_space<vmem>>) target_semaphore(%run_scoped3A : memref<!tpu.dma_semaphore, #tpu.memory_space<semaphore_mem>>)
      %dma_wait3A_118 = arith.constant 0 : i32
      %dma_wait3A_119 = arith.constant 0 : i32
      %dma_wait3A_120 = tpu.memref_slice %arg3[%arg1, %dma_wait3A_118, %dma_wait3A_119] : memref<16x160x125xi32, #tpu.memory_space<hbm>> -> memref<1x160x125xi32, #tpu.memory_space<hbm>>
      %dma_wait3A_121 = tpu.memref_squeeze %dma_wait3A_120 : memref<1x160x125xi32, #tpu.memory_space<hbm>> -> memref<160x125xi32, #tpu.memory_space<hbm>>
      %dma_wait3A_122 = arith.constant 0 : i32
      %dma_wait3A_123 = arith.constant 0 : i32
      %dma_wait3A_124 = tpu.memref_slice %arg3[%arg1, %dma_wait3A_122, %dma_wait3A_123] : memref<16x160x125xi32, #tpu.memory_space<hbm>> -> memref<1x160x125xi32, #tpu.memory_space<hbm>>
      %dma_wait3A_125 = tpu.memref_squeeze %dma_wait3A_124 : memref<1x160x125xi32, #tpu.memory_space<hbm>> -> memref<160x125xi32, #tpu.memory_space<hbm>>
      tpu.wait_dma2 semaphore(%run_scoped3A : memref<!tpu.dma_semaphore, #tpu.memory_space<semaphore_mem>>) src(%dma_wait3A_125 : memref<160x125xi32, #tpu.memory_space<hbm>>) dst(%arg8 : memref<160x125xi32, #tpu.memory_space<vmem>>)
      tpu.yield
    }) : () -> ()
    "tpu.region"() ({
      %run_scoped3A = tpu.sem_alloc : memref<!tpu.dma_semaphore, #tpu.memory_space<semaphore_mem>>
      %dma_start3A_110 = arith.constant 0 : i32
      %dma_start3A_111 = tpu.memref_slice %arg10[%mul3A_0, %dma_start3A_110] : memref<10112x64xf32, #tpu.memory_space<vmem_shared>> -> memref<632x64xf32, #tpu.memory_space<vmem_shared>>
      %dma_start3A_112 = arith.constant 0 : i32
      %dma_start3A_113 = tpu.memref_slice %arg5[%mul3A_0, %dma_start3A_112] : memref<10112x64xf32, #tpu.memory_space<hbm>> -> memref<632x64xf32, #tpu.memory_space<hbm>>
      tpu.enqueue_dma source(%dma_start3A_113 : memref<632x64xf32, #tpu.memory_space<hbm>>) target(%dma_start3A_111 : memref<632x64xf32, #tpu.memory_space<vmem_shared>>) target_semaphore(%run_scoped3A : memref<!tpu.dma_semaphore, #tpu.memory_space<semaphore_mem>>)
      %dma_wait3A_114 = arith.constant 0 : i32
      %dma_wait3A_115 = tpu.memref_slice %arg10[%mul3A_0, %dma_wait3A_114] : memref<10112x64xf32, #tpu.memory_space<vmem_shared>> -> memref<632x64xf32, #tpu.memory_space<vmem_shared>>
      %dma_wait3A_116 = arith.constant 0 : i32
      %dma_wait3A_117 = tpu.memref_slice %arg5[%mul3A_0, %dma_wait3A_116] : memref<10112x64xf32, #tpu.memory_space<hbm>> -> memref<632x64xf32, #tpu.memory_space<hbm>>
      tpu.wait_dma2 semaphore(%run_scoped3A : memref<!tpu.dma_semaphore, #tpu.memory_space<semaphore_mem>>) src(%dma_wait3A_117 : memref<632x64xf32, #tpu.memory_space<hbm>>) dst(%dma_wait3A_115 : memref<632x64xf32, #tpu.memory_space<vmem_shared>>)
      tpu.yield
    }) : () -> ()
    %barrier3A = arith.constant 0 : index
    tpu.barrier barrier_id(%barrier3A)
    %scan3A = arith.constant 0 : i32
    %scan3A_3 = arith.constant 40 : i32
    %scan3A_4 = arith.addi %scan3A, %scan3A_3 : i32
    %scan3A_5 = arith.constant 1 : i32
    scf.for %scan3A_110 = %scan3A to %scan3A_4 step %scan3A_5  : i32 {
      %mul3A_111 = arith.constant 4 : i32
      %mul3A_112 = arith.muli %scan3A_110, %mul3A_111 : i32
      %add3A = arith.constant 0 : i32
      %add3A_113 = arith.addi %add3A, %mul3A_112 : i32
      %add3A_114 = arith.constant 0 : i32
      %add3A_115 = arith.addi %add3A_113, %add3A_114 : i32
      %gt3A = arith.constant 0 : i32
      %gt3A_116 = arith.cmpi sgt, %add3A_113, %gt3A : i32
      %convert_element_type3A = arith.extui %gt3A_116 : i1 to i32
      %cond3A = arith.constant 0 : i32
      %cond3A_117 = arith.cmpi ne, %convert_element_type3A, %cond3A : i32
      scf.if %cond3A_117 {
        %sub3A_268 = arith.constant 4 : i32
        %sub3A_269 = arith.subi %add3A_115, %sub3A_268 : i32
        %dma_wait3A_270 = arith.constant 0 : i32
        %dma_wait3A_271 = arith.constant 0 : i32
        %dma_wait3A_272 = arith.constant 0 : i32
        %dma_wait3A_273 = tpu.memref_slice %arg9[%dma_wait3A_270, %dma_wait3A_271, %dma_wait3A_272] : memref<4x125x64xf32, #tpu.memory_space<vmem>> -> memref<1x125x64xf32, #tpu.memory_space<vmem>>
        %dma_wait3A_274 = tpu.memref_squeeze %dma_wait3A_273 : memref<1x125x64xf32, #tpu.memory_space<vmem>> -> memref<125x64xf32, #tpu.memory_space<vmem>>
        %dma_wait3A_275 = arith.constant 0 : i32
        %dma_wait3A_276 = tpu.memref_slice %arg8[%sub3A_269, %dma_wait3A_275] : memref<160x125xi32, #tpu.memory_space<vmem>> -> memref<1x125xi32, #tpu.memory_space<vmem>>
        %dma_wait3A_277 = tpu.memref_squeeze %dma_wait3A_276 : memref<1x125xi32, #tpu.memory_space<vmem>> -> memref<125xi32, #tpu.memory_space<vmem>>
        %dma_wait3A_278 = arith.constant 0 : i32
        %dma_wait3A_279 = arith.constant 0 : i32
        %dma_wait3A_280 = tpu.memref_slice %arg10[%dma_wait3A_278, %dma_wait3A_279] : memref<10112x64xf32, #tpu.memory_space<vmem_shared>> -> memref<10112x64xf32, #tpu.memory_space<vmem_shared>>
        tpu.wait_indirect_dma semaphore(%arg15 : memref<!tpu.dma_semaphore, #tpu.memory_space<semaphore_mem>>) src(%dma_wait3A_274 : memref<125x64xf32, #tpu.memory_space<vmem>>) dst(%dma_wait3A_280 : memref<10112x64xf32, #tpu.memory_space<vmem_shared>>)
      } else {
      }
      %dma_start3A_118 = arith.constant 0 : i32
      %dma_start3A_119 = arith.constant 0 : i32
      %dma_start3A_120 = arith.constant 0 : i32
      %dma_start3A_121 = tpu.memref_slice %arg9[%dma_start3A_118, %dma_start3A_119, %dma_start3A_120] : memref<4x125x64xf32, #tpu.memory_space<vmem>> -> memref<1x125x64xf32, #tpu.memory_space<vmem>>
      %dma_start3A_122 = tpu.memref_squeeze %dma_start3A_121 : memref<1x125x64xf32, #tpu.memory_space<vmem>> -> memref<125x64xf32, #tpu.memory_space<vmem>>
      %dma_start3A_123 = arith.constant 0 : i32
      %dma_start3A_124 = tpu.memref_slice %arg7[%add3A_115, %dma_start3A_123] : memref<160x125xi32, #tpu.memory_space<vmem>> -> memref<1x125xi32, #tpu.memory_space<vmem>>
      %dma_start3A_125 = tpu.memref_squeeze %dma_start3A_124 : memref<1x125xi32, #tpu.memory_space<vmem>> -> memref<125xi32, #tpu.memory_space<vmem>>
      %dma_start3A_126 = arith.constant 0 : i32
      %dma_start3A_127 = arith.constant 0 : i32
      %dma_start3A_128 = tpu.memref_slice %arg4[%arg0, %dma_start3A_126, %dma_start3A_127] : memref<2x10112x64xf32, #tpu.memory_space<hbm>> -> memref<1x10112x64xf32, #tpu.memory_space<hbm>>
      %dma_start3A_129 = tpu.memref_squeeze %dma_start3A_128 : memref<1x10112x64xf32, #tpu.memory_space<hbm>> -> memref<10112x64xf32, #tpu.memory_space<hbm>>
      %dma_start3A_130 = arith.constant 0 : i32
      %dma_start3A_131 = arith.constant 0 : i32
      %dma_start3A_132 = tpu.memref_slice %dma_start3A_129[%dma_start3A_130, %dma_start3A_131] : memref<10112x64xf32, #tpu.memory_space<hbm>> -> memref<10112x64xf32, #tpu.memory_space<hbm>>
      tpu.enqueue_indirect_dma source(%dma_start3A_132 : memref<10112x64xf32, #tpu.memory_space<hbm>>) target(%dma_start3A_122 : memref<125x64xf32, #tpu.memory_space<vmem>>) offsets(%dma_start3A_125 : memref<125xi32, #tpu.memory_space<vmem>>) semaphore(%arg11 : memref<!tpu.dma_semaphore, #tpu.memory_space<semaphore_mem>>)
      %gt3A_133 = arith.constant 0 : i32
      %gt3A_134 = arith.cmpi sgt, %add3A_113, %gt3A_133 : i32
      %convert_element_type3A_135 = arith.extui %gt3A_134 : i1 to i32
      %cond3A_136 = arith.constant 0 : i32
      %cond3A_137 = arith.cmpi ne, %convert_element_type3A_135, %cond3A_136 : i32
      scf.if %cond3A_137 {
        %sub3A_268 = arith.constant 2 : i32
        %sub3A_269 = arith.subi %add3A_115, %sub3A_268 : i32
        %dma_wait3A_270 = arith.constant 2 : i32
        %dma_wait3A_271 = arith.constant 0 : i32
        %dma_wait3A_272 = arith.constant 0 : i32
        %dma_wait3A_273 = tpu.memref_slice %arg9[%dma_wait3A_270, %dma_wait3A_271, %dma_wait3A_272] : memref<4x125x64xf32, #tpu.memory_space<vmem>> -> memref<1x125x64xf32, #tpu.memory_space<vmem>>
        %dma_wait3A_274 = tpu.memref_squeeze %dma_wait3A_273 : memref<1x125x64xf32, #tpu.memory_space<vmem>> -> memref<125x64xf32, #tpu.memory_space<vmem>>
        %dma_wait3A_275 = arith.constant 0 : i32
        %dma_wait3A_276 = tpu.memref_slice %arg7[%sub3A_269, %dma_wait3A_275] : memref<160x125xi32, #tpu.memory_space<vmem>> -> memref<1x125xi32, #tpu.memory_space<vmem>>
        %dma_wait3A_277 = tpu.memref_squeeze %dma_wait3A_276 : memref<1x125xi32, #tpu.memory_space<vmem>> -> memref<125xi32, #tpu.memory_space<vmem>>
        %dma_wait3A_278 = arith.constant 0 : i32
        %dma_wait3A_279 = arith.constant 0 : i32
        %dma_wait3A_280 = tpu.memref_slice %arg4[%arg0, %dma_wait3A_278, %dma_wait3A_279] : memref<2x10112x64xf32, #tpu.memory_space<hbm>> -> memref<1x10112x64xf32, #tpu.memory_space<hbm>>
        %dma_wait3A_281 = tpu.memref_squeeze %dma_wait3A_280 : memref<1x10112x64xf32, #tpu.memory_space<hbm>> -> memref<10112x64xf32, #tpu.memory_space<hbm>>
        %dma_wait3A_282 = arith.constant 0 : i32
        %dma_wait3A_283 = arith.constant 0 : i32
        %dma_wait3A_284 = tpu.memref_slice %dma_wait3A_281[%dma_wait3A_282, %dma_wait3A_283] : memref<10112x64xf32, #tpu.memory_space<hbm>> -> memref<10112x64xf32, #tpu.memory_space<hbm>>
        tpu.wait_indirect_dma semaphore(%arg13 : memref<!tpu.dma_semaphore, #tpu.memory_space<semaphore_mem>>) src(%dma_wait3A_284 : memref<10112x64xf32, #tpu.memory_space<hbm>>) dst(%dma_wait3A_274 : memref<125x64xf32, #tpu.memory_space<vmem>>)
        %sub3A_285 = arith.constant 2 : i32
        %sub3A_286 = arith.subi %add3A_115, %sub3A_285 : i32
        %dma_start3A_287 = arith.constant 2 : i32
        %dma_start3A_288 = arith.constant 0 : i32
        %dma_start3A_289 = arith.constant 0 : i32
        %dma_start3A_290 = tpu.memref_slice %arg9[%dma_start3A_287, %dma_start3A_288, %dma_start3A_289] : memref<4x125x64xf32, #tpu.memory_space<vmem>> -> memref<1x125x64xf32, #tpu.memory_space<vmem>>
        %dma_start3A_291 = tpu.memref_squeeze %dma_start3A_290 : memref<1x125x64xf32, #tpu.memory_space<vmem>> -> memref<125x64xf32, #tpu.memory_space<vmem>>
        %dma_start3A_292 = arith.constant 0 : i32
        %dma_start3A_293 = tpu.memref_slice %arg8[%sub3A_286, %dma_start3A_292] : memref<160x125xi32, #tpu.memory_space<vmem>> -> memref<1x125xi32, #tpu.memory_space<vmem>>
        %dma_start3A_294 = tpu.memref_squeeze %dma_start3A_293 : memref<1x125xi32, #tpu.memory_space<vmem>> -> memref<125xi32, #tpu.memory_space<vmem>>
        %dma_start3A_295 = arith.constant 0 : i32
        %dma_start3A_296 = arith.constant 0 : i32
        %dma_start3A_297 = tpu.memref_slice %arg10[%dma_start3A_295, %dma_start3A_296] : memref<10112x64xf32, #tpu.memory_space<vmem_shared>> -> memref<10112x64xf32, #tpu.memory_space<vmem_shared>>
        tpu.enqueue_indirect_dma source(%dma_start3A_291 : memref<125x64xf32, #tpu.memory_space<vmem>>) target(%dma_start3A_297 : memref<10112x64xf32, #tpu.memory_space<vmem_shared>>) offsets(%dma_start3A_294 : memref<125xi32, #tpu.memory_space<vmem>>) semaphore(%arg17 : memref<!tpu.dma_semaphore, #tpu.memory_space<semaphore_mem>>) {add = true}
      } else {
      }
      %add3A_138 = arith.constant 1 : i32
      %add3A_139 = arith.addi %add3A_113, %add3A_138 : i32
      %gt3A_140 = arith.constant 0 : i32
      %gt3A_141 = arith.cmpi sgt, %add3A_113, %gt3A_140 : i32
      %convert_element_type3A_142 = arith.extui %gt3A_141 : i1 to i32
      %cond3A_143 = arith.constant 0 : i32
      %cond3A_144 = arith.cmpi ne, %convert_element_type3A_142, %cond3A_143 : i32
      scf.if %cond3A_144 {
        %sub3A_268 = arith.constant 4 : i32
        %sub3A_269 = arith.subi %add3A_139, %sub3A_268 : i32
        %dma_wait3A_270 = arith.constant 1 : i32
        %dma_wait3A_271 = arith.constant 0 : i32
        %dma_wait3A_272 = arith.constant 0 : i32
        %dma_wait3A_273 = tpu.memref_slice %arg9[%dma_wait3A_270, %dma_wait3A_271, %dma_wait3A_272] : memref<4x125x64xf32, #tpu.memory_space<vmem>> -> memref<1x125x64xf32, #tpu.memory_space<vmem>>
        %dma_wait3A_274 = tpu.memref_squeeze %dma_wait3A_273 : memref<1x125x64xf32, #tpu.memory_space<vmem>> -> memref<125x64xf32, #tpu.memory_space<vmem>>
        %dma_wait3A_275 = arith.constant 0 : i32
        %dma_wait3A_276 = tpu.memref_slice %arg8[%sub3A_269, %dma_wait3A_275] : memref<160x125xi32, #tpu.memory_space<vmem>> -> memref<1x125xi32, #tpu.memory_space<vmem>>
        %dma_wait3A_277 = tpu.memref_squeeze %dma_wait3A_276 : memref<1x125xi32, #tpu.memory_space<vmem>> -> memref<125xi32, #tpu.memory_space<vmem>>
        %dma_wait3A_278 = arith.constant 0 : i32
        %dma_wait3A_279 = arith.constant 0 : i32
        %dma_wait3A_280 = tpu.memref_slice %arg10[%dma_wait3A_278, %dma_wait3A_279] : memref<10112x64xf32, #tpu.memory_space<vmem_shared>> -> memref<10112x64xf32, #tpu.memory_space<vmem_shared>>
        tpu.wait_indirect_dma semaphore(%arg16 : memref<!tpu.dma_semaphore, #tpu.memory_space<semaphore_mem>>) src(%dma_wait3A_274 : memref<125x64xf32, #tpu.memory_space<vmem>>) dst(%dma_wait3A_280 : memref<10112x64xf32, #tpu.memory_space<vmem_shared>>)
      } else {
      }
      %dma_start3A_145 = arith.constant 1 : i32
      %dma_start3A_146 = arith.constant 0 : i32
      %dma_start3A_147 = arith.constant 0 : i32
      %dma_start3A_148 = tpu.memref_slice %arg9[%dma_start3A_145, %dma_start3A_146, %dma_start3A_147] : memref<4x125x64xf32, #tpu.memory_space<vmem>> -> memref<1x125x64xf32, #tpu.memory_space<vmem>>
      %dma_start3A_149 = tpu.memref_squeeze %dma_start3A_148 : memref<1x125x64xf32, #tpu.memory_space<vmem>> -> memref<125x64xf32, #tpu.memory_space<vmem>>
      %dma_start3A_150 = arith.constant 0 : i32
      %dma_start3A_151 = tpu.memref_slice %arg7[%add3A_139, %dma_start3A_150] : memref<160x125xi32, #tpu.memory_space<vmem>> -> memref<1x125xi32, #tpu.memory_space<vmem>>
      %dma_start3A_152 = tpu.memref_squeeze %dma_start3A_151 : memref<1x125xi32, #tpu.memory_space<vmem>> -> memref<125xi32, #tpu.memory_space<vmem>>
      %dma_start3A_153 = arith.constant 0 : i32
      %dma_start3A_154 = arith.constant 0 : i32
      %dma_start3A_155 = tpu.memref_slice %arg4[%arg0, %dma_start3A_153, %dma_start3A_154] : memref<2x10112x64xf32, #tpu.memory_space<hbm>> -> memref<1x10112x64xf32, #tpu.memory_space<hbm>>
      %dma_start3A_156 = tpu.memref_squeeze %dma_start3A_155 : memref<1x10112x64xf32, #tpu.memory_space<hbm>> -> memref<10112x64xf32, #tpu.memory_space<hbm>>
      %dma_start3A_157 = arith.constant 0 : i32
      %dma_start3A_158 = arith.constant 0 : i32
      %dma_start3A_159 = tpu.memref_slice %dma_start3A_156[%dma_start3A_157, %dma_start3A_158] : memref<10112x64xf32, #tpu.memory_space<hbm>> -> memref<10112x64xf32, #tpu.memory_space<hbm>>
      tpu.enqueue_indirect_dma source(%dma_start3A_159 : memref<10112x64xf32, #tpu.memory_space<hbm>>) target(%dma_start3A_149 : memref<125x64xf32, #tpu.memory_space<vmem>>) offsets(%dma_start3A_152 : memref<125xi32, #tpu.memory_space<vmem>>) semaphore(%arg12 : memref<!tpu.dma_semaphore, #tpu.memory_space<semaphore_mem>>)
      %gt3A_160 = arith.constant 0 : i32
      %gt3A_161 = arith.cmpi sgt, %add3A_113, %gt3A_160 : i32
      %convert_element_type3A_162 = arith.extui %gt3A_161 : i1 to i32
      %cond3A_163 = arith.constant 0 : i32
      %cond3A_164 = arith.cmpi ne, %convert_element_type3A_162, %cond3A_163 : i32
      scf.if %cond3A_164 {
        %sub3A_268 = arith.constant 2 : i32
        %sub3A_269 = arith.subi %add3A_139, %sub3A_268 : i32
        %dma_wait3A_270 = arith.constant 3 : i32
        %dma_wait3A_271 = arith.constant 0 : i32
        %dma_wait3A_272 = arith.constant 0 : i32
        %dma_wait3A_273 = tpu.memref_slice %arg9[%dma_wait3A_270, %dma_wait3A_271, %dma_wait3A_272] : memref<4x125x64xf32, #tpu.memory_space<vmem>> -> memref<1x125x64xf32, #tpu.memory_space<vmem>>
        %dma_wait3A_274 = tpu.memref_squeeze %dma_wait3A_273 : memref<1x125x64xf32, #tpu.memory_space<vmem>> -> memref<125x64xf32, #tpu.memory_space<vmem>>
        %dma_wait3A_275 = arith.constant 0 : i32
        %dma_wait3A_276 = tpu.memref_slice %arg7[%sub3A_269, %dma_wait3A_275] : memref<160x125xi32, #tpu.memory_space<vmem>> -> memref<1x125xi32, #tpu.memory_space<vmem>>
        %dma_wait3A_277 = tpu.memref_squeeze %dma_wait3A_276 : memref<1x125xi32, #tpu.memory_space<vmem>> -> memref<125xi32, #tpu.memory_space<vmem>>
        %dma_wait3A_278 = arith.constant 0 : i32
        %dma_wait3A_279 = arith.constant 0 : i32
        %dma_wait3A_280 = tpu.memref_slice %arg4[%arg0, %dma_wait3A_278, %dma_wait3A_279] : memref<2x10112x64xf32, #tpu.memory_space<hbm>> -> memref<1x10112x64xf32, #tpu.memory_space<hbm>>
        %dma_wait3A_281 = tpu.memref_squeeze %dma_wait3A_280 : memref<1x10112x64xf32, #tpu.memory_space<hbm>> -> memref<10112x64xf32, #tpu.memory_space<hbm>>
        %dma_wait3A_282 = arith.constant 0 : i32
        %dma_wait3A_283 = arith.constant 0 : i32
        %dma_wait3A_284 = tpu.memref_slice %dma_wait3A_281[%dma_wait3A_282, %dma_wait3A_283] : memref<10112x64xf32, #tpu.memory_space<hbm>> -> memref<10112x64xf32, #tpu.memory_space<hbm>>
        tpu.wait_indirect_dma semaphore(%arg14 : memref<!tpu.dma_semaphore, #tpu.memory_space<semaphore_mem>>) src(%dma_wait3A_284 : memref<10112x64xf32, #tpu.memory_space<hbm>>) dst(%dma_wait3A_274 : memref<125x64xf32, #tpu.memory_space<vmem>>)
        %sub3A_285 = arith.constant 2 : i32
        %sub3A_286 = arith.subi %add3A_139, %sub3A_285 : i32
        %dma_start3A_287 = arith.constant 3 : i32
        %dma_start3A_288 = arith.constant 0 : i32
        %dma_start3A_289 = arith.constant 0 : i32
        %dma_start3A_290 = tpu.memref_slice %arg9[%dma_start3A_287, %dma_start3A_288, %dma_start3A_289] : memref<4x125x64xf32, #tpu.memory_space<vmem>> -> memref<1x125x64xf32, #tpu.memory_space<vmem>>
        %dma_start3A_291 = tpu.memref_squeeze %dma_start3A_290 : memref<1x125x64xf32, #tpu.memory_space<vmem>> -> memref<125x64xf32, #tpu.memory_space<vmem>>
        %dma_start3A_292 = arith.constant 0 : i32
        %dma_start3A_293 = tpu.memref_slice %arg8[%sub3A_286, %dma_start3A_292] : memref<160x125xi32, #tpu.memory_space<vmem>> -> memref<1x125xi32, #tpu.memory_space<vmem>>
        %dma_start3A_294 = tpu.memref_squeeze %dma_start3A_293 : memref<1x125xi32, #tpu.memory_space<vmem>> -> memref<125xi32, #tpu.memory_space<vmem>>
        %dma_start3A_295 = arith.constant 0 : i32
        %dma_start3A_296 = arith.constant 0 : i32
        %dma_start3A_297 = tpu.memref_slice %arg10[%dma_start3A_295, %dma_start3A_296] : memref<10112x64xf32, #tpu.memory_space<vmem_shared>> -> memref<10112x64xf32, #tpu.memory_space<vmem_shared>>
        tpu.enqueue_indirect_dma source(%dma_start3A_291 : memref<125x64xf32, #tpu.memory_space<vmem>>) target(%dma_start3A_297 : memref<10112x64xf32, #tpu.memory_space<vmem_shared>>) offsets(%dma_start3A_294 : memref<125xi32, #tpu.memory_space<vmem>>) semaphore(%arg18 : memref<!tpu.dma_semaphore, #tpu.memory_space<semaphore_mem>>) {add = true}
      } else {
      }
      %add3A_165 = arith.constant 2 : i32
      %add3A_166 = arith.addi %add3A_113, %add3A_165 : i32
      %gt3A_167 = arith.constant 0 : i32
      %gt3A_168 = arith.cmpi sgt, %add3A_113, %gt3A_167 : i32
      %convert_element_type3A_169 = arith.extui %gt3A_168 : i1 to i32
      %cond3A_170 = arith.constant 0 : i32
      %cond3A_171 = arith.cmpi ne, %convert_element_type3A_169, %cond3A_170 : i32
      scf.if %cond3A_171 {
        %sub3A_268 = arith.constant 4 : i32
        %sub3A_269 = arith.subi %add3A_166, %sub3A_268 : i32
        %dma_wait3A_270 = arith.constant 2 : i32
        %dma_wait3A_271 = arith.constant 0 : i32
        %dma_wait3A_272 = arith.constant 0 : i32
        %dma_wait3A_273 = tpu.memref_slice %arg9[%dma_wait3A_270, %dma_wait3A_271, %dma_wait3A_272] : memref<4x125x64xf32, #tpu.memory_space<vmem>> -> memref<1x125x64xf32, #tpu.memory_space<vmem>>
        %dma_wait3A_274 = tpu.memref_squeeze %dma_wait3A_273 : memref<1x125x64xf32, #tpu.memory_space<vmem>> -> memref<125x64xf32, #tpu.memory_space<vmem>>
        %dma_wait3A_275 = arith.constant 0 : i32
        %dma_wait3A_276 = tpu.memref_slice %arg8[%sub3A_269, %dma_wait3A_275] : memref<160x125xi32, #tpu.memory_space<vmem>> -> memref<1x125xi32, #tpu.memory_space<vmem>>
        %dma_wait3A_277 = tpu.memref_squeeze %dma_wait3A_276 : memref<1x125xi32, #tpu.memory_space<vmem>> -> memref<125xi32, #tpu.memory_space<vmem>>
        %dma_wait3A_278 = arith.constant 0 : i32
        %dma_wait3A_279 = arith.constant 0 : i32
        %dma_wait3A_280 = tpu.memref_slice %arg10[%dma_wait3A_278, %dma_wait3A_279] : memref<10112x64xf32, #tpu.memory_space<vmem_shared>> -> memref<10112x64xf32, #tpu.memory_space<vmem_shared>>
        tpu.wait_indirect_dma semaphore(%arg17 : memref<!tpu.dma_semaphore, #tpu.memory_space<semaphore_mem>>) src(%dma_wait3A_274 : memref<125x64xf32, #tpu.memory_space<vmem>>) dst(%dma_wait3A_280 : memref<10112x64xf32, #tpu.memory_space<vmem_shared>>)
      } else {
      }
      %dma_start3A_172 = arith.constant 2 : i32
      %dma_start3A_173 = arith.constant 0 : i32
      %dma_start3A_174 = arith.constant 0 : i32
      %dma_start3A_175 = tpu.memref_slice %arg9[%dma_start3A_172, %dma_start3A_173, %dma_start3A_174] : memref<4x125x64xf32, #tpu.memory_space<vmem>> -> memref<1x125x64xf32, #tpu.memory_space<vmem>>
      %dma_start3A_176 = tpu.memref_squeeze %dma_start3A_175 : memref<1x125x64xf32, #tpu.memory_space<vmem>> -> memref<125x64xf32, #tpu.memory_space<vmem>>
      %dma_start3A_177 = arith.constant 0 : i32
      %dma_start3A_178 = tpu.memref_slice %arg7[%add3A_166, %dma_start3A_177] : memref<160x125xi32, #tpu.memory_space<vmem>> -> memref<1x125xi32, #tpu.memory_space<vmem>>
      %dma_start3A_179 = tpu.memref_squeeze %dma_start3A_178 : memref<1x125xi32, #tpu.memory_space<vmem>> -> memref<125xi32, #tpu.memory_space<vmem>>
      %dma_start3A_180 = arith.constant 0 : i32
      %dma_start3A_181 = arith.constant 0 : i32
      %dma_start3A_182 = tpu.memref_slice %arg4[%arg0, %dma_start3A_180, %dma_start3A_181] : memref<2x10112x64xf32, #tpu.memory_space<hbm>> -> memref<1x10112x64xf32, #tpu.memory_space<hbm>>
      %dma_start3A_183 = tpu.memref_squeeze %dma_start3A_182 : memref<1x10112x64xf32, #tpu.memory_space<hbm>> -> memref<10112x64xf32, #tpu.memory_space<hbm>>
      %dma_start3A_184 = arith.constant 0 : i32
      %dma_start3A_185 = arith.constant 0 : i32
      %dma_start3A_186 = tpu.memref_slice %dma_start3A_183[%dma_start3A_184, %dma_start3A_185] : memref<10112x64xf32, #tpu.memory_space<hbm>> -> memref<10112x64xf32, #tpu.memory_space<hbm>>
      tpu.enqueue_indirect_dma source(%dma_start3A_186 : memref<10112x64xf32, #tpu.memory_space<hbm>>) target(%dma_start3A_176 : memref<125x64xf32, #tpu.memory_space<vmem>>) offsets(%dma_start3A_179 : memref<125xi32, #tpu.memory_space<vmem>>) semaphore(%arg13 : memref<!tpu.dma_semaphore, #tpu.memory_space<semaphore_mem>>)
      %sub3A = arith.constant 2 : i32
      %sub3A_187 = arith.subi %add3A_166, %sub3A : i32
      %dma_wait3A_188 = arith.constant 0 : i32
      %dma_wait3A_189 = arith.constant 0 : i32
      %dma_wait3A_190 = arith.constant 0 : i32
      %dma_wait3A_191 = tpu.memref_slice %arg9[%dma_wait3A_188, %dma_wait3A_189, %dma_wait3A_190] : memref<4x125x64xf32, #tpu.memory_space<vmem>> -> memref<1x125x64xf32, #tpu.memory_space<vmem>>
      %dma_wait3A_192 = tpu.memref_squeeze %dma_wait3A_191 : memref<1x125x64xf32, #tpu.memory_space<vmem>> -> memref<125x64xf32, #tpu.memory_space<vmem>>
      %dma_wait3A_193 = arith.constant 0 : i32
      %dma_wait3A_194 = tpu.memref_slice %arg7[%sub3A_187, %dma_wait3A_193] : memref<160x125xi32, #tpu.memory_space<vmem>> -> memref<1x125xi32, #tpu.memory_space<vmem>>
      %dma_wait3A_195 = tpu.memref_squeeze %dma_wait3A_194 : memref<1x125xi32, #tpu.memory_space<vmem>> -> memref<125xi32, #tpu.memory_space<vmem>>
      %dma_wait3A_196 = arith.constant 0 : i32
      %dma_wait3A_197 = arith.constant 0 : i32
      %dma_wait3A_198 = tpu.memref_slice %arg4[%arg0, %dma_wait3A_196, %dma_wait3A_197] : memref<2x10112x64xf32, #tpu.memory_space<hbm>> -> memref<1x10112x64xf32, #tpu.memory_space<hbm>>
      %dma_wait3A_199 = tpu.memref_squeeze %dma_wait3A_198 : memref<1x10112x64xf32, #tpu.memory_space<hbm>> -> memref<10112x64xf32, #tpu.memory_space<hbm>>
      %dma_wait3A_200 = arith.constant 0 : i32
      %dma_wait3A_201 = arith.constant 0 : i32
      %dma_wait3A_202 = tpu.memref_slice %dma_wait3A_199[%dma_wait3A_200, %dma_wait3A_201] : memref<10112x64xf32, #tpu.memory_space<hbm>> -> memref<10112x64xf32, #tpu.memory_space<hbm>>
      tpu.wait_indirect_dma semaphore(%arg11 : memref<!tpu.dma_semaphore, #tpu.memory_space<semaphore_mem>>) src(%dma_wait3A_202 : memref<10112x64xf32, #tpu.memory_space<hbm>>) dst(%dma_wait3A_192 : memref<125x64xf32, #tpu.memory_space<vmem>>)
      %sub3A_203 = arith.constant 2 : i32
      %sub3A_204 = arith.subi %add3A_166, %sub3A_203 : i32
      %dma_start3A_205 = arith.constant 0 : i32
      %dma_start3A_206 = arith.constant 0 : i32
      %dma_start3A_207 = arith.constant 0 : i32
      %dma_start3A_208 = tpu.memref_slice %arg9[%dma_start3A_205, %dma_start3A_206, %dma_start3A_207] : memref<4x125x64xf32, #tpu.memory_space<vmem>> -> memref<1x125x64xf32, #tpu.memory_space<vmem>>
      %dma_start3A_209 = tpu.memref_squeeze %dma_start3A_208 : memref<1x125x64xf32, #tpu.memory_space<vmem>> -> memref<125x64xf32, #tpu.memory_space<vmem>>
      %dma_start3A_210 = arith.constant 0 : i32
      %dma_start3A_211 = tpu.memref_slice %arg8[%sub3A_204, %dma_start3A_210] : memref<160x125xi32, #tpu.memory_space<vmem>> -> memref<1x125xi32, #tpu.memory_space<vmem>>
      %dma_start3A_212 = tpu.memref_squeeze %dma_start3A_211 : memref<1x125xi32, #tpu.memory_space<vmem>> -> memref<125xi32, #tpu.memory_space<vmem>>
      %dma_start3A_213 = arith.constant 0 : i32
      %dma_start3A_214 = arith.constant 0 : i32
      %dma_start3A_215 = tpu.memref_slice %arg10[%dma_start3A_213, %dma_start3A_214] : memref<10112x64xf32, #tpu.memory_space<vmem_shared>> -> memref<10112x64xf32, #tpu.memory_space<vmem_shared>>
      tpu.enqueue_indirect_dma source(%dma_start3A_209 : memref<125x64xf32, #tpu.memory_space<vmem>>) target(%dma_start3A_215 : memref<10112x64xf32, #tpu.memory_space<vmem_shared>>) offsets(%dma_start3A_212 : memref<125xi32, #tpu.memory_space<vmem>>) semaphore(%arg15 : memref<!tpu.dma_semaphore, #tpu.memory_space<semaphore_mem>>) {add = true}
      %add3A_216 = arith.constant 3 : i32
      %add3A_217 = arith.addi %add3A_113, %add3A_216 : i32
      %gt3A_218 = arith.constant 0 : i32
      %gt3A_219 = arith.cmpi sgt, %add3A_113, %gt3A_218 : i32
      %convert_element_type3A_220 = arith.extui %gt3A_219 : i1 to i32
      %cond3A_221 = arith.constant 0 : i32
      %cond3A_222 = arith.cmpi ne, %convert_element_type3A_220, %cond3A_221 : i32
      scf.if %cond3A_222 {
        %sub3A_268 = arith.constant 4 : i32
        %sub3A_269 = arith.subi %add3A_217, %sub3A_268 : i32
        %dma_wait3A_270 = arith.constant 3 : i32
        %dma_wait3A_271 = arith.constant 0 : i32
        %dma_wait3A_272 = arith.constant 0 : i32
        %dma_wait3A_273 = tpu.memref_slice %arg9[%dma_wait3A_270, %dma_wait3A_271, %dma_wait3A_272] : memref<4x125x64xf32, #tpu.memory_space<vmem>> -> memref<1x125x64xf32, #tpu.memory_space<vmem>>
        %dma_wait3A_274 = tpu.memref_squeeze %dma_wait3A_273 : memref<1x125x64xf32, #tpu.memory_space<vmem>> -> memref<125x64xf32, #tpu.memory_space<vmem>>
        %dma_wait3A_275 = arith.constant 0 : i32
        %dma_wait3A_276 = tpu.memref_slice %arg8[%sub3A_269, %dma_wait3A_275] : memref<160x125xi32, #tpu.memory_space<vmem>> -> memref<1x125xi32, #tpu.memory_space<vmem>>
        %dma_wait3A_277 = tpu.memref_squeeze %dma_wait3A_276 : memref<1x125xi32, #tpu.memory_space<vmem>> -> memref<125xi32, #tpu.memory_space<vmem>>
        %dma_wait3A_278 = arith.constant 0 : i32
        %dma_wait3A_279 = arith.constant 0 : i32
        %dma_wait3A_280 = tpu.memref_slice %arg10[%dma_wait3A_278, %dma_wait3A_279] : memref<10112x64xf32, #tpu.memory_space<vmem_shared>> -> memref<10112x64xf32, #tpu.memory_space<vmem_shared>>
        tpu.wait_indirect_dma semaphore(%arg18 : memref<!tpu.dma_semaphore, #tpu.memory_space<semaphore_mem>>) src(%dma_wait3A_274 : memref<125x64xf32, #tpu.memory_space<vmem>>) dst(%dma_wait3A_280 : memref<10112x64xf32, #tpu.memory_space<vmem_shared>>)
      } else {
      }
      %dma_start3A_223 = arith.constant 3 : i32
      %dma_start3A_224 = arith.constant 0 : i32
      %dma_start3A_225 = arith.constant 0 : i32
      %dma_start3A_226 = tpu.memref_slice %arg9[%dma_start3A_223, %dma_start3A_224, %dma_start3A_225] : memref<4x125x64xf32, #tpu.memory_space<vmem>> -> memref<1x125x64xf32, #tpu.memory_space<vmem>>
      %dma_start3A_227 = tpu.memref_squeeze %dma_start3A_226 : memref<1x125x64xf32, #tpu.memory_space<vmem>> -> memref<125x64xf32, #tpu.memory_space<vmem>>
      %dma_start3A_228 = arith.constant 0 : i32
      %dma_start3A_229 = tpu.memref_slice %arg7[%add3A_217, %dma_start3A_228] : memref<160x125xi32, #tpu.memory_space<vmem>> -> memref<1x125xi32, #tpu.memory_space<vmem>>
      %dma_start3A_230 = tpu.memref_squeeze %dma_start3A_229 : memref<1x125xi32, #tpu.memory_space<vmem>> -> memref<125xi32, #tpu.memory_space<vmem>>
      %dma_start3A_231 = arith.constant 0 : i32
      %dma_start3A_232 = arith.constant 0 : i32
      %dma_start3A_233 = tpu.memref_slice %arg4[%arg0, %dma_start3A_231, %dma_start3A_232] : memref<2x10112x64xf32, #tpu.memory_space<hbm>> -> memref<1x10112x64xf32, #tpu.memory_space<hbm>>
      %dma_start3A_234 = tpu.memref_squeeze %dma_start3A_233 : memref<1x10112x64xf32, #tpu.memory_space<hbm>> -> memref<10112x64xf32, #tpu.memory_space<hbm>>
      %dma_start3A_235 = arith.constant 0 : i32
      %dma_start3A_236 = arith.constant 0 : i32
      %dma_start3A_237 = tpu.memref_slice %dma_start3A_234[%dma_start3A_235, %dma_start3A_236] : memref<10112x64xf32, #tpu.memory_space<hbm>> -> memref<10112x64xf32, #tpu.memory_space<hbm>>
      tpu.enqueue_indirect_dma source(%dma_start3A_237 : memref<10112x64xf32, #tpu.memory_space<hbm>>) target(%dma_start3A_227 : memref<125x64xf32, #tpu.memory_space<vmem>>) offsets(%dma_start3A_230 : memref<125xi32, #tpu.memory_space<vmem>>) semaphore(%arg14 : memref<!tpu.dma_semaphore, #tpu.memory_space<semaphore_mem>>)
      %sub3A_238 = arith.constant 2 : i32
      %sub3A_239 = arith.subi %add3A_217, %sub3A_238 : i32
      %dma_wait3A_240 = arith.constant 1 : i32
      %dma_wait3A_241 = arith.constant 0 : i32
      %dma_wait3A_242 = arith.constant 0 : i32
      %dma_wait3A_243 = tpu.memref_slice %arg9[%dma_wait3A_240, %dma_wait3A_241, %dma_wait3A_242] : memref<4x125x64xf32, #tpu.memory_space<vmem>> -> memref<1x125x64xf32, #tpu.memory_space<vmem>>
      %dma_wait3A_244 = tpu.memref_squeeze %dma_wait3A_243 : memref<1x125x64xf32, #tpu.memory_space<vmem>> -> memref<125x64xf32, #tpu.memory_space<vmem>>
      %dma_wait3A_245 = arith.constant 0 : i32
      %dma_wait3A_246 = tpu.memref_slice %arg7[%sub3A_239, %dma_wait3A_245] : memref<160x125xi32, #tpu.memory_space<vmem>> -> memref<1x125xi32, #tpu.memory_space<vmem>>
      %dma_wait3A_247 = tpu.memref_squeeze %dma_wait3A_246 : memref<1x125xi32, #tpu.memory_space<vmem>> -> memref<125xi32, #tpu.memory_space<vmem>>
      %dma_wait3A_248 = arith.constant 0 : i32
      %dma_wait3A_249 = arith.constant 0 : i32
      %dma_wait3A_250 = tpu.memref_slice %arg4[%arg0, %dma_wait3A_248, %dma_wait3A_249] : memref<2x10112x64xf32, #tpu.memory_space<hbm>> -> memref<1x10112x64xf32, #tpu.memory_space<hbm>>
      %dma_wait3A_251 = tpu.memref_squeeze %dma_wait3A_250 : memref<1x10112x64xf32, #tpu.memory_space<hbm>> -> memref<10112x64xf32, #tpu.memory_space<hbm>>
      %dma_wait3A_252 = arith.constant 0 : i32
      %dma_wait3A_253 = arith.constant 0 : i32
      %dma_wait3A_254 = tpu.memref_slice %dma_wait3A_251[%dma_wait3A_252, %dma_wait3A_253] : memref<10112x64xf32, #tpu.memory_space<hbm>> -> memref<10112x64xf32, #tpu.memory_space<hbm>>
      tpu.wait_indirect_dma semaphore(%arg12 : memref<!tpu.dma_semaphore, #tpu.memory_space<semaphore_mem>>) src(%dma_wait3A_254 : memref<10112x64xf32, #tpu.memory_space<hbm>>) dst(%dma_wait3A_244 : memref<125x64xf32, #tpu.memory_space<vmem>>)
      %sub3A_255 = arith.constant 2 : i32
      %sub3A_256 = arith.subi %add3A_217, %sub3A_255 : i32
      %dma_start3A_257 = arith.constant 1 : i32
      %dma_start3A_258 = arith.constant 0 : i32
      %dma_start3A_259 = arith.constant 0 : i32
      %dma_start3A_260 = tpu.memref_slice %arg9[%dma_start3A_257, %dma_start3A_258, %dma_start3A_259] : memref<4x125x64xf32, #tpu.memory_space<vmem>> -> memref<1x125x64xf32, #tpu.memory_space<vmem>>
      %dma_start3A_261 = tpu.memref_squeeze %dma_start3A_260 : memref<1x125x64xf32, #tpu.memory_space<vmem>> -> memref<125x64xf32, #tpu.memory_space<vmem>>
      %dma_start3A_262 = arith.constant 0 : i32
      %dma_start3A_263 = tpu.memref_slice %arg8[%sub3A_256, %dma_start3A_262] : memref<160x125xi32, #tpu.memory_space<vmem>> -> memref<1x125xi32, #tpu.memory_space<vmem>>
      %dma_start3A_264 = tpu.memref_squeeze %dma_start3A_263 : memref<1x125xi32, #tpu.memory_space<vmem>> -> memref<125xi32, #tpu.memory_space<vmem>>
      %dma_start3A_265 = arith.constant 0 : i32
      %dma_start3A_266 = arith.constant 0 : i32
      %dma_start3A_267 = tpu.memref_slice %arg10[%dma_start3A_265, %dma_start3A_266] : memref<10112x64xf32, #tpu.memory_space<vmem_shared>> -> memref<10112x64xf32, #tpu.memory_space<vmem_shared>>
      tpu.enqueue_indirect_dma source(%dma_start3A_261 : memref<125x64xf32, #tpu.memory_space<vmem>>) target(%dma_start3A_267 : memref<10112x64xf32, #tpu.memory_space<vmem_shared>>) offsets(%dma_start3A_264 : memref<125xi32, #tpu.memory_space<vmem>>) semaphore(%arg16 : memref<!tpu.dma_semaphore, #tpu.memory_space<semaphore_mem>>) {add = true}
    }
    %scan3A_6 = arith.constant 40 : i32
    %dma_wait3A = arith.constant 158 : i32
    %dma_wait3A_7 = arith.constant 2 : i32
    %dma_wait3A_8 = arith.constant 0 : i32
    %dma_wait3A_9 = arith.constant 0 : i32
    %dma_wait3A_10 = tpu.memref_slice %arg9[%dma_wait3A_7, %dma_wait3A_8, %dma_wait3A_9] : memref<4x125x64xf32, #tpu.memory_space<vmem>> -> memref<1x125x64xf32, #tpu.memory_space<vmem>>
    %dma_wait3A_11 = tpu.memref_squeeze %dma_wait3A_10 : memref<1x125x64xf32, #tpu.memory_space<vmem>> -> memref<125x64xf32, #tpu.memory_space<vmem>>
    %dma_wait3A_12 = arith.constant 0 : i32
    %dma_wait3A_13 = tpu.memref_slice %arg7[%dma_wait3A, %dma_wait3A_12] : memref<160x125xi32, #tpu.memory_space<vmem>> -> memref<1x125xi32, #tpu.memory_space<vmem>>
    %dma_wait3A_14 = tpu.memref_squeeze %dma_wait3A_13 : memref<1x125xi32, #tpu.memory_space<vmem>> -> memref<125xi32, #tpu.memory_space<vmem>>
    %dma_wait3A_15 = arith.constant 0 : i32
    %dma_wait3A_16 = arith.constant 0 : i32
    %dma_wait3A_17 = tpu.memref_slice %arg4[%arg0, %dma_wait3A_15, %dma_wait3A_16] : memref<2x10112x64xf32, #tpu.memory_space<hbm>> -> memref<1x10112x64xf32, #tpu.memory_space<hbm>>
    %dma_wait3A_18 = tpu.memref_squeeze %dma_wait3A_17 : memref<1x10112x64xf32, #tpu.memory_space<hbm>> -> memref<10112x64xf32, #tpu.memory_space<hbm>>
    %dma_wait3A_19 = arith.constant 0 : i32
    %dma_wait3A_20 = arith.constant 0 : i32
    %dma_wait3A_21 = tpu.memref_slice %dma_wait3A_18[%dma_wait3A_19, %dma_wait3A_20] : memref<10112x64xf32, #tpu.memory_space<hbm>> -> memref<10112x64xf32, #tpu.memory_space<hbm>>
    tpu.wait_indirect_dma semaphore(%arg13 : memref<!tpu.dma_semaphore, #tpu.memory_space<semaphore_mem>>) src(%dma_wait3A_21 : memref<10112x64xf32, #tpu.memory_space<hbm>>) dst(%dma_wait3A_11 : memref<125x64xf32, #tpu.memory_space<vmem>>)
    %dma_start3A = arith.constant 2 : i32
    %dma_start3A_22 = arith.constant 158 : i32
    %dma_start3A_23 = arith.constant 0 : i32
    %dma_start3A_24 = arith.constant 0 : i32
    %dma_start3A_25 = tpu.memref_slice %arg9[%dma_start3A, %dma_start3A_23, %dma_start3A_24] : memref<4x125x64xf32, #tpu.memory_space<vmem>> -> memref<1x125x64xf32, #tpu.memory_space<vmem>>
    %dma_start3A_26 = tpu.memref_squeeze %dma_start3A_25 : memref<1x125x64xf32, #tpu.memory_space<vmem>> -> memref<125x64xf32, #tpu.memory_space<vmem>>
    %dma_start3A_27 = arith.constant 0 : i32
    %dma_start3A_28 = tpu.memref_slice %arg8[%dma_start3A_22, %dma_start3A_27] : memref<160x125xi32, #tpu.memory_space<vmem>> -> memref<1x125xi32, #tpu.memory_space<vmem>>
    %dma_start3A_29 = tpu.memref_squeeze %dma_start3A_28 : memref<1x125xi32, #tpu.memory_space<vmem>> -> memref<125xi32, #tpu.memory_space<vmem>>
    %dma_start3A_30 = arith.constant 0 : i32
    %dma_start3A_31 = arith.constant 0 : i32
    %dma_start3A_32 = tpu.memref_slice %arg10[%dma_start3A_30, %dma_start3A_31] : memref<10112x64xf32, #tpu.memory_space<vmem_shared>> -> memref<10112x64xf32, #tpu.memory_space<vmem_shared>>
    tpu.enqueue_indirect_dma source(%dma_start3A_26 : memref<125x64xf32, #tpu.memory_space<vmem>>) target(%dma_start3A_32 : memref<10112x64xf32, #tpu.memory_space<vmem_shared>>) offsets(%dma_start3A_29 : memref<125xi32, #tpu.memory_space<vmem>>) semaphore(%arg17 : memref<!tpu.dma_semaphore, #tpu.memory_space<semaphore_mem>>) {add = true}
    %dma_wait3A_33 = arith.constant 159 : i32
    %dma_wait3A_34 = arith.constant 3 : i32
    %dma_wait3A_35 = arith.constant 0 : i32
    %dma_wait3A_36 = arith.constant 0 : i32
    %dma_wait3A_37 = tpu.memref_slice %arg9[%dma_wait3A_34, %dma_wait3A_35, %dma_wait3A_36] : memref<4x125x64xf32, #tpu.memory_space<vmem>> -> memref<1x125x64xf32, #tpu.memory_space<vmem>>
    %dma_wait3A_38 = tpu.memref_squeeze %dma_wait3A_37 : memref<1x125x64xf32, #tpu.memory_space<vmem>> -> memref<125x64xf32, #tpu.memory_space<vmem>>
    %dma_wait3A_39 = arith.constant 0 : i32
    %dma_wait3A_40 = tpu.memref_slice %arg7[%dma_wait3A_33, %dma_wait3A_39] : memref<160x125xi32, #tpu.memory_space<vmem>> -> memref<1x125xi32, #tpu.memory_space<vmem>>
    %dma_wait3A_41 = tpu.memref_squeeze %dma_wait3A_40 : memref<1x125xi32, #tpu.memory_space<vmem>> -> memref<125xi32, #tpu.memory_space<vmem>>
    %dma_wait3A_42 = arith.constant 0 : i32
    %dma_wait3A_43 = arith.constant 0 : i32
    %dma_wait3A_44 = tpu.memref_slice %arg4[%arg0, %dma_wait3A_42, %dma_wait3A_43] : memref<2x10112x64xf32, #tpu.memory_space<hbm>> -> memref<1x10112x64xf32, #tpu.memory_space<hbm>>
    %dma_wait3A_45 = tpu.memref_squeeze %dma_wait3A_44 : memref<1x10112x64xf32, #tpu.memory_space<hbm>> -> memref<10112x64xf32, #tpu.memory_space<hbm>>
    %dma_wait3A_46 = arith.constant 0 : i32
    %dma_wait3A_47 = arith.constant 0 : i32
    %dma_wait3A_48 = tpu.memref_slice %dma_wait3A_45[%dma_wait3A_46, %dma_wait3A_47] : memref<10112x64xf32, #tpu.memory_space<hbm>> -> memref<10112x64xf32, #tpu.memory_space<hbm>>
    tpu.wait_indirect_dma semaphore(%arg14 : memref<!tpu.dma_semaphore, #tpu.memory_space<semaphore_mem>>) src(%dma_wait3A_48 : memref<10112x64xf32, #tpu.memory_space<hbm>>) dst(%dma_wait3A_38 : memref<125x64xf32, #tpu.memory_space<vmem>>)
    %dma_start3A_49 = arith.constant 3 : i32
    %dma_start3A_50 = arith.constant 159 : i32
    %dma_start3A_51 = arith.constant 0 : i32
    %dma_start3A_52 = arith.constant 0 : i32
    %dma_start3A_53 = tpu.memref_slice %arg9[%dma_start3A_49, %dma_start3A_51, %dma_start3A_52] : memref<4x125x64xf32, #tpu.memory_space<vmem>> -> memref<1x125x64xf32, #tpu.memory_space<vmem>>
    %dma_start3A_54 = tpu.memref_squeeze %dma_start3A_53 : memref<1x125x64xf32, #tpu.memory_space<vmem>> -> memref<125x64xf32, #tpu.memory_space<vmem>>
    %dma_start3A_55 = arith.constant 0 : i32
    %dma_start3A_56 = tpu.memref_slice %arg8[%dma_start3A_50, %dma_start3A_55] : memref<160x125xi32, #tpu.memory_space<vmem>> -> memref<1x125xi32, #tpu.memory_space<vmem>>
    %dma_start3A_57 = tpu.memref_squeeze %dma_start3A_56 : memref<1x125xi32, #tpu.memory_space<vmem>> -> memref<125xi32, #tpu.memory_space<vmem>>
    %dma_start3A_58 = arith.constant 0 : i32
    %dma_start3A_59 = arith.constant 0 : i32
    %dma_start3A_60 = tpu.memref_slice %arg10[%dma_start3A_58, %dma_start3A_59] : memref<10112x64xf32, #tpu.memory_space<vmem_shared>> -> memref<10112x64xf32, #tpu.memory_space<vmem_shared>>
    tpu.enqueue_indirect_dma source(%dma_start3A_54 : memref<125x64xf32, #tpu.memory_space<vmem>>) target(%dma_start3A_60 : memref<10112x64xf32, #tpu.memory_space<vmem_shared>>) offsets(%dma_start3A_57 : memref<125xi32, #tpu.memory_space<vmem>>) semaphore(%arg18 : memref<!tpu.dma_semaphore, #tpu.memory_space<semaphore_mem>>) {add = true}
    %dma_wait3A_61 = arith.constant 0 : i32
    %dma_wait3A_62 = arith.constant 156 : i32
    %dma_wait3A_63 = arith.constant 0 : i32
    %dma_wait3A_64 = arith.constant 0 : i32
    %dma_wait3A_65 = tpu.memref_slice %arg9[%dma_wait3A_61, %dma_wait3A_63, %dma_wait3A_64] : memref<4x125x64xf32, #tpu.memory_space<vmem>> -> memref<1x125x64xf32, #tpu.memory_space<vmem>>
    %dma_wait3A_66 = tpu.memref_squeeze %dma_wait3A_65 : memref<1x125x64xf32, #tpu.memory_space<vmem>> -> memref<125x64xf32, #tpu.memory_space<vmem>>
    %dma_wait3A_67 = arith.constant 0 : i32
    %dma_wait3A_68 = tpu.memref_slice %arg8[%dma_wait3A_62, %dma_wait3A_67] : memref<160x125xi32, #tpu.memory_space<vmem>> -> memref<1x125xi32, #tpu.memory_space<vmem>>
    %dma_wait3A_69 = tpu.memref_squeeze %dma_wait3A_68 : memref<1x125xi32, #tpu.memory_space<vmem>> -> memref<125xi32, #tpu.memory_space<vmem>>
    %dma_wait3A_70 = arith.constant 0 : i32
    %dma_wait3A_71 = arith.constant 0 : i32
    %dma_wait3A_72 = tpu.memref_slice %arg10[%dma_wait3A_70, %dma_wait3A_71] : memref<10112x64xf32, #tpu.memory_space<vmem_shared>> -> memref<10112x64xf32, #tpu.memory_space<vmem_shared>>
    tpu.wait_indirect_dma semaphore(%arg15 : memref<!tpu.dma_semaphore, #tpu.memory_space<semaphore_mem>>) src(%dma_wait3A_66 : memref<125x64xf32, #tpu.memory_space<vmem>>) dst(%dma_wait3A_72 : memref<10112x64xf32, #tpu.memory_space<vmem_shared>>)
    %dma_wait3A_73 = arith.constant 1 : i32
    %dma_wait3A_74 = arith.constant 157 : i32
    %dma_wait3A_75 = arith.constant 0 : i32
    %dma_wait3A_76 = arith.constant 0 : i32
    %dma_wait3A_77 = tpu.memref_slice %arg9[%dma_wait3A_73, %dma_wait3A_75, %dma_wait3A_76] : memref<4x125x64xf32, #tpu.memory_space<vmem>> -> memref<1x125x64xf32, #tpu.memory_space<vmem>>
    %dma_wait3A_78 = tpu.memref_squeeze %dma_wait3A_77 : memref<1x125x64xf32, #tpu.memory_space<vmem>> -> memref<125x64xf32, #tpu.memory_space<vmem>>
    %dma_wait3A_79 = arith.constant 0 : i32
    %dma_wait3A_80 = tpu.memref_slice %arg8[%dma_wait3A_74, %dma_wait3A_79] : memref<160x125xi32, #tpu.memory_space<vmem>> -> memref<1x125xi32, #tpu.memory_space<vmem>>
    %dma_wait3A_81 = tpu.memref_squeeze %dma_wait3A_80 : memref<1x125xi32, #tpu.memory_space<vmem>> -> memref<125xi32, #tpu.memory_space<vmem>>
    %dma_wait3A_82 = arith.constant 0 : i32
    %dma_wait3A_83 = arith.constant 0 : i32
    %dma_wait3A_84 = tpu.memref_slice %arg10[%dma_wait3A_82, %dma_wait3A_83] : memref<10112x64xf32, #tpu.memory_space<vmem_shared>> -> memref<10112x64xf32, #tpu.memory_space<vmem_shared>>
    tpu.wait_indirect_dma semaphore(%arg16 : memref<!tpu.dma_semaphore, #tpu.memory_space<semaphore_mem>>) src(%dma_wait3A_78 : memref<125x64xf32, #tpu.memory_space<vmem>>) dst(%dma_wait3A_84 : memref<10112x64xf32, #tpu.memory_space<vmem_shared>>)
    %dma_wait3A_85 = arith.constant 2 : i32
    %dma_wait3A_86 = arith.constant 158 : i32
    %dma_wait3A_87 = arith.constant 0 : i32
    %dma_wait3A_88 = arith.constant 0 : i32
    %dma_wait3A_89 = tpu.memref_slice %arg9[%dma_wait3A_85, %dma_wait3A_87, %dma_wait3A_88] : memref<4x125x64xf32, #tpu.memory_space<vmem>> -> memref<1x125x64xf32, #tpu.memory_space<vmem>>
    %dma_wait3A_90 = tpu.memref_squeeze %dma_wait3A_89 : memref<1x125x64xf32, #tpu.memory_space<vmem>> -> memref<125x64xf32, #tpu.memory_space<vmem>>
    %dma_wait3A_91 = arith.constant 0 : i32
    %dma_wait3A_92 = tpu.memref_slice %arg8[%dma_wait3A_86, %dma_wait3A_91] : memref<160x125xi32, #tpu.memory_space<vmem>> -> memref<1x125xi32, #tpu.memory_space<vmem>>
    %dma_wait3A_93 = tpu.memref_squeeze %dma_wait3A_92 : memref<1x125xi32, #tpu.memory_space<vmem>> -> memref<125xi32, #tpu.memory_space<vmem>>
    %dma_wait3A_94 = arith.constant 0 : i32
    %dma_wait3A_95 = arith.constant 0 : i32
    %dma_wait3A_96 = tpu.memref_slice %arg10[%dma_wait3A_94, %dma_wait3A_95] : memref<10112x64xf32, #tpu.memory_space<vmem_shared>> -> memref<10112x64xf32, #tpu.memory_space<vmem_shared>>
    tpu.wait_indirect_dma semaphore(%arg17 : memref<!tpu.dma_semaphore, #tpu.memory_space<semaphore_mem>>) src(%dma_wait3A_90 : memref<125x64xf32, #tpu.memory_space<vmem>>) dst(%dma_wait3A_96 : memref<10112x64xf32, #tpu.memory_space<vmem_shared>>)
    %dma_wait3A_97 = arith.constant 3 : i32
    %dma_wait3A_98 = arith.constant 159 : i32
    %dma_wait3A_99 = arith.constant 0 : i32
    %dma_wait3A_100 = arith.constant 0 : i32
    %dma_wait3A_101 = tpu.memref_slice %arg9[%dma_wait3A_97, %dma_wait3A_99, %dma_wait3A_100] : memref<4x125x64xf32, #tpu.memory_space<vmem>> -> memref<1x125x64xf32, #tpu.memory_space<vmem>>
    %dma_wait3A_102 = tpu.memref_squeeze %dma_wait3A_101 : memref<1x125x64xf32, #tpu.memory_space<vmem>> -> memref<125x64xf32, #tpu.memory_space<vmem>>
    %dma_wait3A_103 = arith.constant 0 : i32
    %dma_wait3A_104 = tpu.memref_slice %arg8[%dma_wait3A_98, %dma_wait3A_103] : memref<160x125xi32, #tpu.memory_space<vmem>> -> memref<1x125xi32, #tpu.memory_space<vmem>>
    %dma_wait3A_105 = tpu.memref_squeeze %dma_wait3A_104 : memref<1x125xi32, #tpu.memory_space<vmem>> -> memref<125xi32, #tpu.memory_space<vmem>>
    %dma_wait3A_106 = arith.constant 0 : i32
    %dma_wait3A_107 = arith.constant 0 : i32
    %dma_wait3A_108 = tpu.memref_slice %arg10[%dma_wait3A_106, %dma_wait3A_107] : memref<10112x64xf32, #tpu.memory_space<vmem_shared>> -> memref<10112x64xf32, #tpu.memory_space<vmem_shared>>
    tpu.wait_indirect_dma semaphore(%arg18 : memref<!tpu.dma_semaphore, #tpu.memory_space<semaphore_mem>>) src(%dma_wait3A_102 : memref<125x64xf32, #tpu.memory_space<vmem>>) dst(%dma_wait3A_108 : memref<10112x64xf32, #tpu.memory_space<vmem_shared>>)
    %barrier3A_109 = arith.constant 0 : index
    tpu.barrier barrier_id(%barrier3A_109)
    "tpu.region"() ({
      %run_scoped3A = tpu.sem_alloc : memref<!tpu.dma_semaphore, #tpu.memory_space<semaphore_mem>>
      %dma_start3A_110 = tpu.memref_slice %arg6[%mul3A_0, %mul3A_2] : memref<10112x128xf32, #tpu.memory_space<hbm>> -> memref<632x64xf32, #tpu.memory_space<hbm>>
      %dma_start3A_111 = arith.constant 0 : i32
      %dma_start3A_112 = tpu.memref_slice %arg10[%mul3A_0, %dma_start3A_111] : memref<10112x64xf32, #tpu.memory_space<vmem_shared>> -> memref<632x64xf32, #tpu.memory_space<vmem_shared>>
      tpu.enqueue_dma source(%dma_start3A_112 : memref<632x64xf32, #tpu.memory_space<vmem_shared>>) target(%dma_start3A_110 : memref<632x64xf32, #tpu.memory_space<hbm>>) target_semaphore(%run_scoped3A : memref<!tpu.dma_semaphore, #tpu.memory_space<semaphore_mem>>)
      %dma_wait3A_113 = tpu.memref_slice %arg6[%mul3A_0, %mul3A_2] : memref<10112x128xf32, #tpu.memory_space<hbm>> -> memref<632x64xf32, #tpu.memory_space<hbm>>
      %dma_wait3A_114 = arith.constant 0 : i32
      %dma_wait3A_115 = tpu.memref_slice %arg10[%mul3A_0, %dma_wait3A_114] : memref<10112x64xf32, #tpu.memory_space<vmem_shared>> -> memref<632x64xf32, #tpu.memory_space<vmem_shared>>
      tpu.wait_dma2 semaphore(%run_scoped3A : memref<!tpu.dma_semaphore, #tpu.memory_space<semaphore_mem>>) src(%dma_wait3A_115 : memref<632x64xf32, #tpu.memory_space<vmem_shared>>) dst(%dma_wait3A_113 : memref<632x64xf32, #tpu.memory_space<hbm>>)
      tpu.yield
    }) : () -> ()
    return
  }
}

#map = affine_map<(d0, d1) -> (0, 0, 0)>
#map1 = affine_map<(d0, d1) -> (0, 0)>
module attributes {stable_mosaic.version = 14 : i64} {
  func.func @edge_kernel(%arg0: i32, %arg1: i32, %arg2: memref<16x160x125xi32, #tpu.memory_space<hbm>>, %arg3: memref<16x160x125xi32, #tpu.memory_space<hbm>>, %arg4: memref<2x10112x64xf32, #tpu.memory_space<hbm>>, %arg5: memref<10112x64xf32, #tpu.memory_space<hbm>>, %arg6: memref<10112x128xf32, #tpu.memory_space<hbm>>, %arg7: memref<160x125xi32, #tpu.memory_space<vmem>>, %arg8: memref<160x125xi32, #tpu.memory_space<vmem>>, %arg9: memref<4x125x64xf32, #tpu.memory_space<vmem>>, %arg10: memref<10112x64xf32, #tpu.memory_space<vmem_shared>>, %arg11: memref<!tpu.dma_semaphore, #tpu.memory_space<semaphore_mem>>, %arg12: memref<!tpu.dma_semaphore, #tpu.memory_space<semaphore_mem>>, %arg13: memref<!tpu.dma_semaphore, #tpu.memory_space<semaphore_mem>>, %arg14: memref<!tpu.dma_semaphore, #tpu.memory_space<semaphore_mem>>, %arg15: memref<!tpu.dma_semaphore, #tpu.memory_space<semaphore_mem>>, %arg16: memref<!tpu.dma_semaphore, #tpu.memory_space<semaphore_mem>>, %arg17: memref<!tpu.dma_semaphore, #tpu.memory_space<semaphore_mem>>, %arg18: memref<!tpu.dma_semaphore, #tpu.memory_space<semaphore_mem>>) attributes {dimension_semantics = [#tpu.dimension_semantics<core_parallel>, #tpu.dimension_semantics<subcore_parallel>], iteration_bounds = array<i64: 2, 16>, scalar_prefetch = 0 : i64, scratch_operands = 12 : i64, tpu.core_type = #tpu.core_type<sc_vector_subcore>, window_params = [{transform_indices = #map}, {transform_indices = #map}, {transform_indices = #map}, {transform_indices = #map1}, {transform_indices = #map1}]} {
    %mul3A = arith.constant 632 : i32
    %mul3A_0 = arith.muli %arg1, %mul3A : i32
    %mul3A_1 = arith.constant 64 : i32
    %mul3A_2 = arith.muli %arg0, %mul3A_1 : i32
    "tpu.region"() ({
      %run_scoped3A = tpu.sem_alloc : memref<!tpu.dma_semaphore, #tpu.memory_space<semaphore_mem>>
      %dma_start3A_110 = arith.constant 0 : i32
      %dma_start3A_111 = arith.constant 0 : i32
      %dma_start3A_112 = tpu.memref_slice %arg2[%arg1, %dma_start3A_110, %dma_start3A_111] : memref<16x160x125xi32, #tpu.memory_space<hbm>> -> memref<1x160x125xi32, #tpu.memory_space<hbm>>
      %dma_start3A_113 = tpu.memref_squeeze %dma_start3A_112 : memref<1x160x125xi32, #tpu.memory_space<hbm>> -> memref<160x125xi32, #tpu.memory_space<hbm>>
      %dma_start3A_114 = arith.constant 0 : i32
      %dma_start3A_115 = arith.constant 0 : i32
      %dma_start3A_116 = tpu.memref_slice %arg2[%arg1, %dma_start3A_114, %dma_start3A_115] : memref<16x160x125xi32, #tpu.memory_space<hbm>> -> memref<1x160x125xi32, #tpu.memory_space<hbm>>
      %dma_start3A_117 = tpu.memref_squeeze %dma_start3A_116 : memref<1x160x125xi32, #tpu.memory_space<hbm>> -> memref<160x125xi32, #tpu.memory_space<hbm>>
      tpu.enqueue_dma source(%dma_start3A_117 : memref<160x125xi32, #tpu.memory_space<hbm>>) target(%arg7 : memref<160x125xi32, #tpu.memory_space<vmem>>) target_semaphore(%run_scoped3A : memref<!tpu.dma_semaphore, #tpu.memory_space<semaphore_mem>>)
      %dma_wait3A_118 = arith.constant 0 : i32
      %dma_wait3A_119 = arith.constant 0 : i32
      %dma_wait3A_120 = tpu.memref_slice %arg2[%arg1, %dma_wait3A_118, %dma_wait3A_119] : memref<16x160x125xi32, #tpu.memory_space<hbm>> -> memref<1x160x125xi32, #tpu.memory_space<hbm>>
      %dma_wait3A_121 = tpu.memref_squeeze %dma_wait3A_120 : memref<1x160x125xi32, #tpu.memory_space<hbm>> -> memref<160x125xi32, #tpu.memory_space<hbm>>
      %dma_wait3A_122 = arith.constant 0 : i32
      %dma_wait3A_123 = arith.constant 0 : i32
      %dma_wait3A_124 = tpu.memref_slice %arg2[%arg1, %dma_wait3A_122, %dma_wait3A_123] : memref<16x160x125xi32, #tpu.memory_space<hbm>> -> memref<1x160x125xi32, #tpu.memory_space<hbm>>
      %dma_wait3A_125 = tpu.memref_squeeze %dma_wait3A_124 : memref<1x160x125xi32, #tpu.memory_space<hbm>> -> memref<160x125xi32, #tpu.memory_space<hbm>>
      tpu.wait_dma2 semaphore(%run_scoped3A : memref<!tpu.dma_semaphore, #tpu.memory_space<semaphore_mem>>) src(%dma_wait3A_125 : memref<160x125xi32, #tpu.memory_space<hbm>>) dst(%arg7 : memref<160x125xi32, #tpu.memory_space<vmem>>)
      tpu.yield
    }) : () -> ()
    "tpu.region"() ({
      %run_scoped3A = tpu.sem_alloc : memref<!tpu.dma_semaphore, #tpu.memory_space<semaphore_mem>>
      %dma_start3A_110 = arith.constant 0 : i32
      %dma_start3A_111 = arith.constant 0 : i32
      %dma_start3A_112 = tpu.memref_slice %arg3[%arg1, %dma_start3A_110, %dma_start3A_111] : memref<16x160x125xi32, #tpu.memory_space<hbm>> -> memref<1x160x125xi32, #tpu.memory_space<hbm>>
      %dma_start3A_113 = tpu.memref_squeeze %dma_start3A_112 : memref<1x160x125xi32, #tpu.memory_space<hbm>> -> memref<160x125xi32, #tpu.memory_space<hbm>>
      %dma_start3A_114 = arith.constant 0 : i32
      %dma_start3A_115 = arith.constant 0 : i32
      %dma_start3A_116 = tpu.memref_slice %arg3[%arg1, %dma_start3A_114, %dma_start3A_115] : memref<16x160x125xi32, #tpu.memory_space<hbm>> -> memref<1x160x125xi32, #tpu.memory_space<hbm>>
      %dma_start3A_117 = tpu.memref_squeeze %dma_start3A_116 : memref<1x160x125xi32, #tpu.memory_space<hbm>> -> memref<160x125xi32, #tpu.memory_space<hbm>>
      tpu.enqueue_dma source(%dma_start3A_117 : memref<160x125xi32, #tpu.memory_space<hbm>>) target(%arg8 : memref<160x125xi32, #tpu.memory_space<vmem>>) target_semaphore(%run_scoped3A : memref<!tpu.dma_semaphore, #tpu.memory_space<semaphore_mem>>)
      %dma_wait3A_118 = arith.constant 0 : i32
      %dma_wait3A_119 = arith.constant 0 : i32
      %dma_wait3A_120 = tpu.memref_slice %arg3[%arg1, %dma_wait3A_118, %dma_wait3A_119] : memref<16x160x125xi32, #tpu.memory_space<hbm>> -> memref<1x160x125xi32, #tpu.memory_space<hbm>>
      %dma_wait3A_121 = tpu.memref_squeeze %dma_wait3A_120 : memref<1x160x125xi32, #tpu.memory_space<hbm>> -> memref<160x125xi32, #tpu.memory_space<hbm>>
      %dma_wait3A_122 = arith.constant 0 : i32
      %dma_wait3A_123 = arith.constant 0 : i32
      %dma_wait3A_124 = tpu.memref_slice %arg3[%arg1, %dma_wait3A_122, %dma_wait3A_123] : memref<16x160x125xi32, #tpu.memory_space<hbm>> -> memref<1x160x125xi32, #tpu.memory_space<hbm>>
      %dma_wait3A_125 = tpu.memref_squeeze %dma_wait3A_124 : memref<1x160x125xi32, #tpu.memory_space<hbm>> -> memref<160x125xi32, #tpu.memory_space<hbm>>
      tpu.wait_dma2 semaphore(%run_scoped3A : memref<!tpu.dma_semaphore, #tpu.memory_space<semaphore_mem>>) src(%dma_wait3A_125 : memref<160x125xi32, #tpu.memory_space<hbm>>) dst(%arg8 : memref<160x125xi32, #tpu.memory_space<vmem>>)
      tpu.yield
    }) : () -> ()
    "tpu.region"() ({
      %run_scoped3A = tpu.sem_alloc : memref<!tpu.dma_semaphore, #tpu.memory_space<semaphore_mem>>
      %dma_start3A_110 = arith.constant 0 : i32
      %dma_start3A_111 = tpu.memref_slice %arg10[%mul3A_0, %dma_start3A_110] : memref<10112x64xf32, #tpu.memory_space<vmem_shared>> -> memref<632x64xf32, #tpu.memory_space<vmem_shared>>
      %dma_start3A_112 = arith.constant 0 : i32
      %dma_start3A_113 = tpu.memref_slice %arg5[%mul3A_0, %dma_start3A_112] : memref<10112x64xf32, #tpu.memory_space<hbm>> -> memref<632x64xf32, #tpu.memory_space<hbm>>
      tpu.enqueue_dma source(%dma_start3A_113 : memref<632x64xf32, #tpu.memory_space<hbm>>) target(%dma_start3A_111 : memref<632x64xf32, #tpu.memory_space<vmem_shared>>) target_semaphore(%run_scoped3A : memref<!tpu.dma_semaphore, #tpu.memory_space<semaphore_mem>>)
      %dma_wait3A_114 = arith.constant 0 : i32
      %dma_wait3A_115 = tpu.memref_slice %arg10[%mul3A_0, %dma_wait3A_114] : memref<10112x64xf32, #tpu.memory_space<vmem_shared>> -> memref<632x64xf32, #tpu.memory_space<vmem_shared>>
      %dma_wait3A_116 = arith.constant 0 : i32
      %dma_wait3A_117 = tpu.memref_slice %arg5[%mul3A_0, %dma_wait3A_116] : memref<10112x64xf32, #tpu.memory_space<hbm>> -> memref<632x64xf32, #tpu.memory_space<hbm>>
      tpu.wait_dma2 semaphore(%run_scoped3A : memref<!tpu.dma_semaphore, #tpu.memory_space<semaphore_mem>>) src(%dma_wait3A_117 : memref<632x64xf32, #tpu.memory_space<hbm>>) dst(%dma_wait3A_115 : memref<632x64xf32, #tpu.memory_space<vmem_shared>>)
      tpu.yield
    }) : () -> ()
    %barrier3A = arith.constant 0 : index
    tpu.barrier barrier_id(%barrier3A)
    %scan3A = arith.constant 0 : i32
    %scan3A_3 = arith.constant 40 : i32
    %scan3A_4 = arith.addi %scan3A, %scan3A_3 : i32
    %scan3A_5 = arith.constant 1 : i32
    scf.for %scan3A_110 = %scan3A to %scan3A_4 step %scan3A_5  : i32 {
      %mul3A_111 = arith.constant 4 : i32
      %mul3A_112 = arith.muli %scan3A_110, %mul3A_111 : i32
      %add3A = arith.constant 0 : i32
      %add3A_113 = arith.addi %add3A, %mul3A_112 : i32
      %add3A_114 = arith.constant 0 : i32
      %add3A_115 = arith.addi %add3A_113, %add3A_114 : i32
      %gt3A = arith.constant 0 : i32
      %gt3A_116 = arith.cmpi sgt, %add3A_113, %gt3A : i32
      %convert_element_type3A = arith.extui %gt3A_116 : i1 to i32
      %cond3A = arith.constant 0 : i32
      %cond3A_117 = arith.cmpi ne, %convert_element_type3A, %cond3A : i32
      scf.if %cond3A_117 {
        %sub3A_268 = arith.constant 4 : i32
        %sub3A_269 = arith.subi %add3A_115, %sub3A_268 : i32
        %dma_wait3A_270 = arith.constant 0 : i32
        %dma_wait3A_271 = arith.constant 0 : i32
        %dma_wait3A_272 = arith.constant 0 : i32
        %dma_wait3A_273 = tpu.memref_slice %arg9[%dma_wait3A_270, %dma_wait3A_271, %dma_wait3A_272] : memref<4x125x64xf32, #tpu.memory_space<vmem>> -> memref<1x125x64xf32, #tpu.memory_space<vmem>>
        %dma_wait3A_274 = tpu.memref_squeeze %dma_wait3A_273 : memref<1x125x64xf32, #tpu.memory_space<vmem>> -> memref<125x64xf32, #tpu.memory_space<vmem>>
        %dma_wait3A_275 = arith.constant 0 : i32
        %dma_wait3A_276 = tpu.memref_slice %arg8[%sub3A_269, %dma_wait3A_275] : memref<160x125xi32, #tpu.memory_space<vmem>> -> memref<1x125xi32, #tpu.memory_space<vmem>>
        %dma_wait3A_277 = tpu.memref_squeeze %dma_wait3A_276 : memref<1x125xi32, #tpu.memory_space<vmem>> -> memref<125xi32, #tpu.memory_space<vmem>>
        %dma_wait3A_278 = arith.constant 0 : i32
        %dma_wait3A_279 = arith.constant 0 : i32
        %dma_wait3A_280 = tpu.memref_slice %arg10[%dma_wait3A_278, %dma_wait3A_279] : memref<10112x64xf32, #tpu.memory_space<vmem_shared>> -> memref<10112x64xf32, #tpu.memory_space<vmem_shared>>
        tpu.wait_indirect_dma semaphore(%arg15 : memref<!tpu.dma_semaphore, #tpu.memory_space<semaphore_mem>>) src(%dma_wait3A_274 : memref<125x64xf32, #tpu.memory_space<vmem>>) dst(%dma_wait3A_280 : memref<10112x64xf32, #tpu.memory_space<vmem_shared>>)
      } else {
      }
      %dma_start3A_118 = arith.constant 0 : i32
      %dma_start3A_119 = arith.constant 0 : i32
      %dma_start3A_120 = arith.constant 0 : i32
      %dma_start3A_121 = tpu.memref_slice %arg9[%dma_start3A_118, %dma_start3A_119, %dma_start3A_120] : memref<4x125x64xf32, #tpu.memory_space<vmem>> -> memref<1x125x64xf32, #tpu.memory_space<vmem>>
      %dma_start3A_122 = tpu.memref_squeeze %dma_start3A_121 : memref<1x125x64xf32, #tpu.memory_space<vmem>> -> memref<125x64xf32, #tpu.memory_space<vmem>>
      %dma_start3A_123 = arith.constant 0 : i32
      %dma_start3A_124 = tpu.memref_slice %arg7[%add3A_115, %dma_start3A_123] : memref<160x125xi32, #tpu.memory_space<vmem>> -> memref<1x125xi32, #tpu.memory_space<vmem>>
      %dma_start3A_125 = tpu.memref_squeeze %dma_start3A_124 : memref<1x125xi32, #tpu.memory_space<vmem>> -> memref<125xi32, #tpu.memory_space<vmem>>
      %dma_start3A_126 = arith.constant 0 : i32
      %dma_start3A_127 = arith.constant 0 : i32
      %dma_start3A_128 = tpu.memref_slice %arg4[%arg0, %dma_start3A_126, %dma_start3A_127] : memref<2x10112x64xf32, #tpu.memory_space<hbm>> -> memref<1x10112x64xf32, #tpu.memory_space<hbm>>
      %dma_start3A_129 = tpu.memref_squeeze %dma_start3A_128 : memref<1x10112x64xf32, #tpu.memory_space<hbm>> -> memref<10112x64xf32, #tpu.memory_space<hbm>>
      %dma_start3A_130 = arith.constant 0 : i32
      %dma_start3A_131 = arith.constant 0 : i32
      %dma_start3A_132 = tpu.memref_slice %dma_start3A_129[%dma_start3A_130, %dma_start3A_131] : memref<10112x64xf32, #tpu.memory_space<hbm>> -> memref<10112x64xf32, #tpu.memory_space<hbm>>
      tpu.enqueue_indirect_dma source(%dma_start3A_132 : memref<10112x64xf32, #tpu.memory_space<hbm>>) target(%dma_start3A_122 : memref<125x64xf32, #tpu.memory_space<vmem>>) offsets(%dma_start3A_125 : memref<125xi32, #tpu.memory_space<vmem>>) semaphore(%arg11 : memref<!tpu.dma_semaphore, #tpu.memory_space<semaphore_mem>>)
      %gt3A_133 = arith.constant 0 : i32
      %gt3A_134 = arith.cmpi sgt, %add3A_113, %gt3A_133 : i32
      %convert_element_type3A_135 = arith.extui %gt3A_134 : i1 to i32
      %cond3A_136 = arith.constant 0 : i32
      %cond3A_137 = arith.cmpi ne, %convert_element_type3A_135, %cond3A_136 : i32
      scf.if %cond3A_137 {
        %sub3A_268 = arith.constant 2 : i32
        %sub3A_269 = arith.subi %add3A_115, %sub3A_268 : i32
        %dma_wait3A_270 = arith.constant 2 : i32
        %dma_wait3A_271 = arith.constant 0 : i32
        %dma_wait3A_272 = arith.constant 0 : i32
        %dma_wait3A_273 = tpu.memref_slice %arg9[%dma_wait3A_270, %dma_wait3A_271, %dma_wait3A_272] : memref<4x125x64xf32, #tpu.memory_space<vmem>> -> memref<1x125x64xf32, #tpu.memory_space<vmem>>
        %dma_wait3A_274 = tpu.memref_squeeze %dma_wait3A_273 : memref<1x125x64xf32, #tpu.memory_space<vmem>> -> memref<125x64xf32, #tpu.memory_space<vmem>>
        %dma_wait3A_275 = arith.constant 0 : i32
        %dma_wait3A_276 = tpu.memref_slice %arg7[%sub3A_269, %dma_wait3A_275] : memref<160x125xi32, #tpu.memory_space<vmem>> -> memref<1x125xi32, #tpu.memory_space<vmem>>
        %dma_wait3A_277 = tpu.memref_squeeze %dma_wait3A_276 : memref<1x125xi32, #tpu.memory_space<vmem>> -> memref<125xi32, #tpu.memory_space<vmem>>
        %dma_wait3A_278 = arith.constant 0 : i32
        %dma_wait3A_279 = arith.constant 0 : i32
        %dma_wait3A_280 = tpu.memref_slice %arg4[%arg0, %dma_wait3A_278, %dma_wait3A_279] : memref<2x10112x64xf32, #tpu.memory_space<hbm>> -> memref<1x10112x64xf32, #tpu.memory_space<hbm>>
        %dma_wait3A_281 = tpu.memref_squeeze %dma_wait3A_280 : memref<1x10112x64xf32, #tpu.memory_space<hbm>> -> memref<10112x64xf32, #tpu.memory_space<hbm>>
        %dma_wait3A_282 = arith.constant 0 : i32
        %dma_wait3A_283 = arith.constant 0 : i32
        %dma_wait3A_284 = tpu.memref_slice %dma_wait3A_281[%dma_wait3A_282, %dma_wait3A_283] : memref<10112x64xf32, #tpu.memory_space<hbm>> -> memref<10112x64xf32, #tpu.memory_space<hbm>>
        tpu.wait_indirect_dma semaphore(%arg13 : memref<!tpu.dma_semaphore, #tpu.memory_space<semaphore_mem>>) src(%dma_wait3A_284 : memref<10112x64xf32, #tpu.memory_space<hbm>>) dst(%dma_wait3A_274 : memref<125x64xf32, #tpu.memory_space<vmem>>)
        %sub3A_285 = arith.constant 2 : i32
        %sub3A_286 = arith.subi %add3A_115, %sub3A_285 : i32
        %dma_start3A_287 = arith.constant 2 : i32
        %dma_start3A_288 = arith.constant 0 : i32
        %dma_start3A_289 = arith.constant 0 : i32
        %dma_start3A_290 = tpu.memref_slice %arg9[%dma_start3A_287, %dma_start3A_288, %dma_start3A_289] : memref<4x125x64xf32, #tpu.memory_space<vmem>> -> memref<1x125x64xf32, #tpu.memory_space<vmem>>
        %dma_start3A_291 = tpu.memref_squeeze %dma_start3A_290 : memref<1x125x64xf32, #tpu.memory_space<vmem>> -> memref<125x64xf32, #tpu.memory_space<vmem>>
        %dma_start3A_292 = arith.constant 0 : i32
        %dma_start3A_293 = tpu.memref_slice %arg8[%sub3A_286, %dma_start3A_292] : memref<160x125xi32, #tpu.memory_space<vmem>> -> memref<1x125xi32, #tpu.memory_space<vmem>>
        %dma_start3A_294 = tpu.memref_squeeze %dma_start3A_293 : memref<1x125xi32, #tpu.memory_space<vmem>> -> memref<125xi32, #tpu.memory_space<vmem>>
        %dma_start3A_295 = arith.constant 0 : i32
        %dma_start3A_296 = arith.constant 0 : i32
        %dma_start3A_297 = tpu.memref_slice %arg10[%dma_start3A_295, %dma_start3A_296] : memref<10112x64xf32, #tpu.memory_space<vmem_shared>> -> memref<10112x64xf32, #tpu.memory_space<vmem_shared>>
        tpu.enqueue_indirect_dma source(%dma_start3A_291 : memref<125x64xf32, #tpu.memory_space<vmem>>) target(%dma_start3A_297 : memref<10112x64xf32, #tpu.memory_space<vmem_shared>>) offsets(%dma_start3A_294 : memref<125xi32, #tpu.memory_space<vmem>>) semaphore(%arg17 : memref<!tpu.dma_semaphore, #tpu.memory_space<semaphore_mem>>) {add = true}
      } else {
      }
      %add3A_138 = arith.constant 1 : i32
      %add3A_139 = arith.addi %add3A_113, %add3A_138 : i32
      %gt3A_140 = arith.constant 0 : i32
      %gt3A_141 = arith.cmpi sgt, %add3A_113, %gt3A_140 : i32
      %convert_element_type3A_142 = arith.extui %gt3A_141 : i1 to i32
      %cond3A_143 = arith.constant 0 : i32
      %cond3A_144 = arith.cmpi ne, %convert_element_type3A_142, %cond3A_143 : i32
      scf.if %cond3A_144 {
        %sub3A_268 = arith.constant 4 : i32
        %sub3A_269 = arith.subi %add3A_139, %sub3A_268 : i32
        %dma_wait3A_270 = arith.constant 1 : i32
        %dma_wait3A_271 = arith.constant 0 : i32
        %dma_wait3A_272 = arith.constant 0 : i32
        %dma_wait3A_273 = tpu.memref_slice %arg9[%dma_wait3A_270, %dma_wait3A_271, %dma_wait3A_272] : memref<4x125x64xf32, #tpu.memory_space<vmem>> -> memref<1x125x64xf32, #tpu.memory_space<vmem>>
        %dma_wait3A_274 = tpu.memref_squeeze %dma_wait3A_273 : memref<1x125x64xf32, #tpu.memory_space<vmem>> -> memref<125x64xf32, #tpu.memory_space<vmem>>
        %dma_wait3A_275 = arith.constant 0 : i32
        %dma_wait3A_276 = tpu.memref_slice %arg8[%sub3A_269, %dma_wait3A_275] : memref<160x125xi32, #tpu.memory_space<vmem>> -> memref<1x125xi32, #tpu.memory_space<vmem>>
        %dma_wait3A_277 = tpu.memref_squeeze %dma_wait3A_276 : memref<1x125xi32, #tpu.memory_space<vmem>> -> memref<125xi32, #tpu.memory_space<vmem>>
        %dma_wait3A_278 = arith.constant 0 : i32
        %dma_wait3A_279 = arith.constant 0 : i32
        %dma_wait3A_280 = tpu.memref_slice %arg10[%dma_wait3A_278, %dma_wait3A_279] : memref<10112x64xf32, #tpu.memory_space<vmem_shared>> -> memref<10112x64xf32, #tpu.memory_space<vmem_shared>>
        tpu.wait_indirect_dma semaphore(%arg16 : memref<!tpu.dma_semaphore, #tpu.memory_space<semaphore_mem>>) src(%dma_wait3A_274 : memref<125x64xf32, #tpu.memory_space<vmem>>) dst(%dma_wait3A_280 : memref<10112x64xf32, #tpu.memory_space<vmem_shared>>)
      } else {
      }
      %dma_start3A_145 = arith.constant 1 : i32
      %dma_start3A_146 = arith.constant 0 : i32
      %dma_start3A_147 = arith.constant 0 : i32
      %dma_start3A_148 = tpu.memref_slice %arg9[%dma_start3A_145, %dma_start3A_146, %dma_start3A_147] : memref<4x125x64xf32, #tpu.memory_space<vmem>> -> memref<1x125x64xf32, #tpu.memory_space<vmem>>
      %dma_start3A_149 = tpu.memref_squeeze %dma_start3A_148 : memref<1x125x64xf32, #tpu.memory_space<vmem>> -> memref<125x64xf32, #tpu.memory_space<vmem>>
      %dma_start3A_150 = arith.constant 0 : i32
      %dma_start3A_151 = tpu.memref_slice %arg7[%add3A_139, %dma_start3A_150] : memref<160x125xi32, #tpu.memory_space<vmem>> -> memref<1x125xi32, #tpu.memory_space<vmem>>
      %dma_start3A_152 = tpu.memref_squeeze %dma_start3A_151 : memref<1x125xi32, #tpu.memory_space<vmem>> -> memref<125xi32, #tpu.memory_space<vmem>>
      %dma_start3A_153 = arith.constant 0 : i32
      %dma_start3A_154 = arith.constant 0 : i32
      %dma_start3A_155 = tpu.memref_slice %arg4[%arg0, %dma_start3A_153, %dma_start3A_154] : memref<2x10112x64xf32, #tpu.memory_space<hbm>> -> memref<1x10112x64xf32, #tpu.memory_space<hbm>>
      %dma_start3A_156 = tpu.memref_squeeze %dma_start3A_155 : memref<1x10112x64xf32, #tpu.memory_space<hbm>> -> memref<10112x64xf32, #tpu.memory_space<hbm>>
      %dma_start3A_157 = arith.constant 0 : i32
      %dma_start3A_158 = arith.constant 0 : i32
      %dma_start3A_159 = tpu.memref_slice %dma_start3A_156[%dma_start3A_157, %dma_start3A_158] : memref<10112x64xf32, #tpu.memory_space<hbm>> -> memref<10112x64xf32, #tpu.memory_space<hbm>>
      tpu.enqueue_indirect_dma source(%dma_start3A_159 : memref<10112x64xf32, #tpu.memory_space<hbm>>) target(%dma_start3A_149 : memref<125x64xf32, #tpu.memory_space<vmem>>) offsets(%dma_start3A_152 : memref<125xi32, #tpu.memory_space<vmem>>) semaphore(%arg12 : memref<!tpu.dma_semaphore, #tpu.memory_space<semaphore_mem>>)
      %gt3A_160 = arith.constant 0 : i32
      %gt3A_161 = arith.cmpi sgt, %add3A_113, %gt3A_160 : i32
      %convert_element_type3A_162 = arith.extui %gt3A_161 : i1 to i32
      %cond3A_163 = arith.constant 0 : i32
      %cond3A_164 = arith.cmpi ne, %convert_element_type3A_162, %cond3A_163 : i32
      scf.if %cond3A_164 {
        %sub3A_268 = arith.constant 2 : i32
        %sub3A_269 = arith.subi %add3A_139, %sub3A_268 : i32
        %dma_wait3A_270 = arith.constant 3 : i32
        %dma_wait3A_271 = arith.constant 0 : i32
        %dma_wait3A_272 = arith.constant 0 : i32
        %dma_wait3A_273 = tpu.memref_slice %arg9[%dma_wait3A_270, %dma_wait3A_271, %dma_wait3A_272] : memref<4x125x64xf32, #tpu.memory_space<vmem>> -> memref<1x125x64xf32, #tpu.memory_space<vmem>>
        %dma_wait3A_274 = tpu.memref_squeeze %dma_wait3A_273 : memref<1x125x64xf32, #tpu.memory_space<vmem>> -> memref<125x64xf32, #tpu.memory_space<vmem>>
        %dma_wait3A_275 = arith.constant 0 : i32
        %dma_wait3A_276 = tpu.memref_slice %arg7[%sub3A_269, %dma_wait3A_275] : memref<160x125xi32, #tpu.memory_space<vmem>> -> memref<1x125xi32, #tpu.memory_space<vmem>>
        %dma_wait3A_277 = tpu.memref_squeeze %dma_wait3A_276 : memref<1x125xi32, #tpu.memory_space<vmem>> -> memref<125xi32, #tpu.memory_space<vmem>>
        %dma_wait3A_278 = arith.constant 0 : i32
        %dma_wait3A_279 = arith.constant 0 : i32
        %dma_wait3A_280 = tpu.memref_slice %arg4[%arg0, %dma_wait3A_278, %dma_wait3A_279] : memref<2x10112x64xf32, #tpu.memory_space<hbm>> -> memref<1x10112x64xf32, #tpu.memory_space<hbm>>
        %dma_wait3A_281 = tpu.memref_squeeze %dma_wait3A_280 : memref<1x10112x64xf32, #tpu.memory_space<hbm>> -> memref<10112x64xf32, #tpu.memory_space<hbm>>
        %dma_wait3A_282 = arith.constant 0 : i32
        %dma_wait3A_283 = arith.constant 0 : i32
        %dma_wait3A_284 = tpu.memref_slice %dma_wait3A_281[%dma_wait3A_282, %dma_wait3A_283] : memref<10112x64xf32, #tpu.memory_space<hbm>> -> memref<10112x64xf32, #tpu.memory_space<hbm>>
        tpu.wait_indirect_dma semaphore(%arg14 : memref<!tpu.dma_semaphore, #tpu.memory_space<semaphore_mem>>) src(%dma_wait3A_284 : memref<10112x64xf32, #tpu.memory_space<hbm>>) dst(%dma_wait3A_274 : memref<125x64xf32, #tpu.memory_space<vmem>>)
        %sub3A_285 = arith.constant 2 : i32
        %sub3A_286 = arith.subi %add3A_139, %sub3A_285 : i32
        %dma_start3A_287 = arith.constant 3 : i32
        %dma_start3A_288 = arith.constant 0 : i32
        %dma_start3A_289 = arith.constant 0 : i32
        %dma_start3A_290 = tpu.memref_slice %arg9[%dma_start3A_287, %dma_start3A_288, %dma_start3A_289] : memref<4x125x64xf32, #tpu.memory_space<vmem>> -> memref<1x125x64xf32, #tpu.memory_space<vmem>>
        %dma_start3A_291 = tpu.memref_squeeze %dma_start3A_290 : memref<1x125x64xf32, #tpu.memory_space<vmem>> -> memref<125x64xf32, #tpu.memory_space<vmem>>
        %dma_start3A_292 = arith.constant 0 : i32
        %dma_start3A_293 = tpu.memref_slice %arg8[%sub3A_286, %dma_start3A_292] : memref<160x125xi32, #tpu.memory_space<vmem>> -> memref<1x125xi32, #tpu.memory_space<vmem>>
        %dma_start3A_294 = tpu.memref_squeeze %dma_start3A_293 : memref<1x125xi32, #tpu.memory_space<vmem>> -> memref<125xi32, #tpu.memory_space<vmem>>
        %dma_start3A_295 = arith.constant 0 : i32
        %dma_start3A_296 = arith.constant 0 : i32
        %dma_start3A_297 = tpu.memref_slice %arg10[%dma_start3A_295, %dma_start3A_296] : memref<10112x64xf32, #tpu.memory_space<vmem_shared>> -> memref<10112x64xf32, #tpu.memory_space<vmem_shared>>
        tpu.enqueue_indirect_dma source(%dma_start3A_291 : memref<125x64xf32, #tpu.memory_space<vmem>>) target(%dma_start3A_297 : memref<10112x64xf32, #tpu.memory_space<vmem_shared>>) offsets(%dma_start3A_294 : memref<125xi32, #tpu.memory_space<vmem>>) semaphore(%arg18 : memref<!tpu.dma_semaphore, #tpu.memory_space<semaphore_mem>>) {add = true}
      } else {
      }
      %add3A_165 = arith.constant 2 : i32
      %add3A_166 = arith.addi %add3A_113, %add3A_165 : i32
      %gt3A_167 = arith.constant 0 : i32
      %gt3A_168 = arith.cmpi sgt, %add3A_113, %gt3A_167 : i32
      %convert_element_type3A_169 = arith.extui %gt3A_168 : i1 to i32
      %cond3A_170 = arith.constant 0 : i32
      %cond3A_171 = arith.cmpi ne, %convert_element_type3A_169, %cond3A_170 : i32
      scf.if %cond3A_171 {
        %sub3A_268 = arith.constant 4 : i32
        %sub3A_269 = arith.subi %add3A_166, %sub3A_268 : i32
        %dma_wait3A_270 = arith.constant 2 : i32
        %dma_wait3A_271 = arith.constant 0 : i32
        %dma_wait3A_272 = arith.constant 0 : i32
        %dma_wait3A_273 = tpu.memref_slice %arg9[%dma_wait3A_270, %dma_wait3A_271, %dma_wait3A_272] : memref<4x125x64xf32, #tpu.memory_space<vmem>> -> memref<1x125x64xf32, #tpu.memory_space<vmem>>
        %dma_wait3A_274 = tpu.memref_squeeze %dma_wait3A_273 : memref<1x125x64xf32, #tpu.memory_space<vmem>> -> memref<125x64xf32, #tpu.memory_space<vmem>>
        %dma_wait3A_275 = arith.constant 0 : i32
        %dma_wait3A_276 = tpu.memref_slice %arg8[%sub3A_269, %dma_wait3A_275] : memref<160x125xi32, #tpu.memory_space<vmem>> -> memref<1x125xi32, #tpu.memory_space<vmem>>
        %dma_wait3A_277 = tpu.memref_squeeze %dma_wait3A_276 : memref<1x125xi32, #tpu.memory_space<vmem>> -> memref<125xi32, #tpu.memory_space<vmem>>
        %dma_wait3A_278 = arith.constant 0 : i32
        %dma_wait3A_279 = arith.constant 0 : i32
        %dma_wait3A_280 = tpu.memref_slice %arg10[%dma_wait3A_278, %dma_wait3A_279] : memref<10112x64xf32, #tpu.memory_space<vmem_shared>> -> memref<10112x64xf32, #tpu.memory_space<vmem_shared>>
        tpu.wait_indirect_dma semaphore(%arg17 : memref<!tpu.dma_semaphore, #tpu.memory_space<semaphore_mem>>) src(%dma_wait3A_274 : memref<125x64xf32, #tpu.memory_space<vmem>>) dst(%dma_wait3A_280 : memref<10112x64xf32, #tpu.memory_space<vmem_shared>>)
      } else {
      }
      %dma_start3A_172 = arith.constant 2 : i32
      %dma_start3A_173 = arith.constant 0 : i32
      %dma_start3A_174 = arith.constant 0 : i32
      %dma_start3A_175 = tpu.memref_slice %arg9[%dma_start3A_172, %dma_start3A_173, %dma_start3A_174] : memref<4x125x64xf32, #tpu.memory_space<vmem>> -> memref<1x125x64xf32, #tpu.memory_space<vmem>>
      %dma_start3A_176 = tpu.memref_squeeze %dma_start3A_175 : memref<1x125x64xf32, #tpu.memory_space<vmem>> -> memref<125x64xf32, #tpu.memory_space<vmem>>
      %dma_start3A_177 = arith.constant 0 : i32
      %dma_start3A_178 = tpu.memref_slice %arg7[%add3A_166, %dma_start3A_177] : memref<160x125xi32, #tpu.memory_space<vmem>> -> memref<1x125xi32, #tpu.memory_space<vmem>>
      %dma_start3A_179 = tpu.memref_squeeze %dma_start3A_178 : memref<1x125xi32, #tpu.memory_space<vmem>> -> memref<125xi32, #tpu.memory_space<vmem>>
      %dma_start3A_180 = arith.constant 0 : i32
      %dma_start3A_181 = arith.constant 0 : i32
      %dma_start3A_182 = tpu.memref_slice %arg4[%arg0, %dma_start3A_180, %dma_start3A_181] : memref<2x10112x64xf32, #tpu.memory_space<hbm>> -> memref<1x10112x64xf32, #tpu.memory_space<hbm>>
      %dma_start3A_183 = tpu.memref_squeeze %dma_start3A_182 : memref<1x10112x64xf32, #tpu.memory_space<hbm>> -> memref<10112x64xf32, #tpu.memory_space<hbm>>
      %dma_start3A_184 = arith.constant 0 : i32
      %dma_start3A_185 = arith.constant 0 : i32
      %dma_start3A_186 = tpu.memref_slice %dma_start3A_183[%dma_start3A_184, %dma_start3A_185] : memref<10112x64xf32, #tpu.memory_space<hbm>> -> memref<10112x64xf32, #tpu.memory_space<hbm>>
      tpu.enqueue_indirect_dma source(%dma_start3A_186 : memref<10112x64xf32, #tpu.memory_space<hbm>>) target(%dma_start3A_176 : memref<125x64xf32, #tpu.memory_space<vmem>>) offsets(%dma_start3A_179 : memref<125xi32, #tpu.memory_space<vmem>>) semaphore(%arg13 : memref<!tpu.dma_semaphore, #tpu.memory_space<semaphore_mem>>)
      %sub3A = arith.constant 2 : i32
      %sub3A_187 = arith.subi %add3A_166, %sub3A : i32
      %dma_wait3A_188 = arith.constant 0 : i32
      %dma_wait3A_189 = arith.constant 0 : i32
      %dma_wait3A_190 = arith.constant 0 : i32
      %dma_wait3A_191 = tpu.memref_slice %arg9[%dma_wait3A_188, %dma_wait3A_189, %dma_wait3A_190] : memref<4x125x64xf32, #tpu.memory_space<vmem>> -> memref<1x125x64xf32, #tpu.memory_space<vmem>>
      %dma_wait3A_192 = tpu.memref_squeeze %dma_wait3A_191 : memref<1x125x64xf32, #tpu.memory_space<vmem>> -> memref<125x64xf32, #tpu.memory_space<vmem>>
      %dma_wait3A_193 = arith.constant 0 : i32
      %dma_wait3A_194 = tpu.memref_slice %arg7[%sub3A_187, %dma_wait3A_193] : memref<160x125xi32, #tpu.memory_space<vmem>> -> memref<1x125xi32, #tpu.memory_space<vmem>>
      %dma_wait3A_195 = tpu.memref_squeeze %dma_wait3A_194 : memref<1x125xi32, #tpu.memory_space<vmem>> -> memref<125xi32, #tpu.memory_space<vmem>>
      %dma_wait3A_196 = arith.constant 0 : i32
      %dma_wait3A_197 = arith.constant 0 : i32
      %dma_wait3A_198 = tpu.memref_slice %arg4[%arg0, %dma_wait3A_196, %dma_wait3A_197] : memref<2x10112x64xf32, #tpu.memory_space<hbm>> -> memref<1x10112x64xf32, #tpu.memory_space<hbm>>
      %dma_wait3A_199 = tpu.memref_squeeze %dma_wait3A_198 : memref<1x10112x64xf32, #tpu.memory_space<hbm>> -> memref<10112x64xf32, #tpu.memory_space<hbm>>
      %dma_wait3A_200 = arith.constant 0 : i32
      %dma_wait3A_201 = arith.constant 0 : i32
      %dma_wait3A_202 = tpu.memref_slice %dma_wait3A_199[%dma_wait3A_200, %dma_wait3A_201] : memref<10112x64xf32, #tpu.memory_space<hbm>> -> memref<10112x64xf32, #tpu.memory_space<hbm>>
      tpu.wait_indirect_dma semaphore(%arg11 : memref<!tpu.dma_semaphore, #tpu.memory_space<semaphore_mem>>) src(%dma_wait3A_202 : memref<10112x64xf32, #tpu.memory_space<hbm>>) dst(%dma_wait3A_192 : memref<125x64xf32, #tpu.memory_space<vmem>>)
      %sub3A_203 = arith.constant 2 : i32
      %sub3A_204 = arith.subi %add3A_166, %sub3A_203 : i32
      %dma_start3A_205 = arith.constant 0 : i32
      %dma_start3A_206 = arith.constant 0 : i32
      %dma_start3A_207 = arith.constant 0 : i32
      %dma_start3A_208 = tpu.memref_slice %arg9[%dma_start3A_205, %dma_start3A_206, %dma_start3A_207] : memref<4x125x64xf32, #tpu.memory_space<vmem>> -> memref<1x125x64xf32, #tpu.memory_space<vmem>>
      %dma_start3A_209 = tpu.memref_squeeze %dma_start3A_208 : memref<1x125x64xf32, #tpu.memory_space<vmem>> -> memref<125x64xf32, #tpu.memory_space<vmem>>
      %dma_start3A_210 = arith.constant 0 : i32
      %dma_start3A_211 = tpu.memref_slice %arg8[%sub3A_204, %dma_start3A_210] : memref<160x125xi32, #tpu.memory_space<vmem>> -> memref<1x125xi32, #tpu.memory_space<vmem>>
      %dma_start3A_212 = tpu.memref_squeeze %dma_start3A_211 : memref<1x125xi32, #tpu.memory_space<vmem>> -> memref<125xi32, #tpu.memory_space<vmem>>
      %dma_start3A_213 = arith.constant 0 : i32
      %dma_start3A_214 = arith.constant 0 : i32
      %dma_start3A_215 = tpu.memref_slice %arg10[%dma_start3A_213, %dma_start3A_214] : memref<10112x64xf32, #tpu.memory_space<vmem_shared>> -> memref<10112x64xf32, #tpu.memory_space<vmem_shared>>
      tpu.enqueue_indirect_dma source(%dma_start3A_209 : memref<125x64xf32, #tpu.memory_space<vmem>>) target(%dma_start3A_215 : memref<10112x64xf32, #tpu.memory_space<vmem_shared>>) offsets(%dma_start3A_212 : memref<125xi32, #tpu.memory_space<vmem>>) semaphore(%arg15 : memref<!tpu.dma_semaphore, #tpu.memory_space<semaphore_mem>>) {add = true}
      %add3A_216 = arith.constant 3 : i32
      %add3A_217 = arith.addi %add3A_113, %add3A_216 : i32
      %gt3A_218 = arith.constant 0 : i32
      %gt3A_219 = arith.cmpi sgt, %add3A_113, %gt3A_218 : i32
      %convert_element_type3A_220 = arith.extui %gt3A_219 : i1 to i32
      %cond3A_221 = arith.constant 0 : i32
      %cond3A_222 = arith.cmpi ne, %convert_element_type3A_220, %cond3A_221 : i32
      scf.if %cond3A_222 {
        %sub3A_268 = arith.constant 4 : i32
        %sub3A_269 = arith.subi %add3A_217, %sub3A_268 : i32
        %dma_wait3A_270 = arith.constant 3 : i32
        %dma_wait3A_271 = arith.constant 0 : i32
        %dma_wait3A_272 = arith.constant 0 : i32
        %dma_wait3A_273 = tpu.memref_slice %arg9[%dma_wait3A_270, %dma_wait3A_271, %dma_wait3A_272] : memref<4x125x64xf32, #tpu.memory_space<vmem>> -> memref<1x125x64xf32, #tpu.memory_space<vmem>>
        %dma_wait3A_274 = tpu.memref_squeeze %dma_wait3A_273 : memref<1x125x64xf32, #tpu.memory_space<vmem>> -> memref<125x64xf32, #tpu.memory_space<vmem>>
        %dma_wait3A_275 = arith.constant 0 : i32
        %dma_wait3A_276 = tpu.memref_slice %arg8[%sub3A_269, %dma_wait3A_275] : memref<160x125xi32, #tpu.memory_space<vmem>> -> memref<1x125xi32, #tpu.memory_space<vmem>>
        %dma_wait3A_277 = tpu.memref_squeeze %dma_wait3A_276 : memref<1x125xi32, #tpu.memory_space<vmem>> -> memref<125xi32, #tpu.memory_space<vmem>>
        %dma_wait3A_278 = arith.constant 0 : i32
        %dma_wait3A_279 = arith.constant 0 : i32
        %dma_wait3A_280 = tpu.memref_slice %arg10[%dma_wait3A_278, %dma_wait3A_279] : memref<10112x64xf32, #tpu.memory_space<vmem_shared>> -> memref<10112x64xf32, #tpu.memory_space<vmem_shared>>
        tpu.wait_indirect_dma semaphore(%arg18 : memref<!tpu.dma_semaphore, #tpu.memory_space<semaphore_mem>>) src(%dma_wait3A_274 : memref<125x64xf32, #tpu.memory_space<vmem>>) dst(%dma_wait3A_280 : memref<10112x64xf32, #tpu.memory_space<vmem_shared>>)
      } else {
      }
      %dma_start3A_223 = arith.constant 3 : i32
      %dma_start3A_224 = arith.constant 0 : i32
      %dma_start3A_225 = arith.constant 0 : i32
      %dma_start3A_226 = tpu.memref_slice %arg9[%dma_start3A_223, %dma_start3A_224, %dma_start3A_225] : memref<4x125x64xf32, #tpu.memory_space<vmem>> -> memref<1x125x64xf32, #tpu.memory_space<vmem>>
      %dma_start3A_227 = tpu.memref_squeeze %dma_start3A_226 : memref<1x125x64xf32, #tpu.memory_space<vmem>> -> memref<125x64xf32, #tpu.memory_space<vmem>>
      %dma_start3A_228 = arith.constant 0 : i32
      %dma_start3A_229 = tpu.memref_slice %arg7[%add3A_217, %dma_start3A_228] : memref<160x125xi32, #tpu.memory_space<vmem>> -> memref<1x125xi32, #tpu.memory_space<vmem>>
      %dma_start3A_230 = tpu.memref_squeeze %dma_start3A_229 : memref<1x125xi32, #tpu.memory_space<vmem>> -> memref<125xi32, #tpu.memory_space<vmem>>
      %dma_start3A_231 = arith.constant 0 : i32
      %dma_start3A_232 = arith.constant 0 : i32
      %dma_start3A_233 = tpu.memref_slice %arg4[%arg0, %dma_start3A_231, %dma_start3A_232] : memref<2x10112x64xf32, #tpu.memory_space<hbm>> -> memref<1x10112x64xf32, #tpu.memory_space<hbm>>
      %dma_start3A_234 = tpu.memref_squeeze %dma_start3A_233 : memref<1x10112x64xf32, #tpu.memory_space<hbm>> -> memref<10112x64xf32, #tpu.memory_space<hbm>>
      %dma_start3A_235 = arith.constant 0 : i32
      %dma_start3A_236 = arith.constant 0 : i32
      %dma_start3A_237 = tpu.memref_slice %dma_start3A_234[%dma_start3A_235, %dma_start3A_236] : memref<10112x64xf32, #tpu.memory_space<hbm>> -> memref<10112x64xf32, #tpu.memory_space<hbm>>
      tpu.enqueue_indirect_dma source(%dma_start3A_237 : memref<10112x64xf32, #tpu.memory_space<hbm>>) target(%dma_start3A_227 : memref<125x64xf32, #tpu.memory_space<vmem>>) offsets(%dma_start3A_230 : memref<125xi32, #tpu.memory_space<vmem>>) semaphore(%arg14 : memref<!tpu.dma_semaphore, #tpu.memory_space<semaphore_mem>>)
      %sub3A_238 = arith.constant 2 : i32
      %sub3A_239 = arith.subi %add3A_217, %sub3A_238 : i32
      %dma_wait3A_240 = arith.constant 1 : i32
      %dma_wait3A_241 = arith.constant 0 : i32
      %dma_wait3A_242 = arith.constant 0 : i32
      %dma_wait3A_243 = tpu.memref_slice %arg9[%dma_wait3A_240, %dma_wait3A_241, %dma_wait3A_242] : memref<4x125x64xf32, #tpu.memory_space<vmem>> -> memref<1x125x64xf32, #tpu.memory_space<vmem>>
      %dma_wait3A_244 = tpu.memref_squeeze %dma_wait3A_243 : memref<1x125x64xf32, #tpu.memory_space<vmem>> -> memref<125x64xf32, #tpu.memory_space<vmem>>
      %dma_wait3A_245 = arith.constant 0 : i32
      %dma_wait3A_246 = tpu.memref_slice %arg7[%sub3A_239, %dma_wait3A_245] : memref<160x125xi32, #tpu.memory_space<vmem>> -> memref<1x125xi32, #tpu.memory_space<vmem>>
      %dma_wait3A_247 = tpu.memref_squeeze %dma_wait3A_246 : memref<1x125xi32, #tpu.memory_space<vmem>> -> memref<125xi32, #tpu.memory_space<vmem>>
      %dma_wait3A_248 = arith.constant 0 : i32
      %dma_wait3A_249 = arith.constant 0 : i32
      %dma_wait3A_250 = tpu.memref_slice %arg4[%arg0, %dma_wait3A_248, %dma_wait3A_249] : memref<2x10112x64xf32, #tpu.memory_space<hbm>> -> memref<1x10112x64xf32, #tpu.memory_space<hbm>>
      %dma_wait3A_251 = tpu.memref_squeeze %dma_wait3A_250 : memref<1x10112x64xf32, #tpu.memory_space<hbm>> -> memref<10112x64xf32, #tpu.memory_space<hbm>>
      %dma_wait3A_252 = arith.constant 0 : i32
      %dma_wait3A_253 = arith.constant 0 : i32
      %dma_wait3A_254 = tpu.memref_slice %dma_wait3A_251[%dma_wait3A_252, %dma_wait3A_253] : memref<10112x64xf32, #tpu.memory_space<hbm>> -> memref<10112x64xf32, #tpu.memory_space<hbm>>
      tpu.wait_indirect_dma semaphore(%arg12 : memref<!tpu.dma_semaphore, #tpu.memory_space<semaphore_mem>>) src(%dma_wait3A_254 : memref<10112x64xf32, #tpu.memory_space<hbm>>) dst(%dma_wait3A_244 : memref<125x64xf32, #tpu.memory_space<vmem>>)
      %sub3A_255 = arith.constant 2 : i32
      %sub3A_256 = arith.subi %add3A_217, %sub3A_255 : i32
      %dma_start3A_257 = arith.constant 1 : i32
      %dma_start3A_258 = arith.constant 0 : i32
      %dma_start3A_259 = arith.constant 0 : i32
      %dma_start3A_260 = tpu.memref_slice %arg9[%dma_start3A_257, %dma_start3A_258, %dma_start3A_259] : memref<4x125x64xf32, #tpu.memory_space<vmem>> -> memref<1x125x64xf32, #tpu.memory_space<vmem>>
      %dma_start3A_261 = tpu.memref_squeeze %dma_start3A_260 : memref<1x125x64xf32, #tpu.memory_space<vmem>> -> memref<125x64xf32, #tpu.memory_space<vmem>>
      %dma_start3A_262 = arith.constant 0 : i32
      %dma_start3A_263 = tpu.memref_slice %arg8[%sub3A_256, %dma_start3A_262] : memref<160x125xi32, #tpu.memory_space<vmem>> -> memref<1x125xi32, #tpu.memory_space<vmem>>
      %dma_start3A_264 = tpu.memref_squeeze %dma_start3A_263 : memref<1x125xi32, #tpu.memory_space<vmem>> -> memref<125xi32, #tpu.memory_space<vmem>>
      %dma_start3A_265 = arith.constant 0 : i32
      %dma_start3A_266 = arith.constant 0 : i32
      %dma_start3A_267 = tpu.memref_slice %arg10[%dma_start3A_265, %dma_start3A_266] : memref<10112x64xf32, #tpu.memory_space<vmem_shared>> -> memref<10112x64xf32, #tpu.memory_space<vmem_shared>>
      tpu.enqueue_indirect_dma source(%dma_start3A_261 : memref<125x64xf32, #tpu.memory_space<vmem>>) target(%dma_start3A_267 : memref<10112x64xf32, #tpu.memory_space<vmem_shared>>) offsets(%dma_start3A_264 : memref<125xi32, #tpu.memory_space<vmem>>) semaphore(%arg16 : memref<!tpu.dma_semaphore, #tpu.memory_space<semaphore_mem>>) {add = true}
    }
    %scan3A_6 = arith.constant 40 : i32
    %dma_wait3A = arith.constant 158 : i32
    %dma_wait3A_7 = arith.constant 2 : i32
    %dma_wait3A_8 = arith.constant 0 : i32
    %dma_wait3A_9 = arith.constant 0 : i32
    %dma_wait3A_10 = tpu.memref_slice %arg9[%dma_wait3A_7, %dma_wait3A_8, %dma_wait3A_9] : memref<4x125x64xf32, #tpu.memory_space<vmem>> -> memref<1x125x64xf32, #tpu.memory_space<vmem>>
    %dma_wait3A_11 = tpu.memref_squeeze %dma_wait3A_10 : memref<1x125x64xf32, #tpu.memory_space<vmem>> -> memref<125x64xf32, #tpu.memory_space<vmem>>
    %dma_wait3A_12 = arith.constant 0 : i32
    %dma_wait3A_13 = tpu.memref_slice %arg7[%dma_wait3A, %dma_wait3A_12] : memref<160x125xi32, #tpu.memory_space<vmem>> -> memref<1x125xi32, #tpu.memory_space<vmem>>
    %dma_wait3A_14 = tpu.memref_squeeze %dma_wait3A_13 : memref<1x125xi32, #tpu.memory_space<vmem>> -> memref<125xi32, #tpu.memory_space<vmem>>
    %dma_wait3A_15 = arith.constant 0 : i32
    %dma_wait3A_16 = arith.constant 0 : i32
    %dma_wait3A_17 = tpu.memref_slice %arg4[%arg0, %dma_wait3A_15, %dma_wait3A_16] : memref<2x10112x64xf32, #tpu.memory_space<hbm>> -> memref<1x10112x64xf32, #tpu.memory_space<hbm>>
    %dma_wait3A_18 = tpu.memref_squeeze %dma_wait3A_17 : memref<1x10112x64xf32, #tpu.memory_space<hbm>> -> memref<10112x64xf32, #tpu.memory_space<hbm>>
    %dma_wait3A_19 = arith.constant 0 : i32
    %dma_wait3A_20 = arith.constant 0 : i32
    %dma_wait3A_21 = tpu.memref_slice %dma_wait3A_18[%dma_wait3A_19, %dma_wait3A_20] : memref<10112x64xf32, #tpu.memory_space<hbm>> -> memref<10112x64xf32, #tpu.memory_space<hbm>>
    tpu.wait_indirect_dma semaphore(%arg13 : memref<!tpu.dma_semaphore, #tpu.memory_space<semaphore_mem>>) src(%dma_wait3A_21 : memref<10112x64xf32, #tpu.memory_space<hbm>>) dst(%dma_wait3A_11 : memref<125x64xf32, #tpu.memory_space<vmem>>)
    %dma_start3A = arith.constant 2 : i32
    %dma_start3A_22 = arith.constant 158 : i32
    %dma_start3A_23 = arith.constant 0 : i32
    %dma_start3A_24 = arith.constant 0 : i32
    %dma_start3A_25 = tpu.memref_slice %arg9[%dma_start3A, %dma_start3A_23, %dma_start3A_24] : memref<4x125x64xf32, #tpu.memory_space<vmem>> -> memref<1x125x64xf32, #tpu.memory_space<vmem>>
    %dma_start3A_26 = tpu.memref_squeeze %dma_start3A_25 : memref<1x125x64xf32, #tpu.memory_space<vmem>> -> memref<125x64xf32, #tpu.memory_space<vmem>>
    %dma_start3A_27 = arith.constant 0 : i32
    %dma_start3A_28 = tpu.memref_slice %arg8[%dma_start3A_22, %dma_start3A_27] : memref<160x125xi32, #tpu.memory_space<vmem>> -> memref<1x125xi32, #tpu.memory_space<vmem>>
    %dma_start3A_29 = tpu.memref_squeeze %dma_start3A_28 : memref<1x125xi32, #tpu.memory_space<vmem>> -> memref<125xi32, #tpu.memory_space<vmem>>
    %dma_start3A_30 = arith.constant 0 : i32
    %dma_start3A_31 = arith.constant 0 : i32
    %dma_start3A_32 = tpu.memref_slice %arg10[%dma_start3A_30, %dma_start3A_31] : memref<10112x64xf32, #tpu.memory_space<vmem_shared>> -> memref<10112x64xf32, #tpu.memory_space<vmem_shared>>
    tpu.enqueue_indirect_dma source(%dma_start3A_26 : memref<125x64xf32, #tpu.memory_space<vmem>>) target(%dma_start3A_32 : memref<10112x64xf32, #tpu.memory_space<vmem_shared>>) offsets(%dma_start3A_29 : memref<125xi32, #tpu.memory_space<vmem>>) semaphore(%arg17 : memref<!tpu.dma_semaphore, #tpu.memory_space<semaphore_mem>>) {add = true}
    %dma_wait3A_33 = arith.constant 159 : i32
    %dma_wait3A_34 = arith.constant 3 : i32
    %dma_wait3A_35 = arith.constant 0 : i32
    %dma_wait3A_36 = arith.constant 0 : i32
    %dma_wait3A_37 = tpu.memref_slice %arg9[%dma_wait3A_34, %dma_wait3A_35, %dma_wait3A_36] : memref<4x125x64xf32, #tpu.memory_space<vmem>> -> memref<1x125x64xf32, #tpu.memory_space<vmem>>
    %dma_wait3A_38 = tpu.memref_squeeze %dma_wait3A_37 : memref<1x125x64xf32, #tpu.memory_space<vmem>> -> memref<125x64xf32, #tpu.memory_space<vmem>>
    %dma_wait3A_39 = arith.constant 0 : i32
    %dma_wait3A_40 = tpu.memref_slice %arg7[%dma_wait3A_33, %dma_wait3A_39] : memref<160x125xi32, #tpu.memory_space<vmem>> -> memref<1x125xi32, #tpu.memory_space<vmem>>
    %dma_wait3A_41 = tpu.memref_squeeze %dma_wait3A_40 : memref<1x125xi32, #tpu.memory_space<vmem>> -> memref<125xi32, #tpu.memory_space<vmem>>
    %dma_wait3A_42 = arith.constant 0 : i32
    %dma_wait3A_43 = arith.constant 0 : i32
    %dma_wait3A_44 = tpu.memref_slice %arg4[%arg0, %dma_wait3A_42, %dma_wait3A_43] : memref<2x10112x64xf32, #tpu.memory_space<hbm>> -> memref<1x10112x64xf32, #tpu.memory_space<hbm>>
    %dma_wait3A_45 = tpu.memref_squeeze %dma_wait3A_44 : memref<1x10112x64xf32, #tpu.memory_space<hbm>> -> memref<10112x64xf32, #tpu.memory_space<hbm>>
    %dma_wait3A_46 = arith.constant 0 : i32
    %dma_wait3A_47 = arith.constant 0 : i32
    %dma_wait3A_48 = tpu.memref_slice %dma_wait3A_45[%dma_wait3A_46, %dma_wait3A_47] : memref<10112x64xf32, #tpu.memory_space<hbm>> -> memref<10112x64xf32, #tpu.memory_space<hbm>>
    tpu.wait_indirect_dma semaphore(%arg14 : memref<!tpu.dma_semaphore, #tpu.memory_space<semaphore_mem>>) src(%dma_wait3A_48 : memref<10112x64xf32, #tpu.memory_space<hbm>>) dst(%dma_wait3A_38 : memref<125x64xf32, #tpu.memory_space<vmem>>)
    %dma_start3A_49 = arith.constant 3 : i32
    %dma_start3A_50 = arith.constant 159 : i32
    %dma_start3A_51 = arith.constant 0 : i32
    %dma_start3A_52 = arith.constant 0 : i32
    %dma_start3A_53 = tpu.memref_slice %arg9[%dma_start3A_49, %dma_start3A_51, %dma_start3A_52] : memref<4x125x64xf32, #tpu.memory_space<vmem>> -> memref<1x125x64xf32, #tpu.memory_space<vmem>>
    %dma_start3A_54 = tpu.memref_squeeze %dma_start3A_53 : memref<1x125x64xf32, #tpu.memory_space<vmem>> -> memref<125x64xf32, #tpu.memory_space<vmem>>
    %dma_start3A_55 = arith.constant 0 : i32
    %dma_start3A_56 = tpu.memref_slice %arg8[%dma_start3A_50, %dma_start3A_55] : memref<160x125xi32, #tpu.memory_space<vmem>> -> memref<1x125xi32, #tpu.memory_space<vmem>>
    %dma_start3A_57 = tpu.memref_squeeze %dma_start3A_56 : memref<1x125xi32, #tpu.memory_space<vmem>> -> memref<125xi32, #tpu.memory_space<vmem>>
    %dma_start3A_58 = arith.constant 0 : i32
    %dma_start3A_59 = arith.constant 0 : i32
    %dma_start3A_60 = tpu.memref_slice %arg10[%dma_start3A_58, %dma_start3A_59] : memref<10112x64xf32, #tpu.memory_space<vmem_shared>> -> memref<10112x64xf32, #tpu.memory_space<vmem_shared>>
    tpu.enqueue_indirect_dma source(%dma_start3A_54 : memref<125x64xf32, #tpu.memory_space<vmem>>) target(%dma_start3A_60 : memref<10112x64xf32, #tpu.memory_space<vmem_shared>>) offsets(%dma_start3A_57 : memref<125xi32, #tpu.memory_space<vmem>>) semaphore(%arg18 : memref<!tpu.dma_semaphore, #tpu.memory_space<semaphore_mem>>) {add = true}
    %dma_wait3A_61 = arith.constant 0 : i32
    %dma_wait3A_62 = arith.constant 156 : i32
    %dma_wait3A_63 = arith.constant 0 : i32
    %dma_wait3A_64 = arith.constant 0 : i32
    %dma_wait3A_65 = tpu.memref_slice %arg9[%dma_wait3A_61, %dma_wait3A_63, %dma_wait3A_64] : memref<4x125x64xf32, #tpu.memory_space<vmem>> -> memref<1x125x64xf32, #tpu.memory_space<vmem>>
    %dma_wait3A_66 = tpu.memref_squeeze %dma_wait3A_65 : memref<1x125x64xf32, #tpu.memory_space<vmem>> -> memref<125x64xf32, #tpu.memory_space<vmem>>
    %dma_wait3A_67 = arith.constant 0 : i32
    %dma_wait3A_68 = tpu.memref_slice %arg8[%dma_wait3A_62, %dma_wait3A_67] : memref<160x125xi32, #tpu.memory_space<vmem>> -> memref<1x125xi32, #tpu.memory_space<vmem>>
    %dma_wait3A_69 = tpu.memref_squeeze %dma_wait3A_68 : memref<1x125xi32, #tpu.memory_space<vmem>> -> memref<125xi32, #tpu.memory_space<vmem>>
    %dma_wait3A_70 = arith.constant 0 : i32
    %dma_wait3A_71 = arith.constant 0 : i32
    %dma_wait3A_72 = tpu.memref_slice %arg10[%dma_wait3A_70, %dma_wait3A_71] : memref<10112x64xf32, #tpu.memory_space<vmem_shared>> -> memref<10112x64xf32, #tpu.memory_space<vmem_shared>>
    tpu.wait_indirect_dma semaphore(%arg15 : memref<!tpu.dma_semaphore, #tpu.memory_space<semaphore_mem>>) src(%dma_wait3A_66 : memref<125x64xf32, #tpu.memory_space<vmem>>) dst(%dma_wait3A_72 : memref<10112x64xf32, #tpu.memory_space<vmem_shared>>)
    %dma_wait3A_73 = arith.constant 1 : i32
    %dma_wait3A_74 = arith.constant 157 : i32
    %dma_wait3A_75 = arith.constant 0 : i32
    %dma_wait3A_76 = arith.constant 0 : i32
    %dma_wait3A_77 = tpu.memref_slice %arg9[%dma_wait3A_73, %dma_wait3A_75, %dma_wait3A_76] : memref<4x125x64xf32, #tpu.memory_space<vmem>> -> memref<1x125x64xf32, #tpu.memory_space<vmem>>
    %dma_wait3A_78 = tpu.memref_squeeze %dma_wait3A_77 : memref<1x125x64xf32, #tpu.memory_space<vmem>> -> memref<125x64xf32, #tpu.memory_space<vmem>>
    %dma_wait3A_79 = arith.constant 0 : i32
    %dma_wait3A_80 = tpu.memref_slice %arg8[%dma_wait3A_74, %dma_wait3A_79] : memref<160x125xi32, #tpu.memory_space<vmem>> -> memref<1x125xi32, #tpu.memory_space<vmem>>
    %dma_wait3A_81 = tpu.memref_squeeze %dma_wait3A_80 : memref<1x125xi32, #tpu.memory_space<vmem>> -> memref<125xi32, #tpu.memory_space<vmem>>
    %dma_wait3A_82 = arith.constant 0 : i32
    %dma_wait3A_83 = arith.constant 0 : i32
    %dma_wait3A_84 = tpu.memref_slice %arg10[%dma_wait3A_82, %dma_wait3A_83] : memref<10112x64xf32, #tpu.memory_space<vmem_shared>> -> memref<10112x64xf32, #tpu.memory_space<vmem_shared>>
    tpu.wait_indirect_dma semaphore(%arg16 : memref<!tpu.dma_semaphore, #tpu.memory_space<semaphore_mem>>) src(%dma_wait3A_78 : memref<125x64xf32, #tpu.memory_space<vmem>>) dst(%dma_wait3A_84 : memref<10112x64xf32, #tpu.memory_space<vmem_shared>>)
    %dma_wait3A_85 = arith.constant 2 : i32
    %dma_wait3A_86 = arith.constant 158 : i32
    %dma_wait3A_87 = arith.constant 0 : i32
    %dma_wait3A_88 = arith.constant 0 : i32
    %dma_wait3A_89 = tpu.memref_slice %arg9[%dma_wait3A_85, %dma_wait3A_87, %dma_wait3A_88] : memref<4x125x64xf32, #tpu.memory_space<vmem>> -> memref<1x125x64xf32, #tpu.memory_space<vmem>>
    %dma_wait3A_90 = tpu.memref_squeeze %dma_wait3A_89 : memref<1x125x64xf32, #tpu.memory_space<vmem>> -> memref<125x64xf32, #tpu.memory_space<vmem>>
    %dma_wait3A_91 = arith.constant 0 : i32
    %dma_wait3A_92 = tpu.memref_slice %arg8[%dma_wait3A_86, %dma_wait3A_91] : memref<160x125xi32, #tpu.memory_space<vmem>> -> memref<1x125xi32, #tpu.memory_space<vmem>>
    %dma_wait3A_93 = tpu.memref_squeeze %dma_wait3A_92 : memref<1x125xi32, #tpu.memory_space<vmem>> -> memref<125xi32, #tpu.memory_space<vmem>>
    %dma_wait3A_94 = arith.constant 0 : i32
    %dma_wait3A_95 = arith.constant 0 : i32
    %dma_wait3A_96 = tpu.memref_slice %arg10[%dma_wait3A_94, %dma_wait3A_95] : memref<10112x64xf32, #tpu.memory_space<vmem_shared>> -> memref<10112x64xf32, #tpu.memory_space<vmem_shared>>
    tpu.wait_indirect_dma semaphore(%arg17 : memref<!tpu.dma_semaphore, #tpu.memory_space<semaphore_mem>>) src(%dma_wait3A_90 : memref<125x64xf32, #tpu.memory_space<vmem>>) dst(%dma_wait3A_96 : memref<10112x64xf32, #tpu.memory_space<vmem_shared>>)
    %dma_wait3A_97 = arith.constant 3 : i32
    %dma_wait3A_98 = arith.constant 159 : i32
    %dma_wait3A_99 = arith.constant 0 : i32
    %dma_wait3A_100 = arith.constant 0 : i32
    %dma_wait3A_101 = tpu.memref_slice %arg9[%dma_wait3A_97, %dma_wait3A_99, %dma_wait3A_100] : memref<4x125x64xf32, #tpu.memory_space<vmem>> -> memref<1x125x64xf32, #tpu.memory_space<vmem>>
    %dma_wait3A_102 = tpu.memref_squeeze %dma_wait3A_101 : memref<1x125x64xf32, #tpu.memory_space<vmem>> -> memref<125x64xf32, #tpu.memory_space<vmem>>
    %dma_wait3A_103 = arith.constant 0 : i32
    %dma_wait3A_104 = tpu.memref_slice %arg8[%dma_wait3A_98, %dma_wait3A_103] : memref<160x125xi32, #tpu.memory_space<vmem>> -> memref<1x125xi32, #tpu.memory_space<vmem>>
    %dma_wait3A_105 = tpu.memref_squeeze %dma_wait3A_104 : memref<1x125xi32, #tpu.memory_space<vmem>> -> memref<125xi32, #tpu.memory_space<vmem>>
    %dma_wait3A_106 = arith.constant 0 : i32
    %dma_wait3A_107 = arith.constant 0 : i32
    %dma_wait3A_108 = tpu.memref_slice %arg10[%dma_wait3A_106, %dma_wait3A_107] : memref<10112x64xf32, #tpu.memory_space<vmem_shared>> -> memref<10112x64xf32, #tpu.memory_space<vmem_shared>>
    tpu.wait_indirect_dma semaphore(%arg18 : memref<!tpu.dma_semaphore, #tpu.memory_space<semaphore_mem>>) src(%dma_wait3A_102 : memref<125x64xf32, #tpu.memory_space<vmem>>) dst(%dma_wait3A_108 : memref<10112x64xf32, #tpu.memory_space<vmem_shared>>)
    %barrier3A_109 = arith.constant 0 : index
    tpu.barrier barrier_id(%barrier3A_109)
    "tpu.region"() ({
      %run_scoped3A = tpu.sem_alloc : memref<!tpu.dma_semaphore, #tpu.memory_space<semaphore_mem>>
      %dma_start3A_110 = tpu.memref_slice %arg6[%mul3A_0, %mul3A_2] : memref<10112x128xf32, #tpu.memory_space<hbm>> -> memref<632x64xf32, #tpu.memory_space<hbm>>
      %dma_start3A_111 = arith.constant 0 : i32
      %dma_start3A_112 = tpu.memref_slice %arg10[%mul3A_0, %dma_start3A_111] : memref<10112x64xf32, #tpu.memory_space<vmem_shared>> -> memref<632x64xf32, #tpu.memory_space<vmem_shared>>
      tpu.enqueue_dma source(%dma_start3A_112 : memref<632x64xf32, #tpu.memory_space<vmem_shared>>) target(%dma_start3A_110 : memref<632x64xf32, #tpu.memory_space<hbm>>) target_semaphore(%run_scoped3A : memref<!tpu.dma_semaphore, #tpu.memory_space<semaphore_mem>>)
      %dma_wait3A_113 = tpu.memref_slice %arg6[%mul3A_0, %mul3A_2] : memref<10112x128xf32, #tpu.memory_space<hbm>> -> memref<632x64xf32, #tpu.memory_space<hbm>>
      %dma_wait3A_114 = arith.constant 0 : i32
      %dma_wait3A_115 = tpu.memref_slice %arg10[%mul3A_0, %dma_wait3A_114] : memref<10112x64xf32, #tpu.memory_space<vmem_shared>> -> memref<632x64xf32, #tpu.memory_space<vmem_shared>>
      tpu.wait_dma2 semaphore(%run_scoped3A : memref<!tpu.dma_semaphore, #tpu.memory_space<semaphore_mem>>) src(%dma_wait3A_115 : memref<632x64xf32, #tpu.memory_space<vmem_shared>>) dst(%dma_wait3A_113 : memref<632x64xf32, #tpu.memory_space<hbm>>)
      tpu.yield
    }) : () -> ()
    return
  }
}

module attributes {stable_mosaic.version = 14 : i64} {
  func.func @body(%arg0: i32, %arg1: memref<2x1264x16xf32, #tpu.memory_space<vmem>>, %arg2: memref<1264x128xf32, #tpu.memory_space<vmem>>, %arg3: memref<128x128xf32, #tpu.memory_space<vmem>>, %arg4: memref<1264x1xf32, #tpu.memory_space<vmem>>, %arg5: memref<2x1264x64xf32, #tpu.memory_space<vmem>>) attributes {dimension_semantics = [#tpu.dimension_semantics<arbitrary>], iteration_bounds = array<i64: 8>, scalar_prefetch = 0 : i64, scratch_operands = 0 : i64, tpu.core_type = #tpu.core_type<tc>, window_params = [{transform_indices = @transform_0, window_bounds = array<i64: 2, 1264, 16>}, {transform_indices = @transform_1, window_bounds = array<i64: 1264, 128>}, {pipeline_mode = #tpu.pipeline_mode<synchronous>, transform_indices = @transform_2, window_bounds = array<i64: 128, 128>}, {transform_indices = @transform_3, window_bounds = array<i64: 1264, 1>}, {transform_indices = @transform_4, window_bounds = array<i64: 2, 1264, 64>}]} {
    %get3A = arith.constant 0 : index
    %get3A_0 = arith.constant 0 : index
    %get3A_1 = arith.constant 0 : index
    %get3A_2 = vector.load %arg1[%get3A, %get3A_0, %get3A_1] : memref<2x1264x16xf32, #tpu.memory_space<vmem>>, vector<1x1264x1xf32>
    %get3A_3 = vector.shape_cast %get3A_2 : vector<1x1264x1xf32> to vector<1264x1xf32>
    %add3A = arith.constant 1.000000e+00 : f32
    %add3A_4 = vector.broadcast %add3A : f32 to vector<1264x1xf32>
    %add3A_5 = arith.addf %add3A_4, %get3A_3 : vector<1264x1xf32>
    %get3A_6 = arith.constant 1 : index
    %get3A_7 = arith.constant 0 : index
    %get3A_8 = arith.constant 0 : index
    %get3A_9 = vector.load %arg1[%get3A_6, %get3A_7, %get3A_8] : memref<2x1264x16xf32, #tpu.memory_space<vmem>>, vector<1x1264x1xf32>
    %get3A_10 = vector.shape_cast %get3A_9 : vector<1x1264x1xf32> to vector<1264x1xf32>
    %add3A_11 = arith.addf %add3A_5, %get3A_10 : vector<1264x1xf32>
    %rsqrt3A = math.rsqrt %add3A_11 : vector<1264x1xf32>
    %swap3A = arith.constant 0 : index
    %swap3A_12 = arith.constant 0 : index
    %swap3A_13 = vector.load %arg4[%swap3A, %swap3A_12] : memref<1264x1xf32, #tpu.memory_space<vmem>>, vector<1264x1xf32>
    tpu.vector_store %arg4[%swap3A, %swap3A_12], %rsqrt3A {strides = array<i32>} : memref<1264x1xf32, #tpu.memory_space<vmem>>, vector<1264x1xf32>,
    %get3A_14 = arith.constant 0 : index
    %get3A_15 = arith.constant 0 : index
    %get3A_16 = vector.load %arg2[%get3A_14, %get3A_15] : memref<1264x128xf32, #tpu.memory_space<vmem>>, vector<1264x128xf32>
    %get3A_17 = arith.constant 0 : index
    %get3A_18 = arith.constant 0 : index
    %get3A_19 = vector.load %arg3[%get3A_17, %get3A_18] : memref<128x128xf32, #tpu.memory_space<vmem>>, vector<128x128xf32>
    %dot_general3A = arith.constant dense<0.000000e+00> : vector<1264x128xf32>
    %dot_general3A_20 = tpu.matmul %get3A_16, %get3A_19, %dot_general3A {dimension_numbers = #tpu.dot_dimension_numbers<[1], [0], [0], [1], [0, 0, 1, 1], [], []>, transpose_lhs_hint = false} : vector<1264x128xf32>, vector<128x128xf32>, vector<1264x128xf32> -> vector<1264x128xf32>
    %mul3A = vector.broadcast %rsqrt3A : vector<1264x1xf32> to vector<1264x128xf32>
    %mul3A_21 = arith.mulf %dot_general3A_20, %mul3A : vector<1264x128xf32>
    %slice3A = vector.extract_strided_slice %mul3A_21 {offsets = [0, 0], sizes = [1264, 64], strides = [1, 1]} : vector<1264x128xf32> to vector<1264x64xf32>
    %swap3A_22 = arith.constant 0 : index
    %swap3A_23 = arith.constant 0 : index
    %swap3A_24 = arith.constant 0 : index
    %swap3A_25 = vector.load %arg5[%swap3A_22, %swap3A_23, %swap3A_24] : memref<2x1264x64xf32, #tpu.memory_space<vmem>>, vector<1x1264x64xf32>
    %swap3A_26 = vector.shape_cast %swap3A_25 : vector<1x1264x64xf32> to vector<1264x64xf32>
    %swap3A_27 = vector.shape_cast %slice3A : vector<1264x64xf32> to vector<1x1264x64xf32>
    tpu.vector_store %arg5[%swap3A_22, %swap3A_23, %swap3A_24], %swap3A_27 {strides = array<i32>} : memref<2x1264x64xf32, #tpu.memory_space<vmem>>, vector<1x1264x64xf32>,
    %slice3A_28 = vector.extract_strided_slice %mul3A_21 {offsets = [0, 64], sizes = [1264, 64], strides = [1, 1]} : vector<1264x128xf32> to vector<1264x64xf32>
    %swap3A_29 = arith.constant 1 : index
    %swap3A_30 = arith.constant 0 : index
    %swap3A_31 = arith.constant 0 : index
    %swap3A_32 = vector.load %arg5[%swap3A_29, %swap3A_30, %swap3A_31] : memref<2x1264x64xf32, #tpu.memory_space<vmem>>, vector<1x1264x64xf32>
    %swap3A_33 = vector.shape_cast %swap3A_32 : vector<1x1264x64xf32> to vector<1264x64xf32>
    %swap3A_34 = vector.shape_cast %slice3A_28 : vector<1264x64xf32> to vector<1x1264x64xf32>
    tpu.vector_store %arg5[%swap3A_29, %swap3A_30, %swap3A_31], %swap3A_34 {strides = array<i32>} : memref<2x1264x64xf32, #tpu.memory_space<vmem>>, vector<1x1264x64xf32>,
    return
  }
  func.func @transform_0(%arg0: i32) -> (i32, i32, i32) {
    %c0_i32 = arith.constant 0 : i32
    %c0_i32_0 = arith.constant 0 : i32
    %c0_i32_1 = arith.constant 0 : i32
    return %c0_i32, %arg0, %c0_i32_0 : i32, i32, i32
  }
  func.func @transform_1(%arg0: i32) -> (i32, i32) {
    %c0_i32 = arith.constant 0 : i32
    %c0_i32_0 = arith.constant 0 : i32
    return %arg0, %c0_i32 : i32, i32
  }
  func.func @transform_2(%arg0: i32) -> (i32, i32) {
    %c0_i32 = arith.constant 0 : i32
    %c0_i32_0 = arith.constant 0 : i32
    %c0_i32_1 = arith.constant 0 : i32
    return %c0_i32, %c0_i32_0 : i32, i32
  }
  func.func @transform_3(%arg0: i32) -> (i32, i32) {
    %c0_i32 = arith.constant 0 : i32
    %c0_i32_0 = arith.constant 0 : i32
    return %arg0, %c0_i32 : i32, i32
  }
  func.func @transform_4(%arg0: i32) -> (i32, i32, i32) {
    %c0_i32 = arith.constant 0 : i32
    %c0_i32_0 = arith.constant 0 : i32
    %c0_i32_1 = arith.constant 0 : i32
    return %c0_i32, %arg0, %c0_i32_0 : i32, i32, i32
  }
}

module attributes {stable_mosaic.version = 14 : i64} {
  func.func @body(%arg0: i32, %arg1: memref<1264x128xf32, #tpu.memory_space<vmem>>, %arg2: memref<2x1264x64xf32, #tpu.memory_space<vmem>>, %arg3: memref<1264x1xf32, #tpu.memory_space<vmem>>, %arg4: memref<1x128xf32, #tpu.memory_space<vmem>>, %arg5: memref<128x128xf32, #tpu.memory_space<vmem>>, %arg6: memref<2x1264x64xf32, #tpu.memory_space<vmem>>) attributes {dimension_semantics = [#tpu.dimension_semantics<arbitrary>], iteration_bounds = array<i64: 8>, scalar_prefetch = 0 : i64, scratch_operands = 0 : i64, tpu.core_type = #tpu.core_type<tc>, window_params = [{transform_indices = @transform_0, window_bounds = array<i64: 1264, 128>}, {transform_indices = @transform_1, window_bounds = array<i64: 2, 1264, 64>}, {transform_indices = @transform_2, window_bounds = array<i64: 1264, 1>}, {pipeline_mode = #tpu.pipeline_mode<synchronous>, transform_indices = @transform_3, window_bounds = array<i64: 1, 128>}, {pipeline_mode = #tpu.pipeline_mode<synchronous>, transform_indices = @transform_4, window_bounds = array<i64: 128, 128>}, {transform_indices = @transform_5, window_bounds = array<i64: 2, 1264, 64>}]} {
    %get3A = arith.constant 0 : index
    %get3A_0 = arith.constant 0 : index
    %get3A_1 = vector.load %arg3[%get3A, %get3A_0] : memref<1264x1xf32, #tpu.memory_space<vmem>>, vector<1264x1xf32>
    %get3A_2 = arith.constant 0 : index
    %get3A_3 = arith.constant 0 : index
    %get3A_4 = arith.constant 0 : index
    %get3A_5 = vector.load %arg2[%get3A_2, %get3A_3, %get3A_4] : memref<2x1264x64xf32, #tpu.memory_space<vmem>>, vector<1x1264x64xf32>
    %get3A_6 = vector.shape_cast %get3A_5 : vector<1x1264x64xf32> to vector<1264x64xf32>
    %get3A_7 = arith.constant 1 : index
    %get3A_8 = arith.constant 0 : index
    %get3A_9 = arith.constant 0 : index
    %get3A_10 = vector.load %arg2[%get3A_7, %get3A_8, %get3A_9] : memref<2x1264x64xf32, #tpu.memory_space<vmem>>, vector<1x1264x64xf32>
    %get3A_11 = vector.shape_cast %get3A_10 : vector<1x1264x64xf32> to vector<1264x64xf32>
    %concatenate3A = tpu.concatenate %get3A_6, %get3A_11 in 1 : vector<1264x64xf32>, vector<1264x64xf32> -> vector<1264x128xf32>
    %get3A_12 = arith.constant 0 : index
    %get3A_13 = arith.constant 0 : index
    %get3A_14 = vector.load %arg1[%get3A_12, %get3A_13] : memref<1264x128xf32, #tpu.memory_space<vmem>>, vector<1264x128xf32>
    %add3A = arith.addf %get3A_14, %concatenate3A : vector<1264x128xf32>
    %mul3A = vector.broadcast %get3A_1 : vector<1264x1xf32> to vector<1264x128xf32>
    %mul3A_15 = arith.mulf %add3A, %mul3A : vector<1264x128xf32>
    %get3A_16 = arith.constant 0 : index
    %get3A_17 = arith.constant 0 : index
    %get3A_18 = vector.load %arg4[%get3A_16, %get3A_17] : memref<1x128xf32, #tpu.memory_space<vmem>>, vector<1x128xf32>
    %add3A_19 = vector.broadcast %get3A_18 : vector<1x128xf32> to vector<1264x128xf32>
    %add3A_20 = arith.addf %mul3A_15, %add3A_19 : vector<1264x128xf32>
    %max3A = arith.constant 0.000000e+00 : f32
    %max3A_21 = vector.broadcast %max3A : f32 to vector<1264x128xf32>
    %max3A_22 = arith.maximumf %add3A_20, %max3A_21 : vector<1264x128xf32>
    %get3A_23 = arith.constant 0 : index
    %get3A_24 = arith.constant 0 : index
    %get3A_25 = vector.load %arg5[%get3A_23, %get3A_24] : memref<128x128xf32, #tpu.memory_space<vmem>>, vector<128x128xf32>
    %dot_general3A = arith.constant dense<0.000000e+00> : vector<1264x128xf32>
    %dot_general3A_26 = tpu.matmul %max3A_22, %get3A_25, %dot_general3A {dimension_numbers = #tpu.dot_dimension_numbers<[1], [0], [0], [1], [0, 0, 1, 1], [], []>, transpose_lhs_hint = false} : vector<1264x128xf32>, vector<128x128xf32>, vector<1264x128xf32> -> vector<1264x128xf32>
    %mul3A_27 = vector.broadcast %get3A_1 : vector<1264x1xf32> to vector<1264x128xf32>
    %mul3A_28 = arith.mulf %dot_general3A_26, %mul3A_27 : vector<1264x128xf32>
    %slice3A = vector.extract_strided_slice %mul3A_28 {offsets = [0, 0], sizes = [1264, 64], strides = [1, 1]} : vector<1264x128xf32> to vector<1264x64xf32>
    %swap3A = arith.constant 0 : index
    %swap3A_29 = arith.constant 0 : index
    %swap3A_30 = arith.constant 0 : index
    %swap3A_31 = vector.load %arg6[%swap3A, %swap3A_29, %swap3A_30] : memref<2x1264x64xf32, #tpu.memory_space<vmem>>, vector<1x1264x64xf32>
    %swap3A_32 = vector.shape_cast %swap3A_31 : vector<1x1264x64xf32> to vector<1264x64xf32>
    %swap3A_33 = vector.shape_cast %slice3A : vector<1264x64xf32> to vector<1x1264x64xf32>
    tpu.vector_store %arg6[%swap3A, %swap3A_29, %swap3A_30], %swap3A_33 {strides = array<i32>} : memref<2x1264x64xf32, #tpu.memory_space<vmem>>, vector<1x1264x64xf32>,
    %slice3A_34 = vector.extract_strided_slice %mul3A_28 {offsets = [0, 64], sizes = [1264, 64], strides = [1, 1]} : vector<1264x128xf32> to vector<1264x64xf32>
    %swap3A_35 = arith.constant 1 : index
    %swap3A_36 = arith.constant 0 : index
    %swap3A_37 = arith.constant 0 : index
    %swap3A_38 = vector.load %arg6[%swap3A_35, %swap3A_36, %swap3A_37] : memref<2x1264x64xf32, #tpu.memory_space<vmem>>, vector<1x1264x64xf32>
    %swap3A_39 = vector.shape_cast %swap3A_38 : vector<1x1264x64xf32> to vector<1264x64xf32>
    %swap3A_40 = vector.shape_cast %slice3A_34 : vector<1264x64xf32> to vector<1x1264x64xf32>
    tpu.vector_store %arg6[%swap3A_35, %swap3A_36, %swap3A_37], %swap3A_40 {strides = array<i32>} : memref<2x1264x64xf32, #tpu.memory_space<vmem>>, vector<1x1264x64xf32>,
    return
  }
  func.func @transform_0(%arg0: i32) -> (i32, i32) {
    %c0_i32 = arith.constant 0 : i32
    %c0_i32_0 = arith.constant 0 : i32
    return %arg0, %c0_i32 : i32, i32
  }
  func.func @transform_1(%arg0: i32) -> (i32, i32, i32) {
    %c0_i32 = arith.constant 0 : i32
    %c0_i32_0 = arith.constant 0 : i32
    %c0_i32_1 = arith.constant 0 : i32
    return %c0_i32, %arg0, %c0_i32_0 : i32, i32, i32
  }
  func.func @transform_2(%arg0: i32) -> (i32, i32) {
    %c0_i32 = arith.constant 0 : i32
    %c0_i32_0 = arith.constant 0 : i32
    return %arg0, %c0_i32 : i32, i32
  }
  func.func @transform_3(%arg0: i32) -> (i32, i32) {
    %c0_i32 = arith.constant 0 : i32
    %c0_i32_0 = arith.constant 0 : i32
    %c0_i32_1 = arith.constant 0 : i32
    return %c0_i32, %c0_i32_0 : i32, i32
  }
  func.func @transform_4(%arg0: i32) -> (i32, i32) {
    %c0_i32 = arith.constant 0 : i32
    %c0_i32_0 = arith.constant 0 : i32
    %c0_i32_1 = arith.constant 0 : i32
    return %c0_i32, %c0_i32_0 : i32, i32
  }
  func.func @transform_5(%arg0: i32) -> (i32, i32, i32) {
    %c0_i32 = arith.constant 0 : i32
    %c0_i32_0 = arith.constant 0 : i32
    %c0_i32_1 = arith.constant 0 : i32
    return %c0_i32, %arg0, %c0_i32_0 : i32, i32, i32
  }
}

module attributes {stable_mosaic.version = 14 : i64} {
  func.func @body(%arg0: i32, %arg1: memref<1000x128xf32, #tpu.memory_space<vmem>>, %arg2: memref<2x1000x64xf32, #tpu.memory_space<vmem>>, %arg3: memref<1000x1xf32, #tpu.memory_space<vmem>>, %arg4: memref<1x128xf32, #tpu.memory_space<vmem>>, %arg5: memref<128x128xf32, #tpu.memory_space<vmem>>, %arg6: memref<1x128xf32, #tpu.memory_space<vmem>>, %arg7: memref<1x128xf32, #tpu.memory_space<vmem>>, %arg8: memref<1x128xf32, #tpu.memory_space<vmem>>, %arg9: memref<128x128xf32, #tpu.memory_space<vmem>>, %arg10: memref<1x128xf32, #tpu.memory_space<vmem>>, %arg11: memref<1000x128xf32, #tpu.memory_space<vmem>>) attributes {dimension_semantics = [#tpu.dimension_semantics<arbitrary>], iteration_bounds = array<i64: 10>, scalar_prefetch = 0 : i64, scratch_operands = 0 : i64, tpu.core_type = #tpu.core_type<tc>, window_params = [{transform_indices = @transform_0, window_bounds = array<i64: 1000, 128>}, {transform_indices = @transform_1, window_bounds = array<i64: 2, 1000, 64>}, {transform_indices = @transform_2, window_bounds = array<i64: 1000, 1>}, {pipeline_mode = #tpu.pipeline_mode<synchronous>, transform_indices = @transform_3, window_bounds = array<i64: 1, 128>}, {pipeline_mode = #tpu.pipeline_mode<synchronous>, transform_indices = @transform_4, window_bounds = array<i64: 128, 128>}, {pipeline_mode = #tpu.pipeline_mode<synchronous>, transform_indices = @transform_5, window_bounds = array<i64: 1, 128>}, {pipeline_mode = #tpu.pipeline_mode<synchronous>, transform_indices = @transform_6, window_bounds = array<i64: 1, 128>}, {pipeline_mode = #tpu.pipeline_mode<synchronous>, transform_indices = @transform_7, window_bounds = array<i64: 1, 128>}, {pipeline_mode = #tpu.pipeline_mode<synchronous>, transform_indices = @transform_8, window_bounds = array<i64: 128, 128>}, {pipeline_mode = #tpu.pipeline_mode<synchronous>, transform_indices = @transform_9, window_bounds = array<i64: 1, 128>}, {transform_indices = @transform_10, window_bounds = array<i64: 1000, 128>}]} {
    %get3A = arith.constant 0 : index
    %get3A_0 = arith.constant 0 : index
    %get3A_1 = vector.load %arg3[%get3A, %get3A_0] : memref<1000x1xf32, #tpu.memory_space<vmem>>, vector<1000x1xf32>
    %get3A_2 = arith.constant 0 : index
    %get3A_3 = arith.constant 0 : index
    %get3A_4 = arith.constant 0 : index
    %get3A_5 = vector.load %arg2[%get3A_2, %get3A_3, %get3A_4] : memref<2x1000x64xf32, #tpu.memory_space<vmem>>, vector<1x1000x64xf32>
    %get3A_6 = vector.shape_cast %get3A_5 : vector<1x1000x64xf32> to vector<1000x64xf32>
    %get3A_7 = arith.constant 1 : index
    %get3A_8 = arith.constant 0 : index
    %get3A_9 = arith.constant 0 : index
    %get3A_10 = vector.load %arg2[%get3A_7, %get3A_8, %get3A_9] : memref<2x1000x64xf32, #tpu.memory_space<vmem>>, vector<1x1000x64xf32>
    %get3A_11 = vector.shape_cast %get3A_10 : vector<1x1000x64xf32> to vector<1000x64xf32>
    %concatenate3A = tpu.concatenate %get3A_6, %get3A_11 in 1 : vector<1000x64xf32>, vector<1000x64xf32> -> vector<1000x128xf32>
    %get3A_12 = arith.constant 0 : index
    %get3A_13 = arith.constant 0 : index
    %get3A_14 = vector.load %arg1[%get3A_12, %get3A_13] : memref<1000x128xf32, #tpu.memory_space<vmem>>, vector<1000x128xf32>
    %add3A = arith.addf %get3A_14, %concatenate3A : vector<1000x128xf32>
    %mul3A = vector.broadcast %get3A_1 : vector<1000x1xf32> to vector<1000x128xf32>
    %mul3A_15 = arith.mulf %add3A, %mul3A : vector<1000x128xf32>
    %get3A_16 = arith.constant 0 : index
    %get3A_17 = arith.constant 0 : index
    %get3A_18 = vector.load %arg4[%get3A_16, %get3A_17] : memref<1x128xf32, #tpu.memory_space<vmem>>, vector<1x128xf32>
    %add3A_19 = vector.broadcast %get3A_18 : vector<1x128xf32> to vector<1000x128xf32>
    %add3A_20 = arith.addf %mul3A_15, %add3A_19 : vector<1000x128xf32>
    %max3A = arith.constant 0.000000e+00 : f32
    %max3A_21 = vector.broadcast %max3A : f32 to vector<1000x128xf32>
    %max3A_22 = arith.maximumf %add3A_20, %max3A_21 : vector<1000x128xf32>
    %get3A_23 = arith.constant 0 : index
    %get3A_24 = arith.constant 0 : index
    %get3A_25 = vector.load %arg5[%get3A_23, %get3A_24] : memref<128x128xf32, #tpu.memory_space<vmem>>, vector<128x128xf32>
    %dot_general3A = arith.constant dense<0.000000e+00> : vector<1000x128xf32>
    %dot_general3A_26 = tpu.matmul %max3A_22, %get3A_25, %dot_general3A {dimension_numbers = #tpu.dot_dimension_numbers<[1], [0], [0], [1], [0, 0, 1, 1], [], []>, transpose_lhs_hint = false} : vector<1000x128xf32>, vector<128x128xf32>, vector<1000x128xf32> -> vector<1000x128xf32>
    %get3A_27 = arith.constant 0 : index
    %get3A_28 = arith.constant 0 : index
    %get3A_29 = vector.load %arg6[%get3A_27, %get3A_28] : memref<1x128xf32, #tpu.memory_space<vmem>>, vector<1x128xf32>
    %add3A_30 = vector.broadcast %get3A_29 : vector<1x128xf32> to vector<1000x128xf32>
    %add3A_31 = arith.addf %dot_general3A_26, %add3A_30 : vector<1000x128xf32>
    %get3A_32 = arith.constant 0 : index
    %get3A_33 = arith.constant 0 : index
    %get3A_34 = vector.load %arg7[%get3A_32, %get3A_33] : memref<1x128xf32, #tpu.memory_space<vmem>>, vector<1x128xf32>
    %mul3A_35 = arith.constant 0.999994993 : f32
    %mul3A_36 = vector.broadcast %mul3A_35 : f32 to vector<1x128xf32>
    %mul3A_37 = arith.mulf %get3A_34, %mul3A_36 : vector<1x128xf32>
    %mul3A_38 = vector.broadcast %mul3A_37 : vector<1x128xf32> to vector<1000x128xf32>
    %mul3A_39 = arith.mulf %add3A_31, %mul3A_38 : vector<1000x128xf32>
    %get3A_40 = arith.constant 0 : index
    %get3A_41 = arith.constant 0 : index
    %get3A_42 = vector.load %arg8[%get3A_40, %get3A_41] : memref<1x128xf32, #tpu.memory_space<vmem>>, vector<1x128xf32>
    %add3A_43 = vector.broadcast %get3A_42 : vector<1x128xf32> to vector<1000x128xf32>
    %add3A_44 = arith.addf %mul3A_39, %add3A_43 : vector<1000x128xf32>
    %max3A_45 = arith.constant 0.000000e+00 : f32
    %max3A_46 = vector.broadcast %max3A_45 : f32 to vector<1000x128xf32>
    %max3A_47 = arith.maximumf %add3A_44, %max3A_46 : vector<1000x128xf32>
    %get3A_48 = arith.constant 0 : index
    %get3A_49 = arith.constant 0 : index
    %get3A_50 = vector.load %arg9[%get3A_48, %get3A_49] : memref<128x128xf32, #tpu.memory_space<vmem>>, vector<128x128xf32>
    %dot_general3A_51 = arith.constant dense<0.000000e+00> : vector<1000x128xf32>
    %dot_general3A_52 = tpu.matmul %max3A_47, %get3A_50, %dot_general3A_51 {dimension_numbers = #tpu.dot_dimension_numbers<[1], [0], [0], [1], [0, 0, 1, 1], [], []>, transpose_lhs_hint = false} : vector<1000x128xf32>, vector<128x128xf32>, vector<1000x128xf32> -> vector<1000x128xf32>
    %get3A_53 = arith.constant 0 : index
    %get3A_54 = arith.constant 0 : index
    %get3A_55 = vector.load %arg10[%get3A_53, %get3A_54] : memref<1x128xf32, #tpu.memory_space<vmem>>, vector<1x128xf32>
    %add3A_56 = vector.broadcast %get3A_55 : vector<1x128xf32> to vector<1000x128xf32>
    %add3A_57 = arith.addf %dot_general3A_52, %add3A_56 : vector<1000x128xf32>
    %swap3A = arith.constant 0 : index
    %swap3A_58 = arith.constant 0 : index
    %swap3A_59 = vector.load %arg11[%swap3A, %swap3A_58] : memref<1000x128xf32, #tpu.memory_space<vmem>>, vector<1000x128xf32>
    tpu.vector_store %arg11[%swap3A, %swap3A_58], %add3A_57 {strides = array<i32>} : memref<1000x128xf32, #tpu.memory_space<vmem>>, vector<1000x128xf32>,
    return
  }
  func.func @transform_0(%arg0: i32) -> (i32, i32) {
    %c0_i32 = arith.constant 0 : i32
    %c0_i32_0 = arith.constant 0 : i32
    return %arg0, %c0_i32 : i32, i32
  }
  func.func @transform_1(%arg0: i32) -> (i32, i32, i32) {
    %c0_i32 = arith.constant 0 : i32
    %c0_i32_0 = arith.constant 0 : i32
    %c0_i32_1 = arith.constant 0 : i32
    return %c0_i32, %arg0, %c0_i32_0 : i32, i32, i32
  }
  func.func @transform_2(%arg0: i32) -> (i32, i32) {
    %c0_i32 = arith.constant 0 : i32
    %c0_i32_0 = arith.constant 0 : i32
    return %arg0, %c0_i32 : i32, i32
  }
  func.func @transform_3(%arg0: i32) -> (i32, i32) {
    %c0_i32 = arith.constant 0 : i32
    %c0_i32_0 = arith.constant 0 : i32
    %c0_i32_1 = arith.constant 0 : i32
    return %c0_i32, %c0_i32_0 : i32, i32
  }
  func.func @transform_4(%arg0: i32) -> (i32, i32) {
    %c0_i32 = arith.constant 0 : i32
    %c0_i32_0 = arith.constant 0 : i32
    %c0_i32_1 = arith.constant 0 : i32
    return %c0_i32, %c0_i32_0 : i32, i32
  }
  func.func @transform_5(%arg0: i32) -> (i32, i32) {
    %c0_i32 = arith.constant 0 : i32
    %c0_i32_0 = arith.constant 0 : i32
    %c0_i32_1 = arith.constant 0 : i32
    return %c0_i32, %c0_i32_0 : i32, i32
  }
  func.func @transform_6(%arg0: i32) -> (i32, i32) {
    %c0_i32 = arith.constant 0 : i32
    %c0_i32_0 = arith.constant 0 : i32
    %c0_i32_1 = arith.constant 0 : i32
    return %c0_i32, %c0_i32_0 : i32, i32
  }
  func.func @transform_7(%arg0: i32) -> (i32, i32) {
    %c0_i32 = arith.constant 0 : i32
    %c0_i32_0 = arith.constant 0 : i32
    %c0_i32_1 = arith.constant 0 : i32
    return %c0_i32, %c0_i32_0 : i32, i32
  }
  func.func @transform_8(%arg0: i32) -> (i32, i32) {
    %c0_i32 = arith.constant 0 : i32
    %c0_i32_0 = arith.constant 0 : i32
    %c0_i32_1 = arith.constant 0 : i32
    return %c0_i32, %c0_i32_0 : i32, i32
  }
  func.func @transform_9(%arg0: i32) -> (i32, i32) {
    %c0_i32 = arith.constant 0 : i32
    %c0_i32_0 = arith.constant 0 : i32
    %c0_i32_1 = arith.constant 0 : i32
    return %c0_i32, %c0_i32_0 : i32, i32
  }
  func.func @transform_10(%arg0: i32) -> (i32, i32) {
    %c0_i32 = arith.constant 0 : i32
    %c0_i32_0 = arith.constant 0 : i32
    return %arg0, %c0_i32 : i32, i32
  }
}

</mosaic_0001>

<sc_bundles>
// kernel: kernel.10.cloned.1.call-start
scs
__scs_entry_jumppad:
0x0: {  	(pc) =	sbr.rel $0x88, $3  }
0x1: {  	(tag) =	ssettag $0x0;
	lr =	simm.s32 $0x1  }
0x2: {  	[smem:$0x3F93] =	sst lr;
	_ =	strace $0xD0000000  }
0x3: {  	_ = 	snop  }
0x4: {  	_ = 	snop  }
0x5: {  	_ = 	snop  }
0x6: {  	_ = 	snop  }
0x7: {  	_ = 	snop  }
__scs_overlays_trampoline_lowered:
0x8: {  	[smem:$0x3FA2] =	sst s0  }
0x9: {  	[smem:$0x3FA3] =	sst s1  }
0xa: {  	[smem:$0x3FA4] =	sst s2  }
0xb: {  	[smem:$0x3FA5] =	sst s3  }
0xc: {  	[smem:$0x3FA6] =	sst s4  }
0xd: {  	[smem:$0x3FA7] =	sst s5  }
0xe: {  	[smem:$0x3FA8] =	sst s6  }
0xf: {  	[smem:$0x3FA9] =	sst s7  }
0x10: {  	[smem:$0x3FAA] =	sst s8  }
0x11: {  	[smem:$0x3FAB] =	sst s9;
	s0 =	simm.s32 @!p0 $0x0  }
0x12: {  	s1 =	sld [smem:$0x3F91];
	s0 =	simm.s32 @p0 $0x1  }
0x13: {  	[smem:$0x3FAC] =	sst s0;
	s0 =	simm.s32 @!p1 $0x0  }
0x14: {  	s2 =	sld [smem:$0x3F90];
	s0 =	simm.s32 @p1 $0x1  }
0x15: {  	[smem:$0x3FAD] =	sst s0;
	s0 =	simm.s32 @!p2 $0x0  }
0x16: {  	s3 =	sld [smem:$0x3FDB];
	s0 =	simm.s32 @p2 $0x1  }
0x17: {  	s4 =	simm.s32 $0x1BF5;
	[smem:$0x3FAF] =	sst s0  }
0x18: {  	s0 =	sld [smem:$0x3F92];
	_ =	swait.ge [sflag:s4], $0x0  }
0x19: {  	s7 =	sld [smem:$0x3F93]  }
0x1a: {  	s8 =	sadd.s32 $0xFFFFE003, lr  }
0x1b: {  	s9 =	sadd.s32 $0xFFFFFEF7, lr;
	s5 =	simm.s32 $0xFFFFFFFF;
	p2 =	slt.u32 s8, $0xFFFFF086  }
0x1c: {  	p1 =	slt.u32 s9, $0xF7A;
	s5 =	simm.s32 @!p2 $0x0  }
0x1d: {  	s5 =	simm.s32 @p1 $0x1;
	p0 =	seq.s32 s7, s2  }
0x1e: {  	s7 =	smul.u32 @!p0 $0xF7A, s2;
	p2 =	seq.s32 @!p0 s5, $0x0  }
0x1f: {  	s9 =	smul.u32 $0xF7A, s1;
	s8 =	simm.s32 @!p0 $0x1BF5;
	p2 =	por !p2, p0  }
0x20: {  	[sflag:s8] =	ssyncset.s32 @!p0 $0xFFFFF086;
	s6 =	sadd.s32 @!p0 s3, s7;
	s7 =	simm.s32 @!p0 $0x108  }
0x21: {  	s3 =	sadd.s32 s3, s9;
	s6 =	sadd.s32 @!p0 $0x88, s6;
	s7 =	simm.s32 @p2 $0x1082  }
0x22: {  	[simem:s7], [sflag:s8] =	dma.local @!p0 [hbm:s6], $0xF7A  }
0x23: {  	s9 =	sor.u32 $0xD0000000, s2;
	s6 =	simm.s32 $0x108;
	_ =	swait.ge @!p0 [sflag:s8], $0x0  }
0x24: {  	s3 =	sadd.s32 $0x88, s3;
	s6 =	simm.s32 @!p1 $0x1082;
	[sflag:s4] =	ssyncset.s32 $0xFFFFF086  }
0x25: {  	[simem:s6], [sflag:s4] =	dma.local [hbm:s3], $0xF7A  }
0x26: {  	[smem:$0x3F93] =	sst s1;
	(tag) =	ssettag s2;
	_ =	strace s9  }
0x27: {  	s1 =	sld [smem:$0x3FA3]  }
0x28: {  	s2 =	sld [smem:$0x3FA4]  }
0x29: {  	s4 =	sld [smem:$0x3FA6]  }
0x2a: {  	p0 =	seq.s32 s5, $0x0;
	s5 =	sld [smem:$0x3FA7]  }
0x2b: {  	s6 =	sld [smem:$0x3FA8]  }
0x2c: {  	s7 =	sld [smem:$0x3FA9]  }
0x2d: {  	s3 =	simm.s32 $0x108;
	s8 =	sld [smem:$0x3FAA]  }
0x2e: {  	s3 =	simm.s32 @!p0 $0x1082;
	s9 =	sld [smem:$0x3FAB]  }
0x2f: {  	lr =	sadd.s32 s0, s3;
	s0 =	sld [smem:$0x3FA2]  }
0x30: {  	s3 =	sld [smem:$0x3FA5]  }
0x31: {  	[smem:$0x3FAE] =	sst s10  }
0x32: {  	s10 =	sld [smem:$0x3FAC];
	_ =	sdelay $0x3  }
0x33: {  	p0 =	seq.s32 s10, $0x1;
	s10 =	sld [smem:$0x3FAE];
	_ =	sdelay $0x3  }
0x34: {  	[smem:$0x3FAE] =	sst s10  }
0x35: {  	s10 =	sld [smem:$0x3FAD];
	_ =	sdelay $0x3  }
0x36: {  	p1 =	seq.s32 s10, $0x1;
	s10 =	sld [smem:$0x3FAE];
	_ =	sdelay $0x3  }
0x37: {  	[smem:$0x3FAE] =	sst s10  }
0x38: {  	s10 =	sld [smem:$0x3FAF]  }
0x39: {  	_ = 	snop;
	(pc) =	sbr.ind lr, $3  }
0x3a: {  	_ = 	snop  }
0x3b: {  	_ = 	snop  }
0x3c: {  	p2 =	seq.s32 s10, $0x1;
	s10 =	sld [smem:$0x3FAE]  }
0x3d: {  	_ =	shalt  }
0x3e: {  	_ =	shalt  }
0x3f: {  	_ =	shalt  }
0x40: {  	_ =	shalt  }
0x41: {  	_ =	shalt  }
0x42: {  	_ =	shalt  }
0x43: {  	_ =	shalt  }
0x44: {  	_ =	shalt  }
0x45: {  	_ =	shalt  }
0x46: {  	_ =	shalt  }
0x47: {  	_ =	shalt  }
0x48: {  	_ =	shalt  }
0x49: {  	_ =	shalt  }
0x4a: {  	_ =	shalt  }
0x4b: {  	_ =	shalt  }
0x4c: {  	_ =	shalt  }
0x4d: {  	_ =	shalt  }
0x4e: {  	_ =	shalt  }
0x4f: {  	_ =	shalt  }
0x50: {  	_ =	shalt  }
0x51: {  	_ =	shalt  }
0x52: {  	_ =	shalt  }
0x53: {  	_ =	shalt  }
0x54: {  	_ =	shalt  }
0x55: {  	_ =	shalt  }
0x56: {  	_ =	shalt  }
0x57: {  	_ =	shalt  }
0x58: {  	_ =	shalt  }
0x59: {  	_ =	shalt  }
0x5a: {  	_ =	shalt  }
0x5b: {  	_ =	shalt  }
0x5c: {  	_ =	shalt  }
0x5d: {  	_ =	shalt  }
0x5e: {  	_ =	shalt  }
0x5f: {  	_ =	shalt  }
0x60: {  	_ =	shalt  }
0x61: {  	_ =	shalt  }
0x62: {  	_ =	shalt  }
0x63: {  	_ =	shalt  }
0x64: {  	_ =	shalt  }
0x65: {  	_ =	shalt  }
0x66: {  	_ =	shalt  }
0x67: {  	_ =	shalt  }
0x68: {  	_ =	shalt  }
0x69: {  	_ =	shalt  }
0x6a: {  	_ =	shalt  }
0x6b: {  	_ =	shalt  }
0x6c: {  	_ =	shalt  }
0x6d: {  	_ =	shalt  }
0x6e: {  	_ =	shalt  }
0x6f: {  	_ =	shalt  }
0x70: {  	_ =	shalt  }
0x71: {  	_ =	shalt  }
0x72: {  	_ =	shalt  }
0x73: {  	_ =	shalt  }
0x74: {  	_ =	shalt  }
0x75: {  	_ =	shalt  }
0x76: {  	_ =	shalt  }
0x77: {  	_ =	shalt  }
0x78: {  	_ =	shalt  }
0x79: {  	_ =	shalt  }
0x7a: {  	_ =	shalt  }
0x7b: {  	_ =	shalt  }
0x7c: {  	_ =	shalt  }
0x7d: {  	_ =	shalt  }
0x7e: {  	_ =	shalt  }
0x7f: {  	_ =	shalt  }
0x80: {  	_ =	shalt  }
0x81: {  	_ =	shalt  }
0x82: {  	_ =	shalt  }
0x83: {  	_ =	shalt  }
0x84: {  	_ =	shalt  }
0x85: {  	_ =	shalt  }
0x86: {  	_ =	shalt  }
0x87: {  	_ =	shalt  }
.Lfunc_end0:
.L_simem_size_0:
called_computation_lowered:
.L_overlay_start_0:
0x88: {  	s2 =	sld [smem:$0x3FD9]  }
0x89: {  	s3 =	sld [smem:$0x3FFE];
	_ =	sdelay $0x1  }
0x8a: {  	s1 =	srdreg.scid  }
0x8b: {  	s0 =	sand.u32 $0x1, s1  }
0x8c: {  	s17 =	sshll.u32 s0, $0xA;
	s2 =	sadd.s32 s3, s2  }
0x8d: {  	s2 =	sadd.s32 s2, s17  }
0x8e: {  	[smem:$0x3FBA] =	sst s2  }
0x8f: {  	_ = 	snop  }
0x90: {  	s2 =	sld [smem:$0x3FD0];
	(tm) =	ssettm $0x1  }
0x91: {  	s18 =	sld [smem:$0x3FFB];
	_ =	sdelay $0x3  }
0x92: {  	_ =	strace s18  }
0x93: {  	s3 =	sld [smem:$0x3FFC];
	_ =	sdelay $0x3  }
0x94: {  	_ =	strace s3  }
0x95: {  	s3 =	sld [smem:$0x3FFD];
	_ =	sdelay $0x3  }
0x96: {  	_ =	strace s3  }
0x97: {  	_ =	strace $0x8FFFFFFF  }
0x98: {  	s19 =	sld [smem:$0x3FDB];
	_ =	sdelay $0x1  }
0x99: {  	s4 =	simm.s32 $_scs_section_size  }
0x9a: {  	s5 =	simm.s32 $_size__tile_overlayer_lowered;
	s6 =	simm.s32 $_tile_overlayer_lowered  }
0x9b: {  	s22 =	simm.s32 $0x1BFF;
	s21 =	sshll.u32 s6, $0x1;
	s3 =	sadd.s32 s4, s19  }
0x9c: {  	s7 =	simm.s32 $0x0;
	s20 =	sshll.u32 s5, $0x1;
	s5 =	sadd.s32 s21, s3  }
0x9d: {  	[timem:s7], [sflag:s22] =	dma.local [hbm:s5], s20  }
0x9e: {  	_ =	swait.ge [sflag:s22], s20  }
0x9f: {  	s4 =	ssub.s32 $0x0, s20;
	[sflag:s22] =	ssyncset.done $0x0  }
0xa0: {  	[sflag:s22] =	ssyncadd.s32 s4;
	_ =	sdelay $0x1  }
0xa1: {  	s23 =	simm.s32 $0x1B8B  }
0xa2: {  	_ =	swait.ge [sflag:s23], $0x1  }
0xa3: {  	[sflag:s23] =	ssyncset.done $0x0  }
0xa4: {  	s25 =	simm.s32 $0x1B8E;
	s24 =	sld [smem:$0x3FFE];
	[sflag:s23] =	ssyncadd.s32 $0xFFFFFFFF  }
0xa5: {  	s26 =	simm.s32 $execute0_lowered;
	[smem:$0x3FD2] =	sst s25  }
0xa6: {  	s5 =	sshll.u32 s26, $0x1;
	_ =	strace $0x80000046;
	[dreg:$0x1] =	wrdreg $0xFFFFFFFF  }
0xa7: {  	s28 =	simm.s32 $_size_execute0_lowered;
	s3 =	sadd.s32 s3, s5;
	[dreg:$0x0] =	wrdreg $0x0  }
0xa8: {  	s5 =	sshll.u32 s28, $0x1;
	[dreg:$0x2] =	wrdreg s3  }
0xa9: {  	[dreg:$0x3] =	wrdreg s5  }
0xaa: {  	[dreg:$0x4] =	wrdreg $0xC0  }
0xab: {  	_ =	task [dreg:s7], $0x5FFFF  }
0xac: {  	[dreg:$0x1] =	wrdreg $0xFFFFFFFF  }
0xad: {  	[dreg:$0x0] =	wrdreg $0x60  }
0xae: {  	[dreg:$0x2] =	wrdreg s2  }
0xaf: {  	[dreg:$0x3] =	wrdreg s24  }
0xb0: {  	[dreg:$0x4] =	wrdreg $0x2FD00  }
0xb1: {  	[dreg:$0x5] =	wrdreg $0x9  }
0xb2: {  	_ =	task.clear_ibuf [dreg:s7], $0x6FFFF;
	_ =	strace $0x90000046  }
0xb3: {  	s29 =	simm.s32 $0x9;
	_ =	strace $0x80000048  }
0xb4: {  	_ =	swait.ge [sflag:s29], $0x1  }
0xb5: {  	[sflag:s29] =	ssyncadd.s32 $0xFFFFFFFF  }
0xb6: {  	_ =	strace $0x90000048  }
0xb7: {  	_ =	sfence  }
0xb8: {  	s30 =	sld [smem:$0x0];
	_ =	sdelay $0x2  }
0xb9: {  	s31 =	sshll.u32 s1, $0xD;
	s1 =	sshrl.u32 s1, $0x2  }
0xba: {  	s3 =	sand.u32 $0x4000, s31;
	s1 =	sadd.s32 s1, s30  }
0xbb: {  	s0 =	sor.u32 s3, s0;
	s1 =	sshll.u32 s1, $0x11  }
0xbc: {  	s0 =	sor.u32 s1, s0  }
0xbd: {  	s0 =	sadd.s32 $0x8F2B, s0  }
0xbe: {  	[sflag:s0] =	ssyncadd.remote.s32 $0x1  }
0xbf: {  	_ =	sfence.sel $0xFFFF  }
0xc0: {  	[dreg:$0x0] =	wrdreg $0xFFFFFFFF;
	(pc) =	sbr.abs _section_cstart, $3  }
0xc1: {  	[dreg:$0x1] =	wrdreg $0xFFFFFFFF  }
0xc2: {  	_ =	task.clear_ibuf [dreg:s7], $0x2FFFF;
	_ =	strace $0x9FFFFFFF  }
0xc3: {  	(tm) =	ssettm $0x7FFFFFFF  }
tec
execute0_lowered:
.L_overlay_start_1:
0x0: {  	(tag) =	ssettag $0x1  }
0x1: {  	s7 =	rddreg [dreg:$0x0]  }
0x2: {  	s5 =	rddreg [dreg:$0x1]  }
0x3: {  	s2 =	rddreg [dreg:$0x2]  }
0x4: {  	s0 =	rddreg [dreg:$0x3];
	s3 =	simm.s32 $0x0;
	s1 =	stileid.u32  }
0x5: {  	s8 =	srdreg.scid;
	s13 =	simm.s32 $0x80;
	s14 =	simm.s32 $0x100  }
0x6: {  	s15 =	simm.s32 $0x180;
	s16 =	simm.s32 $0x1;
	s17 =	simm.s32 $0x2  }
0x7: {  	s18 =	simm.s32 $0x3;
	s19 =	simm.s32 $0x4;
	[smem:$0x7FF] =	sst s3  }
0x8: {  	s6 =	smul.u32 $0x2780, s1;
	s4 =	sadd.s32 $0x8E00, s5;
	s8 =	sand.u32 $0x1, s8  }
0x9: {  	s10 =	sshll.u32 s1, $0x1;
	s31 =	sshll.u32 s1, $0x6;
	_ =	strace $0x80000047  }
0xa: {  	s9 =	smul.u32 $0x4F00, s8;
	s12 =	ssub.s32 $0x2, s8;
	s8 =	sor.u32 s8, s10  }
0xb: {  	s10 =	simm.s32 $0x5;
	s20 =	sshrl.u32 s6, $0x3;
	s28 =	sshrl.u32 s12, $0x1  }
0xc: {  	s8 =	smul.u32 $0x500, s8;
	s30 =	sadd.s32 s6, s2;
	s6 =	sor.u32 $0x1C05, s31  }
0xd: {  	s11 =	sadd.s32 s20, s5;
	s9 =	sadd.s32 s9, s5;
	s29 =	ssub.s32 s12, s28  }
0xe: {  	s12 =	simm.s32 $0x7D;
	s5 =	sadd.s32 $0x3E00, s11;
	s7 =	sadd.s32 s7, s8  }
0xf: {  	s21 =	sadd.s32 $0x9000, s9;
	s8 =	smax.u32 s29, $0x1;
	s9 =	sshrl.u32 s30, $0x3  }
0x10: {  	s11 =	simm.s32 $0x2800;
	s20 =	sadd.s32 s20, s21;
	s21 =	simm.s32 $0x0  }
.LBB2_1:
0x11: {  	[spmem:s9], [sflag:s6] =	dma.local [hbm:s5], $0x4F0  }
0x12: {  	_ =	swait.ge [sflag:s10], $0x4F0  }
0x13: {  	[sflag:s10] =	ssyncset.done $0x0  }
0x14: {  	[sflag:s10] =	ssyncadd.s32 $0xFFFFFB10  }
0x15: {  	[tilespmem:s11], [sflag:$0x5] =	stream.linear.gather [hbm4b:s4+s3], $0x7D0, $0x38;
	[tilespmem:$0x5750] =	vst v63  }
0x16: {  	_ =	swait.ge [sflag:s10], $0x7D0  }
0x17: {  	[sflag:s10] =	ssyncset.done $0x0  }
0x18: {  	[sflag:s10] =	ssyncadd.s32 $0xFFFFF830  }
0x19: {  	[tilespmem:s3], [sflag:$0x5] =	stream.linear.gather [hbm4b:s7+s3], $0x2800, $0x38;
	[tilespmem:$0x5750] =	vst v63  }
0x1a: {  	_ =	swait.ge [sflag:s10], $0x2800  }
0x1b: {  	[sflag:s10] =	ssyncset.done $0x0  }
0x1c: {  	[sflag:s10] =	ssyncadd.s32 $0xFFFFD800  }
0x1d: {  	[bflag:$0x0] =	sbarrier.arrive $0xFFFF  }
0x1e: {  	[spmem:s2] =	stream.indirect.scatter.add.f32 [tilespmem:s11], [sflag:$0x1], $0x10, s3, s12, $0xb8;
	[tilespmem:$0x5750] =	vst v63  }
0x1f: {  	_ = 	snop  }
0x20: {  	[spmem:s2] =	stream.indirect.scatter.add.f32 [tilespmem:s11], [sflag:$0x2], $0x10, s13, s12, $0xb8;
	[tilespmem:$0x5750] =	vst v63  }
0x21: {  	_ = 	snop  }
0x22: {  	[spmem:s2] =	stream.indirect.scatter.add.f32 [tilespmem:s11], [sflag:$0x3], $0x10, s14, s12, $0xb8;
	[tilespmem:$0x5750] =	vst v63  }
0x23: {  	_ = 	snop  }
0x24: {  	[spmem:s2] =	stream.indirect.scatter.add.f32 [tilespmem:s11], [sflag:$0x4], $0x10, s15, s12, $0xb8;
	[tilespmem:$0x5750] =	vst v63  }
0x25: {  	_ =	swait.ge [sflag:s16], $0x7D0  }
0x26: {  	[sflag:s16] =	ssyncset.done $0x0  }
0x27: {  	s22 =	simm.s32 $0x200;
	[sflag:s16] =	ssyncadd.s32 $0xFFFFF830  }
0x28: {  	[spmem:s2] =	stream.indirect.scatter.add.f32 [tilespmem:s11], [sflag:$0x1], $0x10, s22, s12, $0xb8;
	[tilespmem:$0x5750] =	vst v63  }
0x29: {  	_ =	swait.ge [sflag:s17], $0x7D0  }
0x2a: {  	[sflag:s17] =	ssyncset.done $0x0  }
0x2b: {  	s30 =	simm.s32 $0x280;
	[sflag:s17] =	ssyncadd.s32 $0xFFFFF830  }
0x2c: {  	[spmem:s2] =	stream.indirect.scatter.add.f32 [tilespmem:s11], [sflag:$0x2], $0x10, s30, s12, $0xb8;
	[tilespmem:$0x5750] =	vst v63  }
0x2d: {  	_ =	swait.ge [sflag:s18], $0x7D0  }
0x2e: {  	[sflag:s18] =	ssyncset.done $0x0  }
0x2f: {  	s31 =	simm.s32 $0x300;
	[sflag:s18] =	ssyncadd.s32 $0xFFFFF830  }
0x30: {  	[spmem:s2] =	stream.indirect.scatter.add.f32 [tilespmem:s11], [sflag:$0x3], $0x10, s31, s12, $0xb8;
	[tilespmem:$0x5750] =	vst v63  }
0x31: {  	_ =	swait.ge [sflag:s19], $0x7D0  }
0x32: {  	[sflag:s19] =	ssyncset.done $0x0  }
0x33: {  	s23 =	simm.s32 $0x380;
	s22 =	simm.s32 $0xFFFF7000;
	[sflag:s19] =	ssyncadd.s32 $0xFFFFF830  }
.LBB2_2:
0x34: {  	[spmem:s2] =	stream.indirect.scatter.add.f32 [tilespmem:s11], [sflag:$0x4], $0x10, s23, s12, $0xb8;
	[tilespmem:$0x5750] =	vst v63  }
0x35: {  	s23 =	smov.u32 s22  }
0x36: {  	p0 =	sne.s32 s22, $0xFFFFF800;
	s22 =	sadd.s32 $0x800, s22;
	_ =	swait.ge [sflag:s16], $0x7D0  }
0x37: {  	s23 =	sshra.s32 s23, $0x2;
	[sflag:s16] =	ssyncset.done $0x0  }
0x38: {  	s24 =	sadd.s32 $0x2800, s23;
	[sflag:s16] =	ssyncadd.s32 $0xFFFFF830  }
0x39: {  	[spmem:s2] =	stream.indirect.scatter.add.f32 [tilespmem:s11], [sflag:$0x1], $0x10, s24, s12, $0xb8;
	[tilespmem:$0x5750] =	vst v63  }
0x3a: {  	_ =	swait.ge [sflag:s17], $0x7D0  }
0x3b: {  	[sflag:s17] =	ssyncset.done $0x0  }
0x3c: {  	s24 =	sadd.s32 $0x2880, s23;
	[sflag:s17] =	ssyncadd.s32 $0xFFFFF830  }
0x3d: {  	[spmem:s2] =	stream.indirect.scatter.add.f32 [tilespmem:s11], [sflag:$0x2], $0x10, s24, s12, $0xb8;
	[tilespmem:$0x5750] =	vst v63  }
0x3e: {  	_ =	swait.ge [sflag:s18], $0x7D0  }
0x3f: {  	[sflag:s18] =	ssyncset.done $0x0  }
.Ltmp0:
0x40: {  	s24 =	sadd.s32 $0x2900, s23;
	[sflag:s18] =	ssyncadd.s32 $0xFFFFF830;
	(pc) =	sbr.rel @p0 .LBB2_2-.Ltmp0, $4  }
0x41: {  	[spmem:s2] =	stream.indirect.scatter.add.f32 [tilespmem:s11], [sflag:$0x3], $0x10, s24, s12, $0xb8;
	[tilespmem:$0x5750] =	vst v63  }
0x42: {  	_ =	swait.ge [sflag:s19], $0x7D0  }
0x43: {  	[sflag:s19] =	ssyncset.done $0x0  }
0x44: {  	s23 =	sadd.s32 $0x2980, s23;
	[sflag:s19] =	ssyncadd.s32 $0xFFFFF830  }
0x45: {  	[spmem:s2] =	stream.indirect.scatter.add.f32 [tilespmem:s11], [sflag:$0x4], $0x10, s23, s12, $0xb8;
	[tilespmem:$0x5750] =	vst v63  }
0x46: {  	_ =	swait.ge [sflag:s16], $0x7D0  }
0x47: {  	[sflag:s16] =	ssyncset.done $0x0  }
0x48: {  	[sflag:s16] =	ssyncadd.s32 $0xFFFFF830  }
0x49: {  	_ =	swait.ge [sflag:s17], $0x7D0  }
0x4a: {  	[sflag:s17] =	ssyncset.done $0x0  }
0x4b: {  	[sflag:s17] =	ssyncadd.s32 $0xFFFFF830  }
0x4c: {  	_ =	swait.ge [sflag:s18], $0x7D0  }
0x4d: {  	[sflag:s18] =	ssyncset.done $0x0  }
0x4e: {  	[sflag:s18] =	ssyncadd.s32 $0xFFFFF830  }
0x4f: {  	_ =	swait.ge [sflag:s19], $0x7D0  }
0x50: {  	s21 =	sadd.s32 $0x1, s21;
	[sflag:s19] =	ssyncset.done $0x0  }
0x51: {  	p0 =	sne.s32 s21, s8;
	[sflag:s19] =	ssyncadd.s32 $0xFFFFF830  }
.Ltmp1:
0x52: {  	[bflag:$0x0] =	sbarrier.arrive $0xFFFF;
	(pc) =	sbr.rel @p0 .LBB2_1-.Ltmp1, $4  }
0x53: {  	[hbm:s20], [sflag:s6] =	dma.local [spmem:s9], $0x4F0  }
0x54: {  	_ =	swait.ge [sflag:s10], $0x4F0  }
0x55: {  	[sflag:s10] =	ssyncset.done $0x0  }
0x56: {  	[sflag:s10] =	ssyncadd.s32 $0xFFFFFB10  }
0x57: {  	_ =	sfence.sel $0x180000  }
0x58: {  	[bflag:$0x0] =	sbarrier.arrive $0xFFFF  }
0x59: {  	p0 =	sne.s32 s1, $0x0;
	_ =	strace $0x90000047  }
0x5a: {  	s0 =	sadd.s32 @!p0 $0x100000, s0;
	[bflag:$0x2] =	sbarrier.arrive $0xFFFF  }
0x5b: {  	[sflag:s0] =	ssyncadd.tile.s32 @!p0 $0x1;
	_ =	shalt  }
.Lfunc_end2:
_tile_overlayer_lowered:
.L_overlay_start_2:
0x5c: {  	(tag) =	ssettag $0x2  }
0x5d: {  	s0 =	rddreg [dreg:$0x0];
	s2 =	stileid.u32  }
0x5e: {  	s1 =	rddreg [dreg:$0x1];
	p0 =	sne.s32 s2, $0x0  }
0x5f: {  	s3 =	rddreg [dreg:$0x2];
	[bflag:$0x3] =	sbarrier.arrive $0xFFFF;
	s2 =	simm.s32 @!p0 $0x1C05  }
0x60: {  	[timem:s3], [sflag:s2] =	dma.local @!p0 [hbm:s0], s1  }
0x61: {  	s0 =	simm.s32 @!p0 $0x5  }
0x62: {  	_ =	swait.ge @!p0 [sflag:s0], s1  }
0x63: {  	s1 =	ssub.s32 @!p0 $0x0, s1;
	[sflag:s0] =	ssyncset.done @!p0 $0x0  }
0x64: {  	[sflag:s0] =	ssyncadd.s32 @!p0 s1  }
0x65: {  	[bflag:$0x3] =	sbarrier.arrive $0xFFFF  }
0x66: {  	_ =	shalt  }

// kernel: kernel.13.cloned.1.call-start
scs
__scs_entry_jumppad:
0x0: {  	(pc) =	sbr.rel $0x88, $3  }
0x1: {  	(tag) =	ssettag $0x0;
	lr =	simm.s32 $0x1  }
0x2: {  	[smem:$0x3F93] =	sst lr;
	_ =	strace $0xD0000000  }
0x3: {  	_ = 	snop  }
0x4: {  	_ = 	snop  }
0x5: {  	_ = 	snop  }
0x6: {  	_ = 	snop  }
0x7: {  	_ = 	snop  }
__scs_overlays_trampoline_lowered:
0x8: {  	[smem:$0x3FA2] =	sst s0  }
0x9: {  	[smem:$0x3FA3] =	sst s1  }
0xa: {  	[smem:$0x3FA4] =	sst s2  }
0xb: {  	[smem:$0x3FA5] =	sst s3  }
0xc: {  	[smem:$0x3FA6] =	sst s4  }
0xd: {  	[smem:$0x3FA7] =	sst s5  }
0xe: {  	[smem:$0x3FA8] =	sst s6  }
0xf: {  	[smem:$0x3FA9] =	sst s7  }
0x10: {  	[smem:$0x3FAA] =	sst s8  }
0x11: {  	[smem:$0x3FAB] =	sst s9;
	s0 =	simm.s32 @!p0 $0x0  }
0x12: {  	s1 =	sld [smem:$0x3F91];
	s0 =	simm.s32 @p0 $0x1  }
0x13: {  	[smem:$0x3FAC] =	sst s0;
	s0 =	simm.s32 @!p1 $0x0  }
0x14: {  	s2 =	sld [smem:$0x3F90];
	s0 =	simm.s32 @p1 $0x1  }
0x15: {  	[smem:$0x3FAD] =	sst s0;
	s0 =	simm.s32 @!p2 $0x0  }
0x16: {  	s3 =	sld [smem:$0x3FDB];
	s0 =	simm.s32 @p2 $0x1  }
0x17: {  	s4 =	simm.s32 $0x1BF5;
	[smem:$0x3FAF] =	sst s0  }
0x18: {  	s0 =	sld [smem:$0x3F92];
	_ =	swait.ge [sflag:s4], $0x0  }
0x19: {  	s7 =	sld [smem:$0x3F93]  }
0x1a: {  	s8 =	sadd.s32 $0xFFFFE003, lr  }
0x1b: {  	s9 =	sadd.s32 $0xFFFFFEF7, lr;
	s5 =	simm.s32 $0xFFFFFFFF;
	p2 =	slt.u32 s8, $0xFFFFF086  }
0x1c: {  	p1 =	slt.u32 s9, $0xF7A;
	s5 =	simm.s32 @!p2 $0x0  }
0x1d: {  	s5 =	simm.s32 @p1 $0x1;
	p0 =	seq.s32 s7, s2  }
0x1e: {  	s7 =	smul.u32 @!p0 $0xF7A, s2;
	p2 =	seq.s32 @!p0 s5, $0x0  }
0x1f: {  	s9 =	smul.u32 $0xF7A, s1;
	s8 =	simm.s32 @!p0 $0x1BF5;
	p2 =	por !p2, p0  }
0x20: {  	[sflag:s8] =	ssyncset.s32 @!p0 $0xFFFFF086;
	s6 =	sadd.s32 @!p0 s3, s7;
	s7 =	simm.s32 @!p0 $0x108  }
0x21: {  	s3 =	sadd.s32 s3, s9;
	s6 =	sadd.s32 @!p0 $0x88, s6;
	s7 =	simm.s32 @p2 $0x1082  }
0x22: {  	[simem:s7], [sflag:s8] =	dma.local @!p0 [hbm:s6], $0xF7A  }
0x23: {  	s9 =	sor.u32 $0xD0000000, s2;
	s6 =	simm.s32 $0x108;
	_ =	swait.ge @!p0 [sflag:s8], $0x0  }
0x24: {  	s3 =	sadd.s32 $0x88, s3;
	s6 =	simm.s32 @!p1 $0x1082;
	[sflag:s4] =	ssyncset.s32 $0xFFFFF086  }
0x25: {  	[simem:s6], [sflag:s4] =	dma.local [hbm:s3], $0xF7A  }
0x26: {  	[smem:$0x3F93] =	sst s1;
	(tag) =	ssettag s2;
	_ =	strace s9  }
0x27: {  	s1 =	sld [smem:$0x3FA3]  }
0x28: {  	s2 =	sld [smem:$0x3FA4]  }
0x29: {  	s4 =	sld [smem:$0x3FA6]  }
0x2a: {  	p0 =	seq.s32 s5, $0x0;
	s5 =	sld [smem:$0x3FA7]  }
0x2b: {  	s6 =	sld [smem:$0x3FA8]  }
0x2c: {  	s7 =	sld [smem:$0x3FA9]  }
0x2d: {  	s3 =	simm.s32 $0x108;
	s8 =	sld [smem:$0x3FAA]  }
0x2e: {  	s3 =	simm.s32 @!p0 $0x1082;
	s9 =	sld [smem:$0x3FAB]  }
0x2f: {  	lr =	sadd.s32 s0, s3;
	s0 =	sld [smem:$0x3FA2]  }
0x30: {  	s3 =	sld [smem:$0x3FA5]  }
0x31: {  	[smem:$0x3FAE] =	sst s10  }
0x32: {  	s10 =	sld [smem:$0x3FAC];
	_ =	sdelay $0x3  }
0x33: {  	p0 =	seq.s32 s10, $0x1;
	s10 =	sld [smem:$0x3FAE];
	_ =	sdelay $0x3  }
0x34: {  	[smem:$0x3FAE] =	sst s10  }
0x35: {  	s10 =	sld [smem:$0x3FAD];
	_ =	sdelay $0x3  }
0x36: {  	p1 =	seq.s32 s10, $0x1;
	s10 =	sld [smem:$0x3FAE];
	_ =	sdelay $0x3  }
0x37: {  	[smem:$0x3FAE] =	sst s10  }
0x38: {  	s10 =	sld [smem:$0x3FAF]  }
0x39: {  	_ = 	snop;
	(pc) =	sbr.ind lr, $3  }
0x3a: {  	_ = 	snop  }
0x3b: {  	_ = 	snop  }
0x3c: {  	p2 =	seq.s32 s10, $0x1;
	s10 =	sld [smem:$0x3FAE]  }
0x3d: {  	_ =	shalt  }
0x3e: {  	_ =	shalt  }
0x3f: {  	_ =	shalt  }
0x40: {  	_ =	shalt  }
0x41: {  	_ =	shalt  }
0x42: {  	_ =	shalt  }
0x43: {  	_ =	shalt  }
0x44: {  	_ =	shalt  }
0x45: {  	_ =	shalt  }
0x46: {  	_ =	shalt  }
0x47: {  	_ =	shalt  }
0x48: {  	_ =	shalt  }
0x49: {  	_ =	shalt  }
0x4a: {  	_ =	shalt  }
0x4b: {  	_ =	shalt  }
0x4c: {  	_ =	shalt  }
0x4d: {  	_ =	shalt  }
0x4e: {  	_ =	shalt  }
0x4f: {  	_ =	shalt  }
0x50: {  	_ =	shalt  }
0x51: {  	_ =	shalt  }
0x52: {  	_ =	shalt  }
0x53: {  	_ =	shalt  }
0x54: {  	_ =	shalt  }
0x55: {  	_ =	shalt  }
0x56: {  	_ =	shalt  }
0x57: {  	_ =	shalt  }
0x58: {  	_ =	shalt  }
0x59: {  	_ =	shalt  }
0x5a: {  	_ =	shalt  }
0x5b: {  	_ =	shalt  }
0x5c: {  	_ =	shalt  }
0x5d: {  	_ =	shalt  }
0x5e: {  	_ =	shalt  }
0x5f: {  	_ =	shalt  }
0x60: {  	_ =	shalt  }
0x61: {  	_ =	shalt  }
0x62: {  	_ =	shalt  }
0x63: {  	_ =	shalt  }
0x64: {  	_ =	shalt  }
0x65: {  	_ =	shalt  }
0x66: {  	_ =	shalt  }
0x67: {  	_ =	shalt  }
0x68: {  	_ =	shalt  }
0x69: {  	_ =	shalt  }
0x6a: {  	_ =	shalt  }
0x6b: {  	_ =	shalt  }
0x6c: {  	_ =	shalt  }
0x6d: {  	_ =	shalt  }
0x6e: {  	_ =	shalt  }
0x6f: {  	_ =	shalt  }
0x70: {  	_ =	shalt  }
0x71: {  	_ =	shalt  }
0x72: {  	_ =	shalt  }
0x73: {  	_ =	shalt  }
0x74: {  	_ =	shalt  }
0x75: {  	_ =	shalt  }
0x76: {  	_ =	shalt  }
0x77: {  	_ =	shalt  }
0x78: {  	_ =	shalt  }
0x79: {  	_ =	shalt  }
0x7a: {  	_ =	shalt  }
0x7b: {  	_ =	shalt  }
0x7c: {  	_ =	shalt  }
0x7d: {  	_ =	shalt  }
0x7e: {  	_ =	shalt  }
0x7f: {  	_ =	shalt  }
0x80: {  	_ =	shalt  }
0x81: {  	_ =	shalt  }
0x82: {  	_ =	shalt  }
0x83: {  	_ =	shalt  }
0x84: {  	_ =	shalt  }
0x85: {  	_ =	shalt  }
0x86: {  	_ =	shalt  }
0x87: {  	_ =	shalt  }
.Lfunc_end0:
.L_simem_size_0:
called_computation.1_lowered:
.L_overlay_start_0:
0x88: {  	s2 =	sld [smem:$0x3FD9]  }
0x89: {  	s3 =	sld [smem:$0x3FFE];
	_ =	sdelay $0x1  }
0x8a: {  	s1 =	srdreg.scid  }
0x8b: {  	s0 =	sand.u32 $0x1, s1  }
0x8c: {  	s17 =	sshll.u32 s0, $0xA;
	s2 =	sadd.s32 s3, s2  }
0x8d: {  	s2 =	sadd.s32 s2, s17  }
0x8e: {  	[smem:$0x3FBA] =	sst s2  }
0x8f: {  	_ = 	snop  }
0x90: {  	s2 =	sld [smem:$0x3FD0];
	(tm) =	ssettm $0x1  }
0x91: {  	s18 =	sld [smem:$0x3FFB];
	_ =	sdelay $0x3  }
0x92: {  	_ =	strace s18  }
0x93: {  	s3 =	sld [smem:$0x3FFC];
	_ =	sdelay $0x3  }
0x94: {  	_ =	strace s3  }
0x95: {  	s3 =	sld [smem:$0x3FFD];
	_ =	sdelay $0x3  }
0x96: {  	_ =	strace s3  }
0x97: {  	_ =	strace $0x8FFFFFFF  }
0x98: {  	s19 =	sld [smem:$0x3FDB];
	_ =	sdelay $0x1  }
0x99: {  	s4 =	simm.s32 $_scs_section_size  }
0x9a: {  	s5 =	simm.s32 $_size__tile_overlayer_lowered;
	s6 =	simm.s32 $_tile_overlayer_lowered  }
0x9b: {  	s22 =	simm.s32 $0x1BFF;
	s21 =	sshll.u32 s6, $0x1;
	s3 =	sadd.s32 s4, s19  }
0x9c: {  	s7 =	simm.s32 $0x0;
	s20 =	sshll.u32 s5, $0x1;
	s5 =	sadd.s32 s21, s3  }
0x9d: {  	[timem:s7], [sflag:s22] =	dma.local [hbm:s5], s20  }
0x9e: {  	_ =	swait.ge [sflag:s22], s20  }
0x9f: {  	s4 =	ssub.s32 $0x0, s20;
	[sflag:s22] =	ssyncset.done $0x0  }
0xa0: {  	[sflag:s22] =	ssyncadd.s32 s4;
	_ =	sdelay $0x1  }
0xa1: {  	s23 =	simm.s32 $0x1B8B  }
0xa2: {  	_ =	swait.ge [sflag:s23], $0x1  }
0xa3: {  	[sflag:s23] =	ssyncset.done $0x0  }
0xa4: {  	s25 =	simm.s32 $0x1B8E;
	s24 =	sld [smem:$0x3FFE];
	[sflag:s23] =	ssyncadd.s32 $0xFFFFFFFF  }
0xa5: {  	s26 =	simm.s32 $execute0_lowered;
	[smem:$0x3FD2] =	sst s25  }
0xa6: {  	s5 =	sshll.u32 s26, $0x1;
	_ =	strace $0x80000049;
	[dreg:$0x1] =	wrdreg $0xFFFFFFFF  }
0xa7: {  	s28 =	simm.s32 $_size_execute0_lowered;
	s3 =	sadd.s32 s3, s5;
	[dreg:$0x0] =	wrdreg $0x0  }
0xa8: {  	s5 =	sshll.u32 s28, $0x1;
	[dreg:$0x2] =	wrdreg s3  }
0xa9: {  	[dreg:$0x3] =	wrdreg s5  }
0xaa: {  	[dreg:$0x4] =	wrdreg $0xC0  }
0xab: {  	_ =	task [dreg:s7], $0x5FFFF  }
0xac: {  	[dreg:$0x1] =	wrdreg $0xFFFFFFFF  }
0xad: {  	[dreg:$0x0] =	wrdreg $0x60  }
0xae: {  	[dreg:$0x2] =	wrdreg s24  }
0xaf: {  	[dreg:$0x3] =	wrdreg s2  }
0xb0: {  	[dreg:$0x4] =	wrdreg $0x11D000  }
0xb1: {  	[dreg:$0x5] =	wrdreg $0x9  }
0xb2: {  	_ =	task.clear_ibuf [dreg:s7], $0x6FFFF;
	_ =	strace $0x90000049  }
0xb3: {  	s29 =	simm.s32 $0x9;
	_ =	strace $0x8000004B  }
0xb4: {  	_ =	swait.ge [sflag:s29], $0x1  }
0xb5: {  	[sflag:s29] =	ssyncadd.s32 $0xFFFFFFFF  }
0xb6: {  	_ =	strace $0x9000004B  }
0xb7: {  	_ =	sfence  }
0xb8: {  	s30 =	sld [smem:$0x0];
	_ =	sdelay $0x2  }
0xb9: {  	s31 =	sshll.u32 s1, $0xD;
	s1 =	sshrl.u32 s1, $0x2  }
0xba: {  	s3 =	sand.u32 $0x4000, s31;
	s1 =	sadd.s32 s1, s30  }
0xbb: {  	s0 =	sor.u32 s3, s0;
	s1 =	sshll.u32 s1, $0x11  }
0xbc: {  	s0 =	sor.u32 s1, s0  }
0xbd: {  	s0 =	sadd.s32 $0x8F2B, s0  }
0xbe: {  	[sflag:s0] =	ssyncadd.remote.s32 $0x1  }
0xbf: {  	_ =	sfence.sel $0xFFFF  }
0xc0: {  	[dreg:$0x0] =	wrdreg $0xFFFFFFFF;
	(pc) =	sbr.abs _section_cstart, $3  }
0xc1: {  	[dreg:$0x1] =	wrdreg $0xFFFFFFFF  }
0xc2: {  	_ =	task.clear_ibuf [dreg:s7], $0x2FFFF;
	_ =	strace $0x9FFFFFFF  }
0xc3: {  	(tm) =	ssettm $0x7FFFFFFF  }
tec
execute0_lowered:
.L_overlay_start_1:
0x0: {  	(tag) =	ssettag $0x1  }
0x1: {  	s0 =	rddreg [dreg:$0x0]  }
0x2: {  	s1 =	rddreg [dreg:$0x1];
	s11 =	stileid.u32  }
0x3: {  	s3 =	srdreg.scid;
	s2 =	rddreg [dreg:$0x2];
	s14 =	simm.s32 $0x7D  }
0x4: {  	s15 =	simm.s32 $0xA000;
	s17 =	simm.s32 $0xBF40;
	s19 =	simm.s32 $0xDE80  }
0x5: {  	s20 =	simm.s32 $0x1;
	s28 =	simm.s32 $0x6;
	s29 =	simm.s32 $0x4  }
0x6: {  	s30 =	simm.s32 $0x7;
	s31 =	simm.s32 $0x8;
	s4 =	smul.u32 $0xA00, s11  }
0x7: {  	s16 =	simm.s32 $0x10;
	s18 =	simm.s32 $0x0;
	s7 =	smul.u32 $0x13C00, s11  }
0x8: {  	s5 =	sand.u32 $0x1, s3;
	s3 =	simm.s32 $0x0;
	s24 =	smul.u32 $0x9E00, s11  }
0x9: {  	s26 =	sshll.u32 s11, $0x6;
	s11 =	simm.s32 $0x5000;
	s6 =	smul.u32 $0x13C00, s5  }
0xa: {  	[smem:$0x7FF] =	sst s3;
	s22 =	sshll.u32 s5, $0x6;
	s5 =	ssub.s32 $0x2, s5  }
0xb: {  	s12 =	sor.u32 $0x1C09, s26;
	s26 =	simm.s32 $0x3;
	_ =	strace $0x8000004A  }
0xc: {  	s8 =	sadd.s32 s4, s0;
	s4 =	sor.u32 s22, s7;
	s23 =	sshrl.u32 s5, $0x1  }
0xd: {  	s13 =	sadd.s32 s24, s2;
	s25 =	sshrl.u32 s24, $0x3;
	s22 =	simm.s32 $0xFDC0  }
0xe: {  	s9 =	sadd.s32 s6, s0;
	s4 =	sshrl.u32 s4, $0x3;
	s10 =	ssub.s32 s5, s23  }
0xf: {  	s5 =	sadd.s32 $0x12E00, s8;
	s6 =	sadd.s32 s1, s25;
	s13 =	sshrl.u32 s13, $0x3  }
0x10: {  	s23 =	simm.s32 $0x2;
	s25 =	simm.s32 $0x5;
	s0 =	sadd.s32 s4, s0  }
0x11: {  	s4 =	sadd.s32 $0x1CE00, s8;
	s7 =	sadd.s32 $0x9D600, s9;
	s9 =	smax.u32 s10, $0x1  }
0x12: {  	s10 =	simm.s32 $0x9;
	s8 =	sadd.s32 $0xC4E00, s0;
	s0 =	simm.s32 $0x9F80  }
.LBB2_1:
0x13: {  	[tilespmem:s3], [sflag:$0x9] =	stream.linear.gather [hbm4b:s4+s3], $0x5000, $0x38;
	[tilespmem:$0x1BB00] =	vst v63  }
0x14: {  	_ =	swait.ge [sflag:s10], $0x5000  }
0x15: {  	[sflag:s10] =	ssyncset.done $0x0  }
0x16: {  	[sflag:s10] =	ssyncadd.s32 $0xFFFFB000  }
0x17: {  	[tilespmem:s11], [sflag:$0x9] =	stream.linear.gather [hbm4b:s5+s3], $0x5000, $0x38;
	[tilespmem:$0x1BB00] =	vst v63  }
0x18: {  	_ =	swait.ge [sflag:s10], $0x5000  }
0x19: {  	[sflag:s10] =	ssyncset.done $0x0  }
0x1a: {  	[sflag:s10] =	ssyncadd.s32 $0xFFFFB000  }
0x1b: {  	[spmem:s13], [sflag:s12] =	dma.local [hbm:s6], $0x13C0  }
0x1c: {  	_ =	swait.ge [sflag:s10], $0x13C0  }
0x1d: {  	[sflag:s10] =	ssyncset.done $0x0  }
0x1e: {  	[sflag:s10] =	ssyncadd.s32 $0xFFFFEC40  }
0x1f: {  	[bflag:$0x0] =	sbarrier.arrive $0xFFFF  }
0x20: {  	[tilespmem:s15], [sflag:$0x1] =	stream.indirect.gather [hbm4b:s7+s14], $0x40, s3, s14, $0xb8;
	[tilespmem:$0x1BB00] =	vst v63  }
0x21: {  	s1 =	simm.s32 $0x80  }
0x22: {  	[tilespmem:s17], [sflag:$0x2] =	stream.indirect.gather [hbm4b:s7+s14], $0x40, s1, s14, $0xb8;
	[tilespmem:$0x1BB00] =	vst v63  }
0x23: {  	s24 =	simm.s32 $0x100  }
0x24: {  	[tilespmem:s19], [sflag:$0x3] =	stream.indirect.gather [hbm4b:s7+s14], $0x40, s24, s14, $0xb8;
	[tilespmem:$0x1BB00] =	vst v63  }
0x25: {  	_ =	swait.ge [sflag:s20], $0x1F40  }
0x26: {  	[sflag:s20] =	ssyncset.done $0x0  }
0x27: {  	[sflag:s20] =	ssyncadd.s32 $0xFFFFE0C0  }
0x28: {  	[spmem:s2] =	stream.indirect.scatter.add.f32 [tilespmem:s15], [sflag:$0x5], $0x40, s11, s14, $0xb8;
	[tilespmem:$0x1BB00] =	vst v63  }
0x29: {  	s21 =	simm.s32 $0x180  }
0x2a: {  	[tilespmem:s22], [sflag:$0x4] =	stream.indirect.gather [hbm4b:s7+s14], $0x40, s21, s14, $0xb8;
	[tilespmem:$0x1BB00] =	vst v63  }
0x2b: {  	_ =	swait.ge [sflag:s23], $0x1F40  }
0x2c: {  	[sflag:s23] =	ssyncset.done $0x0  }
0x2d: {  	s24 =	simm.s32 $0x5080;
	[sflag:s23] =	ssyncadd.s32 $0xFFFFE0C0  }
0x2e: {  	[spmem:s2] =	stream.indirect.scatter.add.f32 [tilespmem:s17], [sflag:$0x6], $0x40, s24, s14, $0xb8;
	[tilespmem:$0x1BB00] =	vst v63  }
0x2f: {  	_ =	swait.ge [sflag:s25], $0x1F40  }
0x30: {  	[sflag:s25] =	ssyncset.done $0x0  }
0x31: {  	s21 =	simm.s32 $0x200;
	[sflag:s25] =	ssyncadd.s32 $0xFFFFE0C0  }
0x32: {  	[tilespmem:s15], [sflag:$0x1] =	stream.indirect.gather [hbm4b:s7+s14], $0x40, s21, s14, $0xb8;
	[tilespmem:$0x1BB00] =	vst v63  }
0x33: {  	_ =	swait.ge [sflag:s26], $0x1F40  }
0x34: {  	[sflag:s26] =	ssyncset.done $0x0  }
0x35: {  	s1 =	simm.s32 $0x5100;
	[sflag:s26] =	ssyncadd.s32 $0xFFFFE0C0  }
0x36: {  	[spmem:s2] =	stream.indirect.scatter.add.f32 [tilespmem:s19], [sflag:$0x7], $0x40, s1, s14, $0xb8;
	[tilespmem:$0x1BB00] =	vst v63  }
0x37: {  	_ =	swait.ge [sflag:s28], $0x1F40  }
0x38: {  	[sflag:s28] =	ssyncset.done $0x0  }
0x39: {  	s24 =	simm.s32 $0x280;
	[sflag:s28] =	ssyncadd.s32 $0xFFFFE0C0  }
0x3a: {  	[tilespmem:s17], [sflag:$0x2] =	stream.indirect.gather [hbm4b:s7+s14], $0x40, s24, s14, $0xb8;
	[tilespmem:$0x1BB00] =	vst v63  }
0x3b: {  	_ =	swait.ge [sflag:s29], $0x1F40  }
0x3c: {  	[sflag:s29] =	ssyncset.done $0x0  }
0x3d: {  	s1 =	simm.s32 $0x5180;
	[sflag:s29] =	ssyncadd.s32 $0xFFFFE0C0  }
0x3e: {  	[spmem:s2] =	stream.indirect.scatter.add.f32 [tilespmem:s22], [sflag:$0x8], $0x40, s1, s14, $0xb8;
	[tilespmem:$0x1BB00] =	vst v63  }
0x3f: {  	_ =	swait.ge [sflag:s30], $0x1F40  }
0x40: {  	[sflag:s30] =	ssyncset.done $0x0  }
0x41: {  	s24 =	simm.s32 $0x300;
	[sflag:s30] =	ssyncadd.s32 $0xFFFFE0C0  }
0x42: {  	[tilespmem:s19], [sflag:$0x3] =	stream.indirect.gather [hbm4b:s7+s14], $0x40, s24, s14, $0xb8;
	[tilespmem:$0x1BB00] =	vst v63  }
0x43: {  	_ =	swait.ge [sflag:s20], $0x1F40  }
0x44: {  	[sflag:s20] =	ssyncset.done $0x0  }
0x45: {  	s1 =	simm.s32 $0x5200;
	[sflag:s20] =	ssyncadd.s32 $0xFFFFE0C0  }
0x46: {  	[spmem:s2] =	stream.indirect.scatter.add.f32 [tilespmem:s15], [sflag:$0x5], $0x40, s1, s14, $0xb8;
	[tilespmem:$0x1BB00] =	vst v63  }
0x47: {  	_ =	swait.ge [sflag:s31], $0x1F40  }
0x48: {  	[sflag:s31] =	ssyncset.done $0x0  }
0x49: {  	s24 =	simm.s32 $0x380;
	[sflag:s31] =	ssyncadd.s32 $0xFFFFE0C0  }
0x4a: {  	[tilespmem:s22], [sflag:$0x4] =	stream.indirect.gather [hbm4b:s7+s14], $0x40, s24, s14, $0xb8;
	[tilespmem:$0x1BB00] =	vst v63  }
0x4b: {  	_ =	swait.ge [sflag:s23], $0x1F40  }
0x4c: {  	[sflag:s23] =	ssyncset.done $0x0  }
0x4d: {  	s21 =	simm.s32 $0x800;
	s24 =	simm.s32 $0x5280;
	[sflag:s23] =	ssyncadd.s32 $0xFFFFE0C0  }
.LBB2_2:
0x4e: {  	[spmem:s2] =	stream.indirect.scatter.add.f32 [tilespmem:s17], [sflag:$0x6], $0x40, s24, s14, $0xb8;
	[tilespmem:$0x1BB00] =	vst v63  }
0x4f: {  	s24 =	smov.u32 s21  }
0x50: {  	p0 =	sne.s32 s21, $0x13000;
	s21 =	sadd.s32 $0x800, s21;
	_ =	swait.ge [sflag:s25], $0x1F40  }
0x51: {  	s24 =	sshra.s32 s24, $0x2;
	[sflag:s25] =	ssyncset.done $0x0  }
0x52: {  	s1 =	sadd.s32 $0x200, s24;
	[sflag:s25] =	ssyncadd.s32 $0xFFFFE0C0  }
0x53: {  	[tilespmem:s15], [sflag:$0x1] =	stream.indirect.gather [hbm4b:s7+s14], $0x40, s1, s14, $0xb8;
	[tilespmem:$0x1BB00] =	vst v63  }
0x54: {  	_ =	swait.ge [sflag:s26], $0x1F40  }
0x55: {  	[sflag:s26] =	ssyncset.done $0x0  }
0x56: {  	s1 =	sadd.s32 $0x5100, s24;
	[sflag:s26] =	ssyncadd.s32 $0xFFFFE0C0  }
0x57: {  	[spmem:s2] =	stream.indirect.scatter.add.f32 [tilespmem:s19], [sflag:$0x7], $0x40, s1, s14, $0xb8;
	[tilespmem:$0x1BB00] =	vst v63  }
0x58: {  	_ =	swait.ge [sflag:s28], $0x1F40  }
0x59: {  	[sflag:s28] =	ssyncset.done $0x0  }
0x5a: {  	s1 =	sadd.s32 $0x280, s24;
	[sflag:s28] =	ssyncadd.s32 $0xFFFFE0C0  }
0x5b: {  	[tilespmem:s17], [sflag:$0x2] =	stream.indirect.gather [hbm4b:s7+s14], $0x40, s1, s14, $0xb8;
	[tilespmem:$0x1BB00] =	vst v63  }
0x5c: {  	_ =	swait.ge [sflag:s29], $0x1F40  }
0x5d: {  	[sflag:s29] =	ssyncset.done $0x0  }
0x5e: {  	s1 =	sadd.s32 $0x5180, s24;
	[sflag:s29] =	ssyncadd.s32 $0xFFFFE0C0  }
0x5f: {  	[spmem:s2] =	stream.indirect.scatter.add.f32 [tilespmem:s22], [sflag:$0x8], $0x40, s1, s14, $0xb8;
	[tilespmem:$0x1BB00] =	vst v63  }
0x60: {  	_ =	swait.ge [sflag:s30], $0x1F40  }
0x61: {  	[sflag:s30] =	ssyncset.done $0x0  }
0x62: {  	s1 =	sadd.s32 $0x300, s24;
	[sflag:s30] =	ssyncadd.s32 $0xFFFFE0C0  }
0x63: {  	[tilespmem:s19], [sflag:$0x3] =	stream.indirect.gather [hbm4b:s7+s14], $0x40, s1, s14, $0xb8;
	[tilespmem:$0x1BB00] =	vst v63  }
0x64: {  	_ =	swait.ge [sflag:s20], $0x1F40  }
0x65: {  	[sflag:s20] =	ssyncset.done $0x0  }
0x66: {  	s1 =	sadd.s32 $0x5200, s24;
	[sflag:s20] =	ssyncadd.s32 $0xFFFFE0C0  }
0x67: {  	[spmem:s2] =	stream.indirect.scatter.add.f32 [tilespmem:s15], [sflag:$0x5], $0x40, s1, s14, $0xb8;
	[tilespmem:$0x1BB00] =	vst v63  }
0x68: {  	_ =	swait.ge [sflag:s31], $0x1F40  }
0x69: {  	[sflag:s31] =	ssyncset.done $0x0  }
.Ltmp0:
0x6a: {  	s1 =	sadd.s32 $0x380, s24;
	[sflag:s31] =	ssyncadd.s32 $0xFFFFE0C0;
	(pc) =	sbr.rel @p0 .LBB2_2-.Ltmp0, $4  }
0x6b: {  	[tilespmem:s22], [sflag:$0x4] =	stream.indirect.gather [hbm4b:s7+s14], $0x40, s1, s14, $0xb8;
	[tilespmem:$0x1BB00] =	vst v63  }
0x6c: {  	_ =	swait.ge [sflag:s23], $0x1F40  }
0x6d: {  	[sflag:s23] =	ssyncset.done $0x0  }
0x6e: {  	s24 =	sadd.s32 $0x5280, s24;
	[sflag:s23] =	ssyncadd.s32 $0xFFFFE0C0  }
0x6f: {  	[spmem:s2] =	stream.indirect.scatter.add.f32 [tilespmem:s17], [sflag:$0x6], $0x40, s24, s14, $0xb8;
	[tilespmem:$0x1BB00] =	vst v63  }
0x70: {  	_ =	swait.ge [sflag:s26], $0x1F40  }
0x71: {  	[sflag:s26] =	ssyncset.done $0x0  }
0x72: {  	s1 =	simm.s32 $0x9F00;
	[sflag:s26] =	ssyncadd.s32 $0xFFFFE0C0  }
0x73: {  	[spmem:s2] =	stream.indirect.scatter.add.f32 [tilespmem:s19], [sflag:$0x7], $0x40, s1, s14, $0xb8;
	[tilespmem:$0x1BB00] =	vst v63  }
0x74: {  	_ =	swait.ge [sflag:s29], $0x1F40  }
0x75: {  	[sflag:s29] =	ssyncset.done $0x0  }
0x76: {  	[sflag:s29] =	ssyncadd.s32 $0xFFFFE0C0  }
0x77: {  	[spmem:s2] =	stream.indirect.scatter.add.f32 [tilespmem:s22], [sflag:$0x8], $0x40, s0, s14, $0xb8;
	[tilespmem:$0x1BB00] =	vst v63  }
0x78: {  	_ =	swait.ge [sflag:s25], $0x1F40  }
0x79: {  	[sflag:s25] =	ssyncset.done $0x0  }
0x7a: {  	[sflag:s25] =	ssyncadd.s32 $0xFFFFE0C0  }
0x7b: {  	_ =	swait.ge [sflag:s28], $0x1F40  }
0x7c: {  	[sflag:s28] =	ssyncset.done $0x0  }
0x7d: {  	[sflag:s28] =	ssyncadd.s32 $0xFFFFE0C0  }
0x7e: {  	_ =	swait.ge [sflag:s30], $0x1F40  }
0x7f: {  	[sflag:s30] =	ssyncset.done $0x0  }
0x80: {  	[sflag:s30] =	ssyncadd.s32 $0xFFFFE0C0  }
0x81: {  	_ =	swait.ge [sflag:s31], $0x1F40  }
0x82: {  	s18 =	sadd.s32 $0x1, s18;
	[sflag:s31] =	ssyncset.done $0x0  }
0x83: {  	p0 =	sne.s32 s18, s9;
	[sflag:s31] =	ssyncadd.s32 $0xFFFFE0C0  }
.Ltmp1:
0x84: {  	[bflag:$0x0] =	sbarrier.arrive $0xFFFF;
	(pc) =	sbr.rel @p0 .LBB2_1-.Ltmp1, $4  }
0x85: {  	[hbm:s8@s16], [sflag:s12] =	dma.strided [spmem:s13@s31], $0x13C0, s20, $0x8   }
0x86: {  	_ =	swait.ge [sflag:s10], $0x13C0  }
0x87: {  	[sflag:s10] =	ssyncset.done $0x0  }
0x88: {  	[sflag:s10] =	ssyncadd.s32 $0xFFFFEC40  }
0x89: {  	_ =	sfence.sel $0x180000  }
0x8a: {  	[bflag:$0x0] =	sbarrier.arrive $0xFFFF  }
0x8b: {  	_ =	strace $0x9000004A  }
0x8c: {  	s0 =	stileid.u32;
	[bflag:$0x2] =	sbarrier.arrive $0xFFFF  }
0x8d: {  	p0 =	sne.s32 s0, $0x0;
	s0 =	rddreg [dreg:$0x3]  }
0x8e: {  	s0 =	sadd.s32 @!p0 $0x100000, s0  }
0x8f: {  	[sflag:s0] =	ssyncadd.tile.s32 @!p0 $0x1;
	_ =	shalt  }
.Lfunc_end2:
_tile_overlayer_lowered:
.L_overlay_start_2:
0x90: {  	(tag) =	ssettag $0x2  }
0x91: {  	s0 =	rddreg [dreg:$0x0];
	s2 =	stileid.u32  }
0x92: {  	s1 =	rddreg [dreg:$0x1];
	p0 =	sne.s32 s2, $0x0  }
0x93: {  	s3 =	rddreg [dreg:$0x2];
	[bflag:$0x3] =	sbarrier.arrive $0xFFFF;
	s2 =	simm.s32 @!p0 $0x1C09  }
0x94: {  	[timem:s3], [sflag:s2] =	dma.local @!p0 [hbm:s0], s1  }
0x95: {  	s0 =	simm.s32 @!p0 $0x9  }
0x96: {  	_ =	swait.ge @!p0 [sflag:s0], s1  }
0x97: {  	s1 =	ssub.s32 @!p0 $0x0, s1;
	[sflag:s0] =	ssyncset.done @!p0 $0x0  }
0x98: {  	[sflag:s0] =	ssyncadd.s32 @!p0 s1  }
0x99: {  	[bflag:$0x3] =	sbarrier.arrive $0xFFFF  }
0x9a: {  	_ =	shalt  }

// kernel: kernel.16.cloned.1.call-start
scs
__scs_entry_jumppad:
0x0: {  	(pc) =	sbr.rel $0x88, $3  }
0x1: {  	(tag) =	ssettag $0x0;
	lr =	simm.s32 $0x1  }
0x2: {  	[smem:$0x3F93] =	sst lr;
	_ =	strace $0xD0000000  }
0x3: {  	_ = 	snop  }
0x4: {  	_ = 	snop  }
0x5: {  	_ = 	snop  }
0x6: {  	_ = 	snop  }
0x7: {  	_ = 	snop  }
__scs_overlays_trampoline_lowered:
0x8: {  	[smem:$0x3FA2] =	sst s0  }
0x9: {  	[smem:$0x3FA3] =	sst s1  }
0xa: {  	[smem:$0x3FA4] =	sst s2  }
0xb: {  	[smem:$0x3FA5] =	sst s3  }
0xc: {  	[smem:$0x3FA6] =	sst s4  }
0xd: {  	[smem:$0x3FA7] =	sst s5  }
0xe: {  	[smem:$0x3FA8] =	sst s6  }
0xf: {  	[smem:$0x3FA9] =	sst s7  }
0x10: {  	[smem:$0x3FAA] =	sst s8  }
0x11: {  	[smem:$0x3FAB] =	sst s9;
	s0 =	simm.s32 @!p0 $0x0  }
0x12: {  	s1 =	sld [smem:$0x3F91];
	s0 =	simm.s32 @p0 $0x1  }
0x13: {  	[smem:$0x3FAC] =	sst s0;
	s0 =	simm.s32 @!p1 $0x0  }
0x14: {  	s2 =	sld [smem:$0x3F90];
	s0 =	simm.s32 @p1 $0x1  }
0x15: {  	[smem:$0x3FAD] =	sst s0;
	s0 =	simm.s32 @!p2 $0x0  }
0x16: {  	s3 =	sld [smem:$0x3FDB];
	s0 =	simm.s32 @p2 $0x1  }
0x17: {  	s4 =	simm.s32 $0x1BF5;
	[smem:$0x3FAF] =	sst s0  }
0x18: {  	s0 =	sld [smem:$0x3F92];
	_ =	swait.ge [sflag:s4], $0x0  }
0x19: {  	s7 =	sld [smem:$0x3F93]  }
0x1a: {  	s8 =	sadd.s32 $0xFFFFE003, lr  }
0x1b: {  	s9 =	sadd.s32 $0xFFFFFEF7, lr;
	s5 =	simm.s32 $0xFFFFFFFF;
	p2 =	slt.u32 s8, $0xFFFFF086  }
0x1c: {  	p1 =	slt.u32 s9, $0xF7A;
	s5 =	simm.s32 @!p2 $0x0  }
0x1d: {  	s5 =	simm.s32 @p1 $0x1;
	p0 =	seq.s32 s7, s2  }
0x1e: {  	s7 =	smul.u32 @!p0 $0xF7A, s2;
	p2 =	seq.s32 @!p0 s5, $0x0  }
0x1f: {  	s9 =	smul.u32 $0xF7A, s1;
	s8 =	simm.s32 @!p0 $0x1BF5;
	p2 =	por !p2, p0  }
0x20: {  	[sflag:s8] =	ssyncset.s32 @!p0 $0xFFFFF086;
	s6 =	sadd.s32 @!p0 s3, s7;
	s7 =	simm.s32 @!p0 $0x108  }
0x21: {  	s3 =	sadd.s32 s3, s9;
	s6 =	sadd.s32 @!p0 $0x88, s6;
	s7 =	simm.s32 @p2 $0x1082  }
0x22: {  	[simem:s7], [sflag:s8] =	dma.local @!p0 [hbm:s6], $0xF7A  }
0x23: {  	s9 =	sor.u32 $0xD0000000, s2;
	s6 =	simm.s32 $0x108;
	_ =	swait.ge @!p0 [sflag:s8], $0x0  }
0x24: {  	s3 =	sadd.s32 $0x88, s3;
	s6 =	simm.s32 @!p1 $0x1082;
	[sflag:s4] =	ssyncset.s32 $0xFFFFF086  }
0x25: {  	[simem:s6], [sflag:s4] =	dma.local [hbm:s3], $0xF7A  }
0x26: {  	[smem:$0x3F93] =	sst s1;
	(tag) =	ssettag s2;
	_ =	strace s9  }
0x27: {  	s1 =	sld [smem:$0x3FA3]  }
0x28: {  	s2 =	sld [smem:$0x3FA4]  }
0x29: {  	s4 =	sld [smem:$0x3FA6]  }
0x2a: {  	p0 =	seq.s32 s5, $0x0;
	s5 =	sld [smem:$0x3FA7]  }
0x2b: {  	s6 =	sld [smem:$0x3FA8]  }
0x2c: {  	s7 =	sld [smem:$0x3FA9]  }
0x2d: {  	s3 =	simm.s32 $0x108;
	s8 =	sld [smem:$0x3FAA]  }
0x2e: {  	s3 =	simm.s32 @!p0 $0x1082;
	s9 =	sld [smem:$0x3FAB]  }
0x2f: {  	lr =	sadd.s32 s0, s3;
	s0 =	sld [smem:$0x3FA2]  }
0x30: {  	s3 =	sld [smem:$0x3FA5]  }
0x31: {  	[smem:$0x3FAE] =	sst s10  }
0x32: {  	s10 =	sld [smem:$0x3FAC];
	_ =	sdelay $0x3  }
0x33: {  	p0 =	seq.s32 s10, $0x1;
	s10 =	sld [smem:$0x3FAE];
	_ =	sdelay $0x3  }
0x34: {  	[smem:$0x3FAE] =	sst s10  }
0x35: {  	s10 =	sld [smem:$0x3FAD];
	_ =	sdelay $0x3  }
0x36: {  	p1 =	seq.s32 s10, $0x1;
	s10 =	sld [smem:$0x3FAE];
	_ =	sdelay $0x3  }
0x37: {  	[smem:$0x3FAE] =	sst s10  }
0x38: {  	s10 =	sld [smem:$0x3FAF]  }
0x39: {  	_ = 	snop;
	(pc) =	sbr.ind lr, $3  }
0x3a: {  	_ = 	snop  }
0x3b: {  	_ = 	snop  }
0x3c: {  	p2 =	seq.s32 s10, $0x1;
	s10 =	sld [smem:$0x3FAE]  }
0x3d: {  	_ =	shalt  }
0x3e: {  	_ =	shalt  }
0x3f: {  	_ =	shalt  }
0x40: {  	_ =	shalt  }
0x41: {  	_ =	shalt  }
0x42: {  	_ =	shalt  }
0x43: {  	_ =	shalt  }
0x44: {  	_ =	shalt  }
0x45: {  	_ =	shalt  }
0x46: {  	_ =	shalt  }
0x47: {  	_ =	shalt  }
0x48: {  	_ =	shalt  }
0x49: {  	_ =	shalt  }
0x4a: {  	_ =	shalt  }
0x4b: {  	_ =	shalt  }
0x4c: {  	_ =	shalt  }
0x4d: {  	_ =	shalt  }
0x4e: {  	_ =	shalt  }
0x4f: {  	_ =	shalt  }
0x50: {  	_ =	shalt  }
0x51: {  	_ =	shalt  }
0x52: {  	_ =	shalt  }
0x53: {  	_ =	shalt  }
0x54: {  	_ =	shalt  }
0x55: {  	_ =	shalt  }
0x56: {  	_ =	shalt  }
0x57: {  	_ =	shalt  }
0x58: {  	_ =	shalt  }
0x59: {  	_ =	shalt  }
0x5a: {  	_ =	shalt  }
0x5b: {  	_ =	shalt  }
0x5c: {  	_ =	shalt  }
0x5d: {  	_ =	shalt  }
0x5e: {  	_ =	shalt  }
0x5f: {  	_ =	shalt  }
0x60: {  	_ =	shalt  }
0x61: {  	_ =	shalt  }
0x62: {  	_ =	shalt  }
0x63: {  	_ =	shalt  }
0x64: {  	_ =	shalt  }
0x65: {  	_ =	shalt  }
0x66: {  	_ =	shalt  }
0x67: {  	_ =	shalt  }
0x68: {  	_ =	shalt  }
0x69: {  	_ =	shalt  }
0x6a: {  	_ =	shalt  }
0x6b: {  	_ =	shalt  }
0x6c: {  	_ =	shalt  }
0x6d: {  	_ =	shalt  }
0x6e: {  	_ =	shalt  }
0x6f: {  	_ =	shalt  }
0x70: {  	_ =	shalt  }
0x71: {  	_ =	shalt  }
0x72: {  	_ =	shalt  }
0x73: {  	_ =	shalt  }
0x74: {  	_ =	shalt  }
0x75: {  	_ =	shalt  }
0x76: {  	_ =	shalt  }
0x77: {  	_ =	shalt  }
0x78: {  	_ =	shalt  }
0x79: {  	_ =	shalt  }
0x7a: {  	_ =	shalt  }
0x7b: {  	_ =	shalt  }
0x7c: {  	_ =	shalt  }
0x7d: {  	_ =	shalt  }
0x7e: {  	_ =	shalt  }
0x7f: {  	_ =	shalt  }
0x80: {  	_ =	shalt  }
0x81: {  	_ =	shalt  }
0x82: {  	_ =	shalt  }
0x83: {  	_ =	shalt  }
0x84: {  	_ =	shalt  }
0x85: {  	_ =	shalt  }
0x86: {  	_ =	shalt  }
0x87: {  	_ =	shalt  }
.Lfunc_end0:
.L_simem_size_0:
called_computation.2_lowered:
.L_overlay_start_0:
0x88: {  	s2 =	sld [smem:$0x3FD9]  }
0x89: {  	s3 =	sld [smem:$0x3FFE];
	_ =	sdelay $0x1  }
0x8a: {  	s1 =	srdreg.scid  }
0x8b: {  	s0 =	sand.u32 $0x1, s1  }
0x8c: {  	s17 =	sshll.u32 s0, $0xA;
	s2 =	sadd.s32 s3, s2  }
0x8d: {  	s2 =	sadd.s32 s2, s17  }
0x8e: {  	[smem:$0x3FBA] =	sst s2  }
0x8f: {  	_ = 	snop  }
0x90: {  	s2 =	sld [smem:$0x3FD0];
	(tm) =	ssettm $0x1  }
0x91: {  	s18 =	sld [smem:$0x3FFB];
	_ =	sdelay $0x3  }
0x92: {  	_ =	strace s18  }
0x93: {  	s3 =	sld [smem:$0x3FFC];
	_ =	sdelay $0x3  }
0x94: {  	_ =	strace s3  }
0x95: {  	s3 =	sld [smem:$0x3FFD];
	_ =	sdelay $0x3  }
0x96: {  	_ =	strace s3  }
0x97: {  	_ =	strace $0x8FFFFFFF  }
0x98: {  	s19 =	sld [smem:$0x3FDB];
	_ =	sdelay $0x1  }
0x99: {  	s4 =	simm.s32 $_scs_section_size  }
0x9a: {  	s5 =	simm.s32 $_size__tile_overlayer_lowered;
	s6 =	simm.s32 $_tile_overlayer_lowered  }
0x9b: {  	s22 =	simm.s32 $0x1BFF;
	s21 =	sshll.u32 s6, $0x1;
	s3 =	sadd.s32 s4, s19  }
0x9c: {  	s7 =	simm.s32 $0x0;
	s20 =	sshll.u32 s5, $0x1;
	s5 =	sadd.s32 s21, s3  }
0x9d: {  	[timem:s7], [sflag:s22] =	dma.local [hbm:s5], s20  }
0x9e: {  	_ =	swait.ge [sflag:s22], s20  }
0x9f: {  	s4 =	ssub.s32 $0x0, s20;
	[sflag:s22] =	ssyncset.done $0x0  }
0xa0: {  	[sflag:s22] =	ssyncadd.s32 s4;
	_ =	sdelay $0x1  }
0xa1: {  	s23 =	simm.s32 $0x1B8B  }
0xa2: {  	_ =	swait.ge [sflag:s23], $0x1  }
0xa3: {  	[sflag:s23] =	ssyncset.done $0x0  }
0xa4: {  	s25 =	simm.s32 $0x1B8E;
	s24 =	sld [smem:$0x3FFE];
	[sflag:s23] =	ssyncadd.s32 $0xFFFFFFFF  }
0xa5: {  	s26 =	simm.s32 $execute0_lowered;
	[smem:$0x3FD2] =	sst s25  }
0xa6: {  	s5 =	sshll.u32 s26, $0x1;
	_ =	strace $0x8000004C;
	[dreg:$0x1] =	wrdreg $0xFFFFFFFF  }
0xa7: {  	s28 =	simm.s32 $_size_execute0_lowered;
	s3 =	sadd.s32 s3, s5;
	[dreg:$0x0] =	wrdreg $0x0  }
0xa8: {  	s5 =	sshll.u32 s28, $0x1;
	[dreg:$0x2] =	wrdreg s3  }
0xa9: {  	[dreg:$0x3] =	wrdreg s5  }
0xaa: {  	[dreg:$0x4] =	wrdreg $0xC0  }
0xab: {  	_ =	task [dreg:s7], $0x5FFFF  }
0xac: {  	[dreg:$0x1] =	wrdreg $0xFFFFFFFF  }
0xad: {  	[dreg:$0x0] =	wrdreg $0x60  }
0xae: {  	[dreg:$0x2] =	wrdreg s24  }
0xaf: {  	[dreg:$0x3] =	wrdreg s2  }
0xb0: {  	[dreg:$0x4] =	wrdreg $0x11D000  }
0xb1: {  	[dreg:$0x5] =	wrdreg $0x9  }
0xb2: {  	_ =	task.clear_ibuf [dreg:s7], $0x6FFFF;
	_ =	strace $0x9000004C  }
0xb3: {  	s29 =	simm.s32 $0x9;
	_ =	strace $0x8000004E  }
0xb4: {  	_ =	swait.ge [sflag:s29], $0x1  }
0xb5: {  	[sflag:s29] =	ssyncadd.s32 $0xFFFFFFFF  }
0xb6: {  	_ =	strace $0x9000004E  }
0xb7: {  	_ =	sfence  }
0xb8: {  	s30 =	sld [smem:$0x0];
	_ =	sdelay $0x2  }
0xb9: {  	s31 =	sshll.u32 s1, $0xD;
	s1 =	sshrl.u32 s1, $0x2  }
0xba: {  	s3 =	sand.u32 $0x4000, s31;
	s1 =	sadd.s32 s1, s30  }
0xbb: {  	s0 =	sor.u32 s3, s0;
	s1 =	sshll.u32 s1, $0x11  }
0xbc: {  	s0 =	sor.u32 s1, s0  }
0xbd: {  	s0 =	sadd.s32 $0x8F2B, s0  }
0xbe: {  	[sflag:s0] =	ssyncadd.remote.s32 $0x1  }
0xbf: {  	_ =	sfence.sel $0xFFFF  }
0xc0: {  	[dreg:$0x0] =	wrdreg $0xFFFFFFFF;
	(pc) =	sbr.abs _section_cstart, $3  }
0xc1: {  	[dreg:$0x1] =	wrdreg $0xFFFFFFFF  }
0xc2: {  	_ =	task.clear_ibuf [dreg:s7], $0x2FFFF;
	_ =	strace $0x9FFFFFFF  }
0xc3: {  	(tm) =	ssettm $0x7FFFFFFF  }
tec
execute0_lowered:
.L_overlay_start_1:
0x0: {  	(tag) =	ssettag $0x1  }
0x1: {  	s0 =	rddreg [dreg:$0x0]  }
0x2: {  	s1 =	rddreg [dreg:$0x1];
	s11 =	stileid.u32  }
0x3: {  	s3 =	srdreg.scid;
	s2 =	rddreg [dreg:$0x2];
	s14 =	simm.s32 $0x7D  }
0x4: {  	s15 =	simm.s32 $0xA000;
	s17 =	simm.s32 $0xBF40;
	s19 =	simm.s32 $0xDE80  }
0x5: {  	s20 =	simm.s32 $0x1;
	s28 =	simm.s32 $0x6;
	s29 =	simm.s32 $0x4  }
0x6: {  	s30 =	simm.s32 $0x7;
	s31 =	simm.s32 $0x8;
	s4 =	smul.u32 $0xA00, s11  }
0x7: {  	s16 =	simm.s32 $0x10;
	s18 =	simm.s32 $0x0;
	s7 =	smul.u32 $0x13C00, s11  }
0x8: {  	s5 =	sand.u32 $0x1, s3;
	s3 =	simm.s32 $0x0;
	s24 =	smul.u32 $0x9E00, s11  }
0x9: {  	s26 =	sshll.u32 s11, $0x6;
	s11 =	simm.s32 $0x5000;
	s6 =	smul.u32 $0x13C00, s5  }
0xa: {  	[smem:$0x7FF] =	sst s3;
	s22 =	sshll.u32 s5, $0x6;
	s5 =	ssub.s32 $0x2, s5  }
0xb: {  	s12 =	sor.u32 $0x1C09, s26;
	s26 =	simm.s32 $0x3;
	_ =	strace $0x8000004D  }
0xc: {  	s8 =	sadd.s32 s4, s0;
	s4 =	sor.u32 s22, s7;
	s23 =	sshrl.u32 s5, $0x1  }
0xd: {  	s13 =	sadd.s32 s24, s2;
	s25 =	sshrl.u32 s24, $0x3;
	s22 =	simm.s32 $0xFDC0  }
0xe: {  	s9 =	sadd.s32 s6, s0;
	s4 =	sshrl.u32 s4, $0x3;
	s10 =	ssub.s32 s5, s23  }
0xf: {  	s5 =	sadd.s32 $0x12E00, s8;
	s6 =	sadd.s32 s1, s25;
	s13 =	sshrl.u32 s13, $0x3  }
0x10: {  	s23 =	simm.s32 $0x2;
	s25 =	simm.s32 $0x5;
	s0 =	sadd.s32 s4, s0  }
0x11: {  	s4 =	sadd.s32 $0x1CE00, s8;
	s7 =	sadd.s32 $0x9D600, s9;
	s9 =	smax.u32 s10, $0x1  }
0x12: {  	s10 =	simm.s32 $0x9;
	s8 =	sadd.s32 $0xC4E00, s0;
	s0 =	simm.s32 $0x9F80  }
.LBB2_1:
0x13: {  	[tilespmem:s3], [sflag:$0x9] =	stream.linear.gather [hbm4b:s4+s3], $0x5000, $0x38;
	[tilespmem:$0x1BB00] =	vst v63  }
0x14: {  	_ =	swait.ge [sflag:s10], $0x5000  }
0x15: {  	[sflag:s10] =	ssyncset.done $0x0  }
0x16: {  	[sflag:s10] =	ssyncadd.s32 $0xFFFFB000  }
0x17: {  	[tilespmem:s11], [sflag:$0x9] =	stream.linear.gather [hbm4b:s5+s3], $0x5000, $0x38;
	[tilespmem:$0x1BB00] =	vst v63  }
0x18: {  	_ =	swait.ge [sflag:s10], $0x5000  }
0x19: {  	[sflag:s10] =	ssyncset.done $0x0  }
0x1a: {  	[sflag:s10] =	ssyncadd.s32 $0xFFFFB000  }
0x1b: {  	[spmem:s13], [sflag:s12] =	dma.local [hbm:s6], $0x13C0  }
0x1c: {  	_ =	swait.ge [sflag:s10], $0x13C0  }
0x1d: {  	[sflag:s10] =	ssyncset.done $0x0  }
0x1e: {  	[sflag:s10] =	ssyncadd.s32 $0xFFFFEC40  }
0x1f: {  	[bflag:$0x0] =	sbarrier.arrive $0xFFFF  }
0x20: {  	[tilespmem:s15], [sflag:$0x1] =	stream.indirect.gather [hbm4b:s7+s14], $0x40, s3, s14, $0xb8;
	[tilespmem:$0x1BB00] =	vst v63  }
0x21: {  	s1 =	simm.s32 $0x80  }
0x22: {  	[tilespmem:s17], [sflag:$0x2] =	stream.indirect.gather [hbm4b:s7+s14], $0x40, s1, s14, $0xb8;
	[tilespmem:$0x1BB00] =	vst v63  }
0x23: {  	s24 =	simm.s32 $0x100  }
0x24: {  	[tilespmem:s19], [sflag:$0x3] =	stream.indirect.gather [hbm4b:s7+s14], $0x40, s24, s14, $0xb8;
	[tilespmem:$0x1BB00] =	vst v63  }
0x25: {  	_ =	swait.ge [sflag:s20], $0x1F40  }
0x26: {  	[sflag:s20] =	ssyncset.done $0x0  }
0x27: {  	[sflag:s20] =	ssyncadd.s32 $0xFFFFE0C0  }
0x28: {  	[spmem:s2] =	stream.indirect.scatter.add.f32 [tilespmem:s15], [sflag:$0x5], $0x40, s11, s14, $0xb8;
	[tilespmem:$0x1BB00] =	vst v63  }
0x29: {  	s21 =	simm.s32 $0x180  }
0x2a: {  	[tilespmem:s22], [sflag:$0x4] =	stream.indirect.gather [hbm4b:s7+s14], $0x40, s21, s14, $0xb8;
	[tilespmem:$0x1BB00] =	vst v63  }
0x2b: {  	_ =	swait.ge [sflag:s23], $0x1F40  }
0x2c: {  	[sflag:s23] =	ssyncset.done $0x0  }
0x2d: {  	s24 =	simm.s32 $0x5080;
	[sflag:s23] =	ssyncadd.s32 $0xFFFFE0C0  }
0x2e: {  	[spmem:s2] =	stream.indirect.scatter.add.f32 [tilespmem:s17], [sflag:$0x6], $0x40, s24, s14, $0xb8;
	[tilespmem:$0x1BB00] =	vst v63  }
0x2f: {  	_ =	swait.ge [sflag:s25], $0x1F40  }
0x30: {  	[sflag:s25] =	ssyncset.done $0x0  }
0x31: {  	s21 =	simm.s32 $0x200;
	[sflag:s25] =	ssyncadd.s32 $0xFFFFE0C0  }
0x32: {  	[tilespmem:s15], [sflag:$0x1] =	stream.indirect.gather [hbm4b:s7+s14], $0x40, s21, s14, $0xb8;
	[tilespmem:$0x1BB00] =	vst v63  }
0x33: {  	_ =	swait.ge [sflag:s26], $0x1F40  }
0x34: {  	[sflag:s26] =	ssyncset.done $0x0  }
0x35: {  	s1 =	simm.s32 $0x5100;
	[sflag:s26] =	ssyncadd.s32 $0xFFFFE0C0  }
0x36: {  	[spmem:s2] =	stream.indirect.scatter.add.f32 [tilespmem:s19], [sflag:$0x7], $0x40, s1, s14, $0xb8;
	[tilespmem:$0x1BB00] =	vst v63  }
0x37: {  	_ =	swait.ge [sflag:s28], $0x1F40  }
0x38: {  	[sflag:s28] =	ssyncset.done $0x0  }
0x39: {  	s24 =	simm.s32 $0x280;
	[sflag:s28] =	ssyncadd.s32 $0xFFFFE0C0  }
0x3a: {  	[tilespmem:s17], [sflag:$0x2] =	stream.indirect.gather [hbm4b:s7+s14], $0x40, s24, s14, $0xb8;
	[tilespmem:$0x1BB00] =	vst v63  }
0x3b: {  	_ =	swait.ge [sflag:s29], $0x1F40  }
0x3c: {  	[sflag:s29] =	ssyncset.done $0x0  }
0x3d: {  	s1 =	simm.s32 $0x5180;
	[sflag:s29] =	ssyncadd.s32 $0xFFFFE0C0  }
0x3e: {  	[spmem:s2] =	stream.indirect.scatter.add.f32 [tilespmem:s22], [sflag:$0x8], $0x40, s1, s14, $0xb8;
	[tilespmem:$0x1BB00] =	vst v63  }
0x3f: {  	_ =	swait.ge [sflag:s30], $0x1F40  }
0x40: {  	[sflag:s30] =	ssyncset.done $0x0  }
0x41: {  	s24 =	simm.s32 $0x300;
	[sflag:s30] =	ssyncadd.s32 $0xFFFFE0C0  }
0x42: {  	[tilespmem:s19], [sflag:$0x3] =	stream.indirect.gather [hbm4b:s7+s14], $0x40, s24, s14, $0xb8;
	[tilespmem:$0x1BB00] =	vst v63  }
0x43: {  	_ =	swait.ge [sflag:s20], $0x1F40  }
0x44: {  	[sflag:s20] =	ssyncset.done $0x0  }
0x45: {  	s1 =	simm.s32 $0x5200;
	[sflag:s20] =	ssyncadd.s32 $0xFFFFE0C0  }
0x46: {  	[spmem:s2] =	stream.indirect.scatter.add.f32 [tilespmem:s15], [sflag:$0x5], $0x40, s1, s14, $0xb8;
	[tilespmem:$0x1BB00] =	vst v63  }
0x47: {  	_ =	swait.ge [sflag:s31], $0x1F40  }
0x48: {  	[sflag:s31] =	ssyncset.done $0x0  }
0x49: {  	s24 =	simm.s32 $0x380;
	[sflag:s31] =	ssyncadd.s32 $0xFFFFE0C0  }
0x4a: {  	[tilespmem:s22], [sflag:$0x4] =	stream.indirect.gather [hbm4b:s7+s14], $0x40, s24, s14, $0xb8;
	[tilespmem:$0x1BB00] =	vst v63  }
0x4b: {  	_ =	swait.ge [sflag:s23], $0x1F40  }
0x4c: {  	[sflag:s23] =	ssyncset.done $0x0  }
0x4d: {  	s21 =	simm.s32 $0x800;
	s24 =	simm.s32 $0x5280;
	[sflag:s23] =	ssyncadd.s32 $0xFFFFE0C0  }
.LBB2_2:
0x4e: {  	[spmem:s2] =	stream.indirect.scatter.add.f32 [tilespmem:s17], [sflag:$0x6], $0x40, s24, s14, $0xb8;
	[tilespmem:$0x1BB00] =	vst v63  }
0x4f: {  	s24 =	smov.u32 s21  }
0x50: {  	p0 =	sne.s32 s21, $0x13000;
	s21 =	sadd.s32 $0x800, s21;
	_ =	swait.ge [sflag:s25], $0x1F40  }
0x51: {  	s24 =	sshra.s32 s24, $0x2;
	[sflag:s25] =	ssyncset.done $0x0  }
0x52: {  	s1 =	sadd.s32 $0x200, s24;
	[sflag:s25] =	ssyncadd.s32 $0xFFFFE0C0  }
0x53: {  	[tilespmem:s15], [sflag:$0x1] =	stream.indirect.gather [hbm4b:s7+s14], $0x40, s1, s14, $0xb8;
	[tilespmem:$0x1BB00] =	vst v63  }
0x54: {  	_ =	swait.ge [sflag:s26], $0x1F40  }
0x55: {  	[sflag:s26] =	ssyncset.done $0x0  }
0x56: {  	s1 =	sadd.s32 $0x5100, s24;
	[sflag:s26] =	ssyncadd.s32 $0xFFFFE0C0  }
0x57: {  	[spmem:s2] =	stream.indirect.scatter.add.f32 [tilespmem:s19], [sflag:$0x7], $0x40, s1, s14, $0xb8;
	[tilespmem:$0x1BB00] =	vst v63  }
0x58: {  	_ =	swait.ge [sflag:s28], $0x1F40  }
0x59: {  	[sflag:s28] =	ssyncset.done $0x0  }
0x5a: {  	s1 =	sadd.s32 $0x280, s24;
	[sflag:s28] =	ssyncadd.s32 $0xFFFFE0C0  }
0x5b: {  	[tilespmem:s17], [sflag:$0x2] =	stream.indirect.gather [hbm4b:s7+s14], $0x40, s1, s14, $0xb8;
	[tilespmem:$0x1BB00] =	vst v63  }
0x5c: {  	_ =	swait.ge [sflag:s29], $0x1F40  }
0x5d: {  	[sflag:s29] =	ssyncset.done $0x0  }
0x5e: {  	s1 =	sadd.s32 $0x5180, s24;
	[sflag:s29] =	ssyncadd.s32 $0xFFFFE0C0  }
0x5f: {  	[spmem:s2] =	stream.indirect.scatter.add.f32 [tilespmem:s22], [sflag:$0x8], $0x40, s1, s14, $0xb8;
	[tilespmem:$0x1BB00] =	vst v63  }
0x60: {  	_ =	swait.ge [sflag:s30], $0x1F40  }
0x61: {  	[sflag:s30] =	ssyncset.done $0x0  }
0x62: {  	s1 =	sadd.s32 $0x300, s24;
	[sflag:s30] =	ssyncadd.s32 $0xFFFFE0C0  }
0x63: {  	[tilespmem:s19], [sflag:$0x3] =	stream.indirect.gather [hbm4b:s7+s14], $0x40, s1, s14, $0xb8;
	[tilespmem:$0x1BB00] =	vst v63  }
0x64: {  	_ =	swait.ge [sflag:s20], $0x1F40  }
0x65: {  	[sflag:s20] =	ssyncset.done $0x0  }
0x66: {  	s1 =	sadd.s32 $0x5200, s24;
	[sflag:s20] =	ssyncadd.s32 $0xFFFFE0C0  }
0x67: {  	[spmem:s2] =	stream.indirect.scatter.add.f32 [tilespmem:s15], [sflag:$0x5], $0x40, s1, s14, $0xb8;
	[tilespmem:$0x1BB00] =	vst v63  }
0x68: {  	_ =	swait.ge [sflag:s31], $0x1F40  }
0x69: {  	[sflag:s31] =	ssyncset.done $0x0  }
.Ltmp0:
0x6a: {  	s1 =	sadd.s32 $0x380, s24;
	[sflag:s31] =	ssyncadd.s32 $0xFFFFE0C0;
	(pc) =	sbr.rel @p0 .LBB2_2-.Ltmp0, $4  }
0x6b: {  	[tilespmem:s22], [sflag:$0x4] =	stream.indirect.gather [hbm4b:s7+s14], $0x40, s1, s14, $0xb8;
	[tilespmem:$0x1BB00] =	vst v63  }
0x6c: {  	_ =	swait.ge [sflag:s23], $0x1F40  }
0x6d: {  	[sflag:s23] =	ssyncset.done $0x0  }
0x6e: {  	s24 =	sadd.s32 $0x5280, s24;
	[sflag:s23] =	ssyncadd.s32 $0xFFFFE0C0  }
0x6f: {  	[spmem:s2] =	stream.indirect.scatter.add.f32 [tilespmem:s17], [sflag:$0x6], $0x40, s24, s14, $0xb8;
	[tilespmem:$0x1BB00] =	vst v63  }
0x70: {  	_ =	swait.ge [sflag:s26], $0x1F40  }
0x71: {  	[sflag:s26] =	ssyncset.done $0x0  }
0x72: {  	s1 =	simm.s32 $0x9F00;
	[sflag:s26] =	ssyncadd.s32 $0xFFFFE0C0  }
0x73: {  	[spmem:s2] =	stream.indirect.scatter.add.f32 [tilespmem:s19], [sflag:$0x7], $0x40, s1, s14, $0xb8;
	[tilespmem:$0x1BB00] =	vst v63  }
0x74: {  	_ =	swait.ge [sflag:s29], $0x1F40  }
0x75: {  	[sflag:s29] =	ssyncset.done $0x0  }
0x76: {  	[sflag:s29] =	ssyncadd.s32 $0xFFFFE0C0  }
0x77: {  	[spmem:s2] =	stream.indirect.scatter.add.f32 [tilespmem:s22], [sflag:$0x8], $0x40, s0, s14, $0xb8;
	[tilespmem:$0x1BB00] =	vst v63  }
0x78: {  	_ =	swait.ge [sflag:s25], $0x1F40  }
0x79: {  	[sflag:s25] =	ssyncset.done $0x0  }
0x7a: {  	[sflag:s25] =	ssyncadd.s32 $0xFFFFE0C0  }
0x7b: {  	_ =	swait.ge [sflag:s28], $0x1F40  }
0x7c: {  	[sflag:s28] =	ssyncset.done $0x0  }
0x7d: {  	[sflag:s28] =	ssyncadd.s32 $0xFFFFE0C0  }
0x7e: {  	_ =	swait.ge [sflag:s30], $0x1F40  }
0x7f: {  	[sflag:s30] =	ssyncset.done $0x0  }
0x80: {  	[sflag:s30] =	ssyncadd.s32 $0xFFFFE0C0  }
0x81: {  	_ =	swait.ge [sflag:s31], $0x1F40  }
0x82: {  	s18 =	sadd.s32 $0x1, s18;
	[sflag:s31] =	ssyncset.done $0x0  }
0x83: {  	p0 =	sne.s32 s18, s9;
	[sflag:s31] =	ssyncadd.s32 $0xFFFFE0C0  }
.Ltmp1:
0x84: {  	[bflag:$0x0] =	sbarrier.arrive $0xFFFF;
	(pc) =	sbr.rel @p0 .LBB2_1-.Ltmp1, $4  }
0x85: {  	[hbm:s8@s16], [sflag:s12] =	dma.strided [spmem:s13@s31], $0x13C0, s20, $0x8   }
0x86: {  	_ =	swait.ge [sflag:s10], $0x13C0  }
0x87: {  	[sflag:s10] =	ssyncset.done $0x0  }
0x88: {  	[sflag:s10] =	ssyncadd.s32 $0xFFFFEC40  }
0x89: {  	_ =	sfence.sel $0x180000  }
0x8a: {  	[bflag:$0x0] =	sbarrier.arrive $0xFFFF  }
0x8b: {  	_ =	strace $0x9000004D  }
0x8c: {  	s0 =	stileid.u32;
	[bflag:$0x2] =	sbarrier.arrive $0xFFFF  }
0x8d: {  	p0 =	sne.s32 s0, $0x0;
	s0 =	rddreg [dreg:$0x3]  }
0x8e: {  	s0 =	sadd.s32 @!p0 $0x100000, s0  }
0x8f: {  	[sflag:s0] =	ssyncadd.tile.s32 @!p0 $0x1;
	_ =	shalt  }
.Lfunc_end2:
_tile_overlayer_lowered:
.L_overlay_start_2:
0x90: {  	(tag) =	ssettag $0x2  }
0x91: {  	s0 =	rddreg [dreg:$0x0];
	s2 =	stileid.u32  }
0x92: {  	s1 =	rddreg [dreg:$0x1];
	p0 =	sne.s32 s2, $0x0  }
0x93: {  	s3 =	rddreg [dreg:$0x2];
	[bflag:$0x3] =	sbarrier.arrive $0xFFFF;
	s2 =	simm.s32 @!p0 $0x1C09  }
0x94: {  	[timem:s3], [sflag:s2] =	dma.local @!p0 [hbm:s0], s1  }
0x95: {  	s0 =	simm.s32 @!p0 $0x9  }
0x96: {  	_ =	swait.ge @!p0 [sflag:s0], s1  }
0x97: {  	s1 =	ssub.s32 @!p0 $0x0, s1;
	[sflag:s0] =	ssyncset.done @!p0 $0x0  }
0x98: {  	[sflag:s0] =	ssyncadd.s32 @!p0 s1  }
0x99: {  	[bflag:$0x3] =	sbarrier.arrive $0xFFFF  }
0x9a: {  	_ =	shalt  }

// kernel: kernel.19.cloned.1.call-start
scs
__scs_entry_jumppad:
0x0: {  	(pc) =	sbr.rel $0x88, $3  }
0x1: {  	(tag) =	ssettag $0x0;
	lr =	simm.s32 $0x1  }
0x2: {  	[smem:$0x3F93] =	sst lr;
	_ =	strace $0xD0000000  }
0x3: {  	_ = 	snop  }
0x4: {  	_ = 	snop  }
0x5: {  	_ = 	snop  }
0x6: {  	_ = 	snop  }
0x7: {  	_ = 	snop  }
__scs_overlays_trampoline_lowered:
0x8: {  	[smem:$0x3FA2] =	sst s0  }
0x9: {  	[smem:$0x3FA3] =	sst s1  }
0xa: {  	[smem:$0x3FA4] =	sst s2  }
0xb: {  	[smem:$0x3FA5] =	sst s3  }
0xc: {  	[smem:$0x3FA6] =	sst s4  }
0xd: {  	[smem:$0x3FA7] =	sst s5  }
0xe: {  	[smem:$0x3FA8] =	sst s6  }
0xf: {  	[smem:$0x3FA9] =	sst s7  }
0x10: {  	[smem:$0x3FAA] =	sst s8  }
0x11: {  	[smem:$0x3FAB] =	sst s9;
	s0 =	simm.s32 @!p0 $0x0  }
0x12: {  	s1 =	sld [smem:$0x3F91];
	s0 =	simm.s32 @p0 $0x1  }
0x13: {  	[smem:$0x3FAC] =	sst s0;
	s0 =	simm.s32 @!p1 $0x0  }
0x14: {  	s2 =	sld [smem:$0x3F90];
	s0 =	simm.s32 @p1 $0x1  }
0x15: {  	[smem:$0x3FAD] =	sst s0;
	s0 =	simm.s32 @!p2 $0x0  }
0x16: {  	s3 =	sld [smem:$0x3FDB];
	s0 =	simm.s32 @p2 $0x1  }
0x17: {  	s4 =	simm.s32 $0x1BF5;
	[smem:$0x3FAF] =	sst s0  }
0x18: {  	s0 =	sld [smem:$0x3F92];
	_ =	swait.ge [sflag:s4], $0x0  }
0x19: {  	s7 =	sld [smem:$0x3F93]  }
0x1a: {  	s8 =	sadd.s32 $0xFFFFE003, lr  }
0x1b: {  	s9 =	sadd.s32 $0xFFFFFEF7, lr;
	s5 =	simm.s32 $0xFFFFFFFF;
	p2 =	slt.u32 s8, $0xFFFFF086  }
0x1c: {  	p1 =	slt.u32 s9, $0xF7A;
	s5 =	simm.s32 @!p2 $0x0  }
0x1d: {  	s5 =	simm.s32 @p1 $0x1;
	p0 =	seq.s32 s7, s2  }
0x1e: {  	s7 =	smul.u32 @!p0 $0xF7A, s2;
	p2 =	seq.s32 @!p0 s5, $0x0  }
0x1f: {  	s9 =	smul.u32 $0xF7A, s1;
	s8 =	simm.s32 @!p0 $0x1BF5;
	p2 =	por !p2, p0  }
0x20: {  	[sflag:s8] =	ssyncset.s32 @!p0 $0xFFFFF086;
	s6 =	sadd.s32 @!p0 s3, s7;
	s7 =	simm.s32 @!p0 $0x108  }
0x21: {  	s3 =	sadd.s32 s3, s9;
	s6 =	sadd.s32 @!p0 $0x88, s6;
	s7 =	simm.s32 @p2 $0x1082  }
0x22: {  	[simem:s7], [sflag:s8] =	dma.local @!p0 [hbm:s6], $0xF7A  }
0x23: {  	s9 =	sor.u32 $0xD0000000, s2;
	s6 =	simm.s32 $0x108;
	_ =	swait.ge @!p0 [sflag:s8], $0x0  }
0x24: {  	s3 =	sadd.s32 $0x88, s3;
	s6 =	simm.s32 @!p1 $0x1082;
	[sflag:s4] =	ssyncset.s32 $0xFFFFF086  }
0x25: {  	[simem:s6], [sflag:s4] =	dma.local [hbm:s3], $0xF7A  }
0x26: {  	[smem:$0x3F93] =	sst s1;
	(tag) =	ssettag s2;
	_ =	strace s9  }
0x27: {  	s1 =	sld [smem:$0x3FA3]  }
0x28: {  	s2 =	sld [smem:$0x3FA4]  }
0x29: {  	s4 =	sld [smem:$0x3FA6]  }
0x2a: {  	p0 =	seq.s32 s5, $0x0;
	s5 =	sld [smem:$0x3FA7]  }
0x2b: {  	s6 =	sld [smem:$0x3FA8]  }
0x2c: {  	s7 =	sld [smem:$0x3FA9]  }
0x2d: {  	s3 =	simm.s32 $0x108;
	s8 =	sld [smem:$0x3FAA]  }
0x2e: {  	s3 =	simm.s32 @!p0 $0x1082;
	s9 =	sld [smem:$0x3FAB]  }
0x2f: {  	lr =	sadd.s32 s0, s3;
	s0 =	sld [smem:$0x3FA2]  }
0x30: {  	s3 =	sld [smem:$0x3FA5]  }
0x31: {  	[smem:$0x3FAE] =	sst s10  }
0x32: {  	s10 =	sld [smem:$0x3FAC];
	_ =	sdelay $0x3  }
0x33: {  	p0 =	seq.s32 s10, $0x1;
	s10 =	sld [smem:$0x3FAE];
	_ =	sdelay $0x3  }
0x34: {  	[smem:$0x3FAE] =	sst s10  }
0x35: {  	s10 =	sld [smem:$0x3FAD];
	_ =	sdelay $0x3  }
0x36: {  	p1 =	seq.s32 s10, $0x1;
	s10 =	sld [smem:$0x3FAE];
	_ =	sdelay $0x3  }
0x37: {  	[smem:$0x3FAE] =	sst s10  }
0x38: {  	s10 =	sld [smem:$0x3FAF]  }
0x39: {  	_ = 	snop;
	(pc) =	sbr.ind lr, $3  }
0x3a: {  	_ = 	snop  }
0x3b: {  	_ = 	snop  }
0x3c: {  	p2 =	seq.s32 s10, $0x1;
	s10 =	sld [smem:$0x3FAE]  }
0x3d: {  	_ =	shalt  }
0x3e: {  	_ =	shalt  }
0x3f: {  	_ =	shalt  }
0x40: {  	_ =	shalt  }
0x41: {  	_ =	shalt  }
0x42: {  	_ =	shalt  }
0x43: {  	_ =	shalt  }
0x44: {  	_ =	shalt  }
0x45: {  	_ =	shalt  }
0x46: {  	_ =	shalt  }
0x47: {  	_ =	shalt  }
0x48: {  	_ =	shalt  }
0x49: {  	_ =	shalt  }
0x4a: {  	_ =	shalt  }
0x4b: {  	_ =	shalt  }
0x4c: {  	_ =	shalt  }
0x4d: {  	_ =	shalt  }
0x4e: {  	_ =	shalt  }
0x4f: {  	_ =	shalt  }
0x50: {  	_ =	shalt  }
0x51: {  	_ =	shalt  }
0x52: {  	_ =	shalt  }
0x53: {  	_ =	shalt  }
0x54: {  	_ =	shalt  }
0x55: {  	_ =	shalt  }
0x56: {  	_ =	shalt  }
0x57: {  	_ =	shalt  }
0x58: {  	_ =	shalt  }
0x59: {  	_ =	shalt  }
0x5a: {  	_ =	shalt  }
0x5b: {  	_ =	shalt  }
0x5c: {  	_ =	shalt  }
0x5d: {  	_ =	shalt  }
0x5e: {  	_ =	shalt  }
0x5f: {  	_ =	shalt  }
0x60: {  	_ =	shalt  }
0x61: {  	_ =	shalt  }
0x62: {  	_ =	shalt  }
0x63: {  	_ =	shalt  }
0x64: {  	_ =	shalt  }
0x65: {  	_ =	shalt  }
0x66: {  	_ =	shalt  }
0x67: {  	_ =	shalt  }
0x68: {  	_ =	shalt  }
0x69: {  	_ =	shalt  }
0x6a: {  	_ =	shalt  }
0x6b: {  	_ =	shalt  }
0x6c: {  	_ =	shalt  }
0x6d: {  	_ =	shalt  }
0x6e: {  	_ =	shalt  }
0x6f: {  	_ =	shalt  }
0x70: {  	_ =	shalt  }
0x71: {  	_ =	shalt  }
0x72: {  	_ =	shalt  }
0x73: {  	_ =	shalt  }
0x74: {  	_ =	shalt  }
0x75: {  	_ =	shalt  }
0x76: {  	_ =	shalt  }
0x77: {  	_ =	shalt  }
0x78: {  	_ =	shalt  }
0x79: {  	_ =	shalt  }
0x7a: {  	_ =	shalt  }
0x7b: {  	_ =	shalt  }
0x7c: {  	_ =	shalt  }
0x7d: {  	_ =	shalt  }
0x7e: {  	_ =	shalt  }
0x7f: {  	_ =	shalt  }
0x80: {  	_ =	shalt  }
0x81: {  	_ =	shalt  }
0x82: {  	_ =	shalt  }
0x83: {  	_ =	shalt  }
0x84: {  	_ =	shalt  }
0x85: {  	_ =	shalt  }
0x86: {  	_ =	shalt  }
0x87: {  	_ =	shalt  }
.Lfunc_end0:
.L_simem_size_0:
called_computation.3_lowered:
.L_overlay_start_0:
0x88: {  	s2 =	sld [smem:$0x3FD9]  }
0x89: {  	s3 =	sld [smem:$0x3FFE];
	_ =	sdelay $0x1  }
0x8a: {  	s1 =	srdreg.scid  }
0x8b: {  	s0 =	sand.u32 $0x1, s1  }
0x8c: {  	s17 =	sshll.u32 s0, $0xA;
	s2 =	sadd.s32 s3, s2  }
0x8d: {  	s2 =	sadd.s32 s2, s17  }
0x8e: {  	[smem:$0x3FBA] =	sst s2  }
0x8f: {  	_ = 	snop  }
0x90: {  	s2 =	sld [smem:$0x3FD0];
	(tm) =	ssettm $0x1  }
0x91: {  	s18 =	sld [smem:$0x3FFB];
	_ =	sdelay $0x3  }
0x92: {  	_ =	strace s18  }
0x93: {  	s3 =	sld [smem:$0x3FFC];
	_ =	sdelay $0x3  }
0x94: {  	_ =	strace s3  }
0x95: {  	s3 =	sld [smem:$0x3FFD];
	_ =	sdelay $0x3  }
0x96: {  	_ =	strace s3  }
0x97: {  	_ =	strace $0x8FFFFFFF  }
0x98: {  	s19 =	sld [smem:$0x3FDB];
	_ =	sdelay $0x1  }
0x99: {  	s4 =	simm.s32 $_scs_section_size  }
0x9a: {  	s5 =	simm.s32 $_size__tile_overlayer_lowered;
	s6 =	simm.s32 $_tile_overlayer_lowered  }
0x9b: {  	s22 =	simm.s32 $0x1BFF;
	s21 =	sshll.u32 s6, $0x1;
	s3 =	sadd.s32 s4, s19  }
0x9c: {  	s7 =	simm.s32 $0x0;
	s20 =	sshll.u32 s5, $0x1;
	s5 =	sadd.s32 s21, s3  }
0x9d: {  	[timem:s7], [sflag:s22] =	dma.local [hbm:s5], s20  }
0x9e: {  	_ =	swait.ge [sflag:s22], s20  }
0x9f: {  	s4 =	ssub.s32 $0x0, s20;
	[sflag:s22] =	ssyncset.done $0x0  }
0xa0: {  	[sflag:s22] =	ssyncadd.s32 s4;
	_ =	sdelay $0x1  }
0xa1: {  	s23 =	simm.s32 $0x1B8B  }
0xa2: {  	_ =	swait.ge [sflag:s23], $0x1  }
0xa3: {  	[sflag:s23] =	ssyncset.done $0x0  }
0xa4: {  	s25 =	simm.s32 $0x1B8E;
	s24 =	sld [smem:$0x3FFE];
	[sflag:s23] =	ssyncadd.s32 $0xFFFFFFFF  }
0xa5: {  	s26 =	simm.s32 $execute0_lowered;
	[smem:$0x3FD2] =	sst s25  }
0xa6: {  	s5 =	sshll.u32 s26, $0x1;
	_ =	strace $0x8000004F;
	[dreg:$0x1] =	wrdreg $0xFFFFFFFF  }
0xa7: {  	s28 =	simm.s32 $_size_execute0_lowered;
	s3 =	sadd.s32 s3, s5;
	[dreg:$0x0] =	wrdreg $0x0  }
0xa8: {  	s5 =	sshll.u32 s28, $0x1;
	[dreg:$0x2] =	wrdreg s3  }
0xa9: {  	[dreg:$0x3] =	wrdreg s5  }
0xaa: {  	[dreg:$0x4] =	wrdreg $0xC0  }
0xab: {  	_ =	task [dreg:s7], $0x5FFFF  }
0xac: {  	[dreg:$0x1] =	wrdreg $0xFFFFFFFF  }
0xad: {  	[dreg:$0x0] =	wrdreg $0x60  }
0xae: {  	[dreg:$0x2] =	wrdreg s24  }
0xaf: {  	[dreg:$0x3] =	wrdreg s2  }
0xb0: {  	[dreg:$0x4] =	wrdreg $0x11D000  }
0xb1: {  	[dreg:$0x5] =	wrdreg $0x9  }
0xb2: {  	_ =	task.clear_ibuf [dreg:s7], $0x6FFFF;
	_ =	strace $0x9000004F  }
0xb3: {  	s29 =	simm.s32 $0x9;
	_ =	strace $0x80000051  }
0xb4: {  	_ =	swait.ge [sflag:s29], $0x1  }
0xb5: {  	[sflag:s29] =	ssyncadd.s32 $0xFFFFFFFF  }
0xb6: {  	_ =	strace $0x90000051  }
0xb7: {  	_ =	sfence  }
0xb8: {  	s30 =	sld [smem:$0x0];
	_ =	sdelay $0x2  }
0xb9: {  	s31 =	sshll.u32 s1, $0xD;
	s1 =	sshrl.u32 s1, $0x2  }
0xba: {  	s3 =	sand.u32 $0x4000, s31;
	s1 =	sadd.s32 s1, s30  }
0xbb: {  	s0 =	sor.u32 s3, s0;
	s1 =	sshll.u32 s1, $0x11  }
0xbc: {  	s0 =	sor.u32 s1, s0  }
0xbd: {  	s0 =	sadd.s32 $0x8F2B, s0  }
0xbe: {  	[sflag:s0] =	ssyncadd.remote.s32 $0x1  }
0xbf: {  	_ =	sfence.sel $0xFFFF  }
0xc0: {  	[dreg:$0x0] =	wrdreg $0xFFFFFFFF;
	(pc) =	sbr.abs _section_cstart, $3  }
0xc1: {  	[dreg:$0x1] =	wrdreg $0xFFFFFFFF  }
0xc2: {  	_ =	task.clear_ibuf [dreg:s7], $0x2FFFF;
	_ =	strace $0x9FFFFFFF  }
0xc3: {  	(tm) =	ssettm $0x7FFFFFFF  }
tec
execute0_lowered:
.L_overlay_start_1:
0x0: {  	(tag) =	ssettag $0x1  }
0x1: {  	s0 =	rddreg [dreg:$0x0]  }
0x2: {  	s1 =	rddreg [dreg:$0x1];
	s11 =	stileid.u32  }
0x3: {  	s3 =	srdreg.scid;
	s2 =	rddreg [dreg:$0x2];
	s14 =	simm.s32 $0x7D  }
0x4: {  	s15 =	simm.s32 $0xA000;
	s17 =	simm.s32 $0xBF40;
	s19 =	simm.s32 $0xDE80  }
0x5: {  	s20 =	simm.s32 $0x1;
	s28 =	simm.s32 $0x6;
	s29 =	simm.s32 $0x4  }
0x6: {  	s30 =	simm.s32 $0x7;
	s31 =	simm.s32 $0x8;
	s4 =	smul.u32 $0xA00, s11  }
0x7: {  	s16 =	simm.s32 $0x10;
	s18 =	simm.s32 $0x0;
	s7 =	smul.u32 $0x13C00, s11  }
0x8: {  	s5 =	sand.u32 $0x1, s3;
	s3 =	simm.s32 $0x0;
	s24 =	smul.u32 $0x9E00, s11  }
0x9: {  	s26 =	sshll.u32 s11, $0x6;
	s11 =	simm.s32 $0x5000;
	s6 =	smul.u32 $0x13C00, s5  }
0xa: {  	[smem:$0x7FF] =	sst s3;
	s22 =	sshll.u32 s5, $0x6;
	s5 =	ssub.s32 $0x2, s5  }
0xb: {  	s12 =	sor.u32 $0x1C09, s26;
	s26 =	simm.s32 $0x3;
	_ =	strace $0x80000050  }
0xc: {  	s8 =	sadd.s32 s4, s0;
	s4 =	sor.u32 s22, s7;
	s23 =	sshrl.u32 s5, $0x1  }
0xd: {  	s13 =	sadd.s32 s24, s2;
	s25 =	sshrl.u32 s24, $0x3;
	s22 =	simm.s32 $0xFDC0  }
0xe: {  	s9 =	sadd.s32 s6, s0;
	s4 =	sshrl.u32 s4, $0x3;
	s10 =	ssub.s32 s5, s23  }
0xf: {  	s5 =	sadd.s32 $0x12E00, s8;
	s6 =	sadd.s32 s1, s25;
	s13 =	sshrl.u32 s13, $0x3  }
0x10: {  	s23 =	simm.s32 $0x2;
	s25 =	simm.s32 $0x5;
	s0 =	sadd.s32 s4, s0  }
0x11: {  	s4 =	sadd.s32 $0x1CE00, s8;
	s7 =	sadd.s32 $0x26E00, s9;
	s9 =	smax.u32 s10, $0x1  }
0x12: {  	s10 =	simm.s32 $0x9;
	s8 =	sadd.s32 $0x4E600, s0;
	s0 =	simm.s32 $0x9F80  }
.LBB2_1:
0x13: {  	[tilespmem:s3], [sflag:$0x9] =	stream.linear.gather [hbm4b:s4+s3], $0x5000, $0x38;
	[tilespmem:$0x1BB00] =	vst v63  }
0x14: {  	_ =	swait.ge [sflag:s10], $0x5000  }
0x15: {  	[sflag:s10] =	ssyncset.done $0x0  }
0x16: {  	[sflag:s10] =	ssyncadd.s32 $0xFFFFB000  }
0x17: {  	[tilespmem:s11], [sflag:$0x9] =	stream.linear.gather [hbm4b:s5+s3], $0x5000, $0x38;
	[tilespmem:$0x1BB00] =	vst v63  }
0x18: {  	_ =	swait.ge [sflag:s10], $0x5000  }
0x19: {  	[sflag:s10] =	ssyncset.done $0x0  }
0x1a: {  	[sflag:s10] =	ssyncadd.s32 $0xFFFFB000  }
0x1b: {  	[spmem:s13], [sflag:s12] =	dma.local [hbm:s6], $0x13C0  }
0x1c: {  	_ =	swait.ge [sflag:s10], $0x13C0  }
0x1d: {  	[sflag:s10] =	ssyncset.done $0x0  }
0x1e: {  	[sflag:s10] =	ssyncadd.s32 $0xFFFFEC40  }
0x1f: {  	[bflag:$0x0] =	sbarrier.arrive $0xFFFF  }
0x20: {  	[tilespmem:s15], [sflag:$0x1] =	stream.indirect.gather [hbm4b:s7+s14], $0x40, s3, s14, $0xb8;
	[tilespmem:$0x1BB00] =	vst v63  }
0x21: {  	s1 =	simm.s32 $0x80  }
0x22: {  	[tilespmem:s17], [sflag:$0x2] =	stream.indirect.gather [hbm4b:s7+s14], $0x40, s1, s14, $0xb8;
	[tilespmem:$0x1BB00] =	vst v63  }
0x23: {  	s24 =	simm.s32 $0x100  }
0x24: {  	[tilespmem:s19], [sflag:$0x3] =	stream.indirect.gather [hbm4b:s7+s14], $0x40, s24, s14, $0xb8;
	[tilespmem:$0x1BB00] =	vst v63  }
0x25: {  	_ =	swait.ge [sflag:s20], $0x1F40  }
0x26: {  	[sflag:s20] =	ssyncset.done $0x0  }
0x27: {  	[sflag:s20] =	ssyncadd.s32 $0xFFFFE0C0  }
0x28: {  	[spmem:s2] =	stream.indirect.scatter.add.f32 [tilespmem:s15], [sflag:$0x5], $0x40, s11, s14, $0xb8;
	[tilespmem:$0x1BB00] =	vst v63  }
0x29: {  	s21 =	simm.s32 $0x180  }
0x2a: {  	[tilespmem:s22], [sflag:$0x4] =	stream.indirect.gather [hbm4b:s7+s14], $0x40, s21, s14, $0xb8;
	[tilespmem:$0x1BB00] =	vst v63  }
0x2b: {  	_ =	swait.ge [sflag:s23], $0x1F40  }
0x2c: {  	[sflag:s23] =	ssyncset.done $0x0  }
0x2d: {  	s24 =	simm.s32 $0x5080;
	[sflag:s23] =	ssyncadd.s32 $0xFFFFE0C0  }
0x2e: {  	[spmem:s2] =	stream.indirect.scatter.add.f32 [tilespmem:s17], [sflag:$0x6], $0x40, s24, s14, $0xb8;
	[tilespmem:$0x1BB00] =	vst v63  }
0x2f: {  	_ =	swait.ge [sflag:s25], $0x1F40  }
0x30: {  	[sflag:s25] =	ssyncset.done $0x0  }
0x31: {  	s21 =	simm.s32 $0x200;
	[sflag:s25] =	ssyncadd.s32 $0xFFFFE0C0  }
0x32: {  	[tilespmem:s15], [sflag:$0x1] =	stream.indirect.gather [hbm4b:s7+s14], $0x40, s21, s14, $0xb8;
	[tilespmem:$0x1BB00] =	vst v63  }
0x33: {  	_ =	swait.ge [sflag:s26], $0x1F40  }
0x34: {  	[sflag:s26] =	ssyncset.done $0x0  }
0x35: {  	s1 =	simm.s32 $0x5100;
	[sflag:s26] =	ssyncadd.s32 $0xFFFFE0C0  }
0x36: {  	[spmem:s2] =	stream.indirect.scatter.add.f32 [tilespmem:s19], [sflag:$0x7], $0x40, s1, s14, $0xb8;
	[tilespmem:$0x1BB00] =	vst v63  }
0x37: {  	_ =	swait.ge [sflag:s28], $0x1F40  }
0x38: {  	[sflag:s28] =	ssyncset.done $0x0  }
0x39: {  	s24 =	simm.s32 $0x280;
	[sflag:s28] =	ssyncadd.s32 $0xFFFFE0C0  }
0x3a: {  	[tilespmem:s17], [sflag:$0x2] =	stream.indirect.gather [hbm4b:s7+s14], $0x40, s24, s14, $0xb8;
	[tilespmem:$0x1BB00] =	vst v63  }
0x3b: {  	_ =	swait.ge [sflag:s29], $0x1F40  }
0x3c: {  	[sflag:s29] =	ssyncset.done $0x0  }
0x3d: {  	s1 =	simm.s32 $0x5180;
	[sflag:s29] =	ssyncadd.s32 $0xFFFFE0C0  }
0x3e: {  	[spmem:s2] =	stream.indirect.scatter.add.f32 [tilespmem:s22], [sflag:$0x8], $0x40, s1, s14, $0xb8;
	[tilespmem:$0x1BB00] =	vst v63  }
0x3f: {  	_ =	swait.ge [sflag:s30], $0x1F40  }
0x40: {  	[sflag:s30] =	ssyncset.done $0x0  }
0x41: {  	s24 =	simm.s32 $0x300;
	[sflag:s30] =	ssyncadd.s32 $0xFFFFE0C0  }
0x42: {  	[tilespmem:s19], [sflag:$0x3] =	stream.indirect.gather [hbm4b:s7+s14], $0x40, s24, s14, $0xb8;
	[tilespmem:$0x1BB00] =	vst v63  }
0x43: {  	_ =	swait.ge [sflag:s20], $0x1F40  }
0x44: {  	[sflag:s20] =	ssyncset.done $0x0  }
0x45: {  	s1 =	simm.s32 $0x5200;
	[sflag:s20] =	ssyncadd.s32 $0xFFFFE0C0  }
0x46: {  	[spmem:s2] =	stream.indirect.scatter.add.f32 [tilespmem:s15], [sflag:$0x5], $0x40, s1, s14, $0xb8;
	[tilespmem:$0x1BB00] =	vst v63  }
0x47: {  	_ =	swait.ge [sflag:s31], $0x1F40  }
0x48: {  	[sflag:s31] =	ssyncset.done $0x0  }
0x49: {  	s24 =	simm.s32 $0x380;
	[sflag:s31] =	ssyncadd.s32 $0xFFFFE0C0  }
0x4a: {  	[tilespmem:s22], [sflag:$0x4] =	stream.indirect.gather [hbm4b:s7+s14], $0x40, s24, s14, $0xb8;
	[tilespmem:$0x1BB00] =	vst v63  }
0x4b: {  	_ =	swait.ge [sflag:s23], $0x1F40  }
0x4c: {  	[sflag:s23] =	ssyncset.done $0x0  }
0x4d: {  	s21 =	simm.s32 $0x800;
	s24 =	simm.s32 $0x5280;
	[sflag:s23] =	ssyncadd.s32 $0xFFFFE0C0  }
.LBB2_2:
0x4e: {  	[spmem:s2] =	stream.indirect.scatter.add.f32 [tilespmem:s17], [sflag:$0x6], $0x40, s24, s14, $0xb8;
	[tilespmem:$0x1BB00] =	vst v63  }
0x4f: {  	s24 =	smov.u32 s21  }
0x50: {  	p0 =	sne.s32 s21, $0x13000;
	s21 =	sadd.s32 $0x800, s21;
	_ =	swait.ge [sflag:s25], $0x1F40  }
0x51: {  	s24 =	sshra.s32 s24, $0x2;
	[sflag:s25] =	ssyncset.done $0x0  }
0x52: {  	s1 =	sadd.s32 $0x200, s24;
	[sflag:s25] =	ssyncadd.s32 $0xFFFFE0C0  }
0x53: {  	[tilespmem:s15], [sflag:$0x1] =	stream.indirect.gather [hbm4b:s7+s14], $0x40, s1, s14, $0xb8;
	[tilespmem:$0x1BB00] =	vst v63  }
0x54: {  	_ =	swait.ge [sflag:s26], $0x1F40  }
0x55: {  	[sflag:s26] =	ssyncset.done $0x0  }
0x56: {  	s1 =	sadd.s32 $0x5100, s24;
	[sflag:s26] =	ssyncadd.s32 $0xFFFFE0C0  }
0x57: {  	[spmem:s2] =	stream.indirect.scatter.add.f32 [tilespmem:s19], [sflag:$0x7], $0x40, s1, s14, $0xb8;
	[tilespmem:$0x1BB00] =	vst v63  }
0x58: {  	_ =	swait.ge [sflag:s28], $0x1F40  }
0x59: {  	[sflag:s28] =	ssyncset.done $0x0  }
0x5a: {  	s1 =	sadd.s32 $0x280, s24;
	[sflag:s28] =	ssyncadd.s32 $0xFFFFE0C0  }
0x5b: {  	[tilespmem:s17], [sflag:$0x2] =	stream.indirect.gather [hbm4b:s7+s14], $0x40, s1, s14, $0xb8;
	[tilespmem:$0x1BB00] =	vst v63  }
0x5c: {  	_ =	swait.ge [sflag:s29], $0x1F40  }
0x5d: {  	[sflag:s29] =	ssyncset.done $0x0  }
0x5e: {  	s1 =	sadd.s32 $0x5180, s24;
	[sflag:s29] =	ssyncadd.s32 $0xFFFFE0C0  }
0x5f: {  	[spmem:s2] =	stream.indirect.scatter.add.f32 [tilespmem:s22], [sflag:$0x8], $0x40, s1, s14, $0xb8;
	[tilespmem:$0x1BB00] =	vst v63  }
0x60: {  	_ =	swait.ge [sflag:s30], $0x1F40  }
0x61: {  	[sflag:s30] =	ssyncset.done $0x0  }
0x62: {  	s1 =	sadd.s32 $0x300, s24;
	[sflag:s30] =	ssyncadd.s32 $0xFFFFE0C0  }
0x63: {  	[tilespmem:s19], [sflag:$0x3] =	stream.indirect.gather [hbm4b:s7+s14], $0x40, s1, s14, $0xb8;
	[tilespmem:$0x1BB00] =	vst v63  }
0x64: {  	_ =	swait.ge [sflag:s20], $0x1F40  }
0x65: {  	[sflag:s20] =	ssyncset.done $0x0  }
0x66: {  	s1 =	sadd.s32 $0x5200, s24;
	[sflag:s20] =	ssyncadd.s32 $0xFFFFE0C0  }
0x67: {  	[spmem:s2] =	stream.indirect.scatter.add.f32 [tilespmem:s15], [sflag:$0x5], $0x40, s1, s14, $0xb8;
	[tilespmem:$0x1BB00] =	vst v63  }
0x68: {  	_ =	swait.ge [sflag:s31], $0x1F40  }
0x69: {  	[sflag:s31] =	ssyncset.done $0x0  }
.Ltmp0:
0x6a: {  	s1 =	sadd.s32 $0x380, s24;
	[sflag:s31] =	ssyncadd.s32 $0xFFFFE0C0;
	(pc) =	sbr.rel @p0 .LBB2_2-.Ltmp0, $4  }
0x6b: {  	[tilespmem:s22], [sflag:$0x4] =	stream.indirect.gather [hbm4b:s7+s14], $0x40, s1, s14, $0xb8;
	[tilespmem:$0x1BB00] =	vst v63  }
0x6c: {  	_ =	swait.ge [sflag:s23], $0x1F40  }
0x6d: {  	[sflag:s23] =	ssyncset.done $0x0  }
0x6e: {  	s24 =	sadd.s32 $0x5280, s24;
	[sflag:s23] =	ssyncadd.s32 $0xFFFFE0C0  }
0x6f: {  	[spmem:s2] =	stream.indirect.scatter.add.f32 [tilespmem:s17], [sflag:$0x6], $0x40, s24, s14, $0xb8;
	[tilespmem:$0x1BB00] =	vst v63  }
0x70: {  	_ =	swait.ge [sflag:s26], $0x1F40  }
0x71: {  	[sflag:s26] =	ssyncset.done $0x0  }
0x72: {  	s1 =	simm.s32 $0x9F00;
	[sflag:s26] =	ssyncadd.s32 $0xFFFFE0C0  }
0x73: {  	[spmem:s2] =	stream.indirect.scatter.add.f32 [tilespmem:s19], [sflag:$0x7], $0x40, s1, s14, $0xb8;
	[tilespmem:$0x1BB00] =	vst v63  }
0x74: {  	_ =	swait.ge [sflag:s29], $0x1F40  }
0x75: {  	[sflag:s29] =	ssyncset.done $0x0  }
0x76: {  	[sflag:s29] =	ssyncadd.s32 $0xFFFFE0C0  }
0x77: {  	[spmem:s2] =	stream.indirect.scatter.add.f32 [tilespmem:s22], [sflag:$0x8], $0x40, s0, s14, $0xb8;
	[tilespmem:$0x1BB00] =	vst v63  }
0x78: {  	_ =	swait.ge [sflag:s25], $0x1F40  }
0x79: {  	[sflag:s25] =	ssyncset.done $0x0  }
0x7a: {  	[sflag:s25] =	ssyncadd.s32 $0xFFFFE0C0  }
0x7b: {  	_ =	swait.ge [sflag:s28], $0x1F40  }
0x7c: {  	[sflag:s28] =	ssyncset.done $0x0  }
0x7d: {  	[sflag:s28] =	ssyncadd.s32 $0xFFFFE0C0  }
0x7e: {  	_ =	swait.ge [sflag:s30], $0x1F40  }
0x7f: {  	[sflag:s30] =	ssyncset.done $0x0  }
0x80: {  	[sflag:s30] =	ssyncadd.s32 $0xFFFFE0C0  }
0x81: {  	_ =	swait.ge [sflag:s31], $0x1F40  }
0x82: {  	s18 =	sadd.s32 $0x1, s18;
	[sflag:s31] =	ssyncset.done $0x0  }
0x83: {  	p0 =	sne.s32 s18, s9;
	[sflag:s31] =	ssyncadd.s32 $0xFFFFE0C0  }
.Ltmp1:
0x84: {  	[bflag:$0x0] =	sbarrier.arrive $0xFFFF;
	(pc) =	sbr.rel @p0 .LBB2_1-.Ltmp1, $4  }
0x85: {  	[hbm:s8@s16], [sflag:s12] =	dma.strided [spmem:s13@s31], $0x13C0, s20, $0x8   }
0x86: {  	_ =	swait.ge [sflag:s10], $0x13C0  }
0x87: {  	[sflag:s10] =	ssyncset.done $0x0  }
0x88: {  	[sflag:s10] =	ssyncadd.s32 $0xFFFFEC40  }
0x89: {  	_ =	sfence.sel $0x180000  }
0x8a: {  	[bflag:$0x0] =	sbarrier.arrive $0xFFFF  }
0x8b: {  	_ =	strace $0x90000050  }
0x8c: {  	s0 =	stileid.u32;
	[bflag:$0x2] =	sbarrier.arrive $0xFFFF  }
0x8d: {  	p0 =	sne.s32 s0, $0x0;
	s0 =	rddreg [dreg:$0x3]  }
0x8e: {  	s0 =	sadd.s32 @!p0 $0x100000, s0  }
0x8f: {  	[sflag:s0] =	ssyncadd.tile.s32 @!p0 $0x1;
	_ =	shalt  }
.Lfunc_end2:
_tile_overlayer_lowered:
.L_overlay_start_2:
0x90: {  	(tag) =	ssettag $0x2  }
0x91: {  	s0 =	rddreg [dreg:$0x0];
	s2 =	stileid.u32  }
0x92: {  	s1 =	rddreg [dreg:$0x1];
	p0 =	sne.s32 s2, $0x0  }
0x93: {  	s3 =	rddreg [dreg:$0x2];
	[bflag:$0x3] =	sbarrier.arrive $0xFFFF;
	s2 =	simm.s32 @!p0 $0x1C09  }
0x94: {  	[timem:s3], [sflag:s2] =	dma.local @!p0 [hbm:s0], s1  }
0x95: {  	s0 =	simm.s32 @!p0 $0x9  }
0x96: {  	_ =	swait.ge @!p0 [sflag:s0], s1  }
0x97: {  	s1 =	ssub.s32 @!p0 $0x0, s1;
	[sflag:s0] =	ssyncset.done @!p0 $0x0  }
0x98: {  	[sflag:s0] =	ssyncadd.s32 @!p0 s1  }
0x99: {  	[bflag:$0x3] =	sbarrier.arrive $0xFFFF  }
0x9a: {  	_ =	shalt  }

</sc_bundles>
